<compile_context>
chip_gen: v7x
topology: tpu7x:2x2x1
jax: 0.10.2.dev20260603
libtpu: 0.0.44.dev20260713+nightly
codegen_flags: <defaults>
</compile_context>

<pallas_src>
import jax
import jax.numpy as jnp
from jax import lax
from jax.experimental import pallas as pl
from jax.experimental.pallas import tpu as pltpu
from jax.experimental.pallas import tpu_sc as plsc

N = 10000
E = 320000
D = 128
NP = 10240
RPT = NP // 16
HR = NP // 128
HRT = HR // 16
EPT = E // 16
CE = 80
EPC = E // 2
EPCT = EPC // 16
NCE = EPCT // CE
SB = 2000
CPS = SB // CE
CZ = 32
NCZ = RPT // CZ


def _rsqrt16(d):
    ii = lax.bitcast_convert_type(d, jnp.int32)
    ii = jnp.int32(0x5F3759DF) - (ii >> 1)
    y = lax.bitcast_convert_type(ii, jnp.float32)
    half = jnp.float32(0.5) * d
    y = y * (jnp.float32(1.5) - half * y * y)
    y = y * (jnp.float32(1.5) - half * y * y)
    y = y * (jnp.float32(1.5) - half * y * y)
    return y


def _main_body(x_hbm, src_hbm, dst_hbm, part_hbm, xs_hbm,
               deg_sh, acc_sh, zdeg, iden, dbuf, ibuf, xrow,
               ssrcb, sdstb, sidxa, didxa, sidxb, didxb,
               rowsa, rowsb, abuf, xrowb, abufb,
               sema, semb, ssema, ssemb, semz, semra, semrb, semwa, semwb):
    hist = rowsa
    zacc = abuf
    c = lax.axis_index("c")
    s = lax.axis_index("s")
    f0 = jnp.float32(0.0)

    def fill_zacc(i, _):
        for k in range(D // 16):
            zacc[i, pl.ds(k * 16, 16)] = jnp.full((16,), f0)
        return _
    lax.fori_loop(0, CZ, fill_zacc, None)

    def fill_zdeg(i, _):
        for k in range(D // 16):
            zdeg[i, pl.ds(k * 16, 16)] = jnp.full((16,), f0)
        return _
    lax.fori_loop(0, HRT, fill_zdeg, None)

    def fill_iden(k, _):
        iden[pl.ds(k * 16, 16)] = lax.iota(jnp.int32, 16) + k * 16
        return _
    lax.fori_loop(0, HR // 16, fill_iden, None)

    def fill_hist(i, _):
        for k in range(D // 16):
            hist[i, pl.ds(k * 16, 16)] = jnp.full((16,), f0)
        return _
    lax.fori_loop(0, HR, fill_hist, None)

    pltpu.async_copy(zdeg, deg_sh.at[pl.ds(s * HRT, HRT), :], semz)

    def zero_acc(j, _):
        pltpu.async_copy(zacc, acc_sh.at[pl.ds(s * RPT + j * CZ, CZ), :], semz)
        return _
    lax.fori_loop(0, NCZ, zero_acc, None)
    one16 = jnp.full((16,), jnp.float32(1.0))

    NDB = EPT // SB

    def deg_load(q, bufp, semp):
        pltpu.async_copy(src_hbm.at[pl.ds(s * EPT + q * SB, SB)], bufp, semp)

    def deg_hist(q, bufp, semp):
        pltpu.make_async_copy(src_hbm.at[pl.ds(s * EPT + q * SB, SB)],
                              bufp, semp).wait()

        def deg_step(g, _):
            n = bufp[pl.ds(g * 16, 16)]
            plsc.addupdate_scatter(hist, [n >> 7, n & 127], one16)
            return _
        lax.fori_loop(0, SB // 16, deg_step, None)

    deg_load(0, ssrcb, sema)

    def deg_pair(t, _):
        deg_load(2 * t + 1, sdstb, semb)
        deg_hist(2 * t, ssrcb, sema)

        @pl.when(2 * t + 2 < NDB)
        def _():
            deg_load(2 * t + 2, ssrcb, sema)
        deg_hist(2 * t + 1, sdstb, semb)
        return _
    lax.fori_loop(0, NDB // 2, deg_pair, None)
    pltpu.make_async_copy(zdeg, deg_sh.at[pl.ds(s * HRT, HRT), :], semz).wait()

    def zero_wait(j, _):
        pltpu.make_async_copy(zacc, acc_sh.at[pl.ds(s * RPT + j * CZ, CZ), :],
                              semz).wait()
        return _
    lax.fori_loop(0, NCZ, zero_wait, None)
    plsc.subcore_barrier()
    pltpu.sync_copy(hist, deg_sh.at[iden], add=True)
    plsc.subcore_barrier()

    pltpu.sync_copy(deg_sh.at[pl.ds(s * HRT, HRT), :], dbuf)

    def inv_step(i, _):
        r = i // 8
        k = i % 8
        d = jnp.maximum(dbuf[r, pl.ds(k * 16, 16)], jnp.float32(1.0))
        ibuf[pl.ds(i * 16, 16)] = _rsqrt16(d)
        return _
    lax.fori_loop(0, RPT // 16, inv_step, None)

    def scale_rows(j, bufp):
        def srow(i, _):
            idxv = jnp.zeros((16,), jnp.int32) + (j * CZ + i)
            sc = plsc.load_gather(ibuf, [idxv])
            for k in range(D // 16):
                bufp[i, pl.ds(k * 16, 16)] = bufp[i, pl.ds(k * 16, 16)] * sc
            return _
        lax.fori_loop(0, CZ, srow, None)

    def pre_rd(j, bufp, semp):
        return pltpu.make_async_copy(
            x_hbm.at[pl.ds(s * RPT + j * CZ, CZ), :], bufp, semp)

    def pre_wr(j, bufp, semp):
        return pltpu.make_async_copy(
            bufp, xs_hbm.at[pl.ds(c * NP + s * RPT + j * CZ, CZ), :], semp)

    pltpu.async_copy(x_hbm.at[pl.ds(s * RPT, CZ), :], xrow, semra)

    def pre_pair(t, _):
        j1 = 2 * t
        j2 = 2 * t + 1

        @pl.when(t > 0)
        def _():
            pre_wr(j2 - 2, xrowb, semwb).wait()
        pltpu.async_copy(x_hbm.at[pl.ds(s * RPT + j2 * CZ, CZ), :],
                         xrowb, semrb)
        pre_rd(j1, xrow, semra).wait()
        scale_rows(j1, xrow)
        pltpu.async_copy(xrow,
                         xs_hbm.at[pl.ds(c * NP + s * RPT + j1 * CZ, CZ), :],
                         semwa)

        @pl.when(t < NCZ // 2 - 1)
        def _():
            pre_wr(j1, xrow, semwa).wait()
            pltpu.async_copy(x_hbm.at[pl.ds(s * RPT + (j1 + 2) * CZ, CZ), :],
                             xrow, semra)
        pre_rd(j2, xrowb, semrb).wait()
        scale_rows(j2, xrowb)
        pltpu.async_copy(xrowb,
                         xs_hbm.at[pl.ds(c * NP + s * RPT + j2 * CZ, CZ), :],
                         semwb)
        return _
    lax.fori_loop(0, NCZ // 2, pre_pair, None)
    pre_wr(NCZ - 2, xrow, semwa).wait()
    pre_wr(NCZ - 1, xrowb, semwb).wait()
    plsc.subcore_barrier()

    base = c * NP

    def handle(j, sidxp, didxp, rowsp, semp, ssemp):
        @pl.when(j >= 2)
        def _():
            pltpu.make_async_copy(rowsp, acc_sh.at[didxp], ssemp).wait()

        @pl.when(j % CPS == 0)
        def _():
            e0 = c * EPC + s * EPCT + (j // CPS) * SB
            pltpu.sync_copy(src_hbm.at[pl.ds(e0, SB)], ssrcb)
            pltpu.sync_copy(dst_hbm.at[pl.ds(e0, SB)], sdstb)

        off = (j % CPS) * CE
        for k in range(CE // 16):
            sidxp[pl.ds(k * 16, 16)] = ssrcb[pl.ds(off + k * 16, 16)] + base
            didxp[pl.ds(k * 16, 16)] = sdstb[pl.ds(off + k * 16, 16)]
        pltpu.async_copy(xs_hbm.at[sidxp], rowsp, semp)

    def finish(sidxp, didxp, rowsp, semp, ssemp):
        pltpu.make_async_copy(xs_hbm.at[sidxp], rowsp, semp).wait()
        pltpu.async_copy(rowsp, acc_sh.at[didxp], ssemp, add=True)

    handle(0, sidxa, didxa, rowsa, sema, ssema)

    def edge_pair(t, _):
        handle(2 * t + 1, sidxb, didxb, rowsb, semb, ssemb)
        finish(sidxa, didxa, rowsa, sema, ssema)
        handle(2 * t + 2, sidxa, didxa, rowsa, sema, ssema)
        finish(sidxb, didxb, rowsb, semb, ssemb)
        return _
    lax.fori_loop(0, (NCE - 1) // 2, edge_pair, None)
    if NCE % 2 == 1:
        finish(sidxa, didxa, rowsa, sema, ssema)
    else:
        handle(NCE - 1, sidxb, didxb, rowsb, semb, ssemb)
        finish(sidxa, didxa, rowsa, sema, ssema)
        finish(sidxb, didxb, rowsb, semb, ssemb)
    pltpu.make_async_copy(rowsb, acc_sh.at[didxb], ssemb).wait()
    pltpu.make_async_copy(rowsa, acc_sh.at[didxa], ssema).wait()
    plsc.subcore_barrier()

    def dr_rd(j, bufp, semp):
        return pltpu.make_async_copy(
            acc_sh.at[pl.ds(s * RPT + j * CZ, CZ), :], bufp, semp)

    def dr_wr(j, bufp, semp):
        return pltpu.make_async_copy(
            bufp, part_hbm.at[c, pl.ds(s * RPT + j * CZ, CZ), :], semp)

    def scale_rows2(j, bufp):
        def srow(i, _):
            idxv = jnp.zeros((16,), jnp.int32) + (j * CZ + i)
            sc = plsc.load_gather(ibuf, [idxv])
            for k in range(D // 16):
                bufp[i, pl.ds(k * 16, 16)] = bufp[i, pl.ds(k * 16, 16)] * sc
            return _
        lax.fori_loop(0, CZ, srow, None)

    pltpu.async_copy(acc_sh.at[pl.ds(s * RPT, CZ), :], abuf, semra)

    def dr_pair(t, _):
        j1 = 2 * t
        j2 = 2 * t + 1

        @pl.when(t > 0)
        def _():
            dr_wr(j2 - 2, abufb, semwb).wait()
        pltpu.async_copy(acc_sh.at[pl.ds(s * RPT + j2 * CZ, CZ), :],
                         abufb, semrb)
        dr_rd(j1, abuf, semra).wait()
        scale_rows2(j1, abuf)
        pltpu.async_copy(abuf, part_hbm.at[c, pl.ds(s * RPT + j1 * CZ, CZ), :],
                         semwa)

        @pl.when(t < NCZ // 2 - 1)
        def _():
            dr_wr(j1, abuf, semwa).wait()
            pltpu.async_copy(acc_sh.at[pl.ds(s * RPT + (j1 + 2) * CZ, CZ), :],
                             abuf, semra)
        dr_rd(j2, abufb, semrb).wait()
        scale_rows2(j2, abufb)
        pltpu.async_copy(abufb, part_hbm.at[c, pl.ds(s * RPT + j2 * CZ, CZ), :],
                         semwb)
        return _
    lax.fori_loop(0, NCZ // 2, dr_pair, None)
    dr_wr(NCZ - 2, abuf, semwa).wait()
    dr_wr(NCZ - 1, abufb, semwb).wait()


def _sum_tc_body(p_ref, o_ref):
    o_ref[...] = p_ref[0] + p_ref[1]


@jax.jit
def _gcn_sc(x_pad, src, dst):
    mesh = plsc.VectorSubcoreMesh(core_axis_name="c", subcore_axis_name="s")
    ka = pl.kernel(
        _main_body,
        out_type=(
            jax.ShapeDtypeStruct((2, NP, D), jnp.float32),
            jax.ShapeDtypeStruct((2 * NP, D), jnp.float32),
        ),
        mesh=mesh,
        compiler_params=pltpu.CompilerParams(needs_layout_passes=False),
        scratch_types=[
            pltpu.VMEM_SHARED((HR, D), jnp.float32),
            pltpu.VMEM_SHARED((NP, D), jnp.float32),
            pltpu.VMEM((HRT, D), jnp.float32),
            pltpu.VMEM((HR,), jnp.int32),
            pltpu.VMEM((HRT, D), jnp.float32),
            pltpu.VMEM((RPT,), jnp.float32),
            pltpu.VMEM((CZ, D), jnp.float32),
            pltpu.VMEM((SB,), jnp.int32),
            pltpu.VMEM((SB,), jnp.int32),
            pltpu.VMEM((CE,), jnp.int32),
            pltpu.VMEM((CE,), jnp.int32),
            pltpu.VMEM((CE,), jnp.int32),
            pltpu.VMEM((CE,), jnp.int32),
            pltpu.VMEM((CE, D), jnp.float32),
            pltpu.VMEM((CE, D), jnp.float32),
            pltpu.VMEM((CZ, D), jnp.float32),
            pltpu.VMEM((CZ, D), jnp.float32),
            pltpu.VMEM((CZ, D), jnp.float32),
            pltpu.SemaphoreType.DMA,
            pltpu.SemaphoreType.DMA,
            pltpu.SemaphoreType.DMA,
            pltpu.SemaphoreType.DMA,
            pltpu.SemaphoreType.DMA,
            pltpu.SemaphoreType.DMA,
            pltpu.SemaphoreType.DMA,
            pltpu.SemaphoreType.DMA,
            pltpu.SemaphoreType.DMA,
        ],
    )
    part, _ = ka(x_pad, src, dst)
    return pl.pallas_call(
        _sum_tc_body,
        grid=(N // 400,),
        in_specs=[pl.BlockSpec((2, 400, D), lambda i: (0, i, 0))],
        out_specs=pl.BlockSpec((400, D), lambda i: (i, 0)),
        out_shape=jax.ShapeDtypeStruct((N, D), jnp.float32),
    )(part)


def kernel(x, edge_index):
    src = edge_index[0].astype(jnp.int32)
    dst = edge_index[1].astype(jnp.int32)
    x_pad = jnp.pad(x, ((0, NP - N), (0, 0)))
    return _gcn_sc(x_pad, src, dst)

# --- scband reference (transcript-rebuilt; emitter-appended) ---
"""Pipeline reference for scband-gcnconv-59390807769606 (READ-ONLY COPY).

The authoritative reference and input builder live on the scoring server;
editing this copy changes nothing except your own understanding.
"""

import jax, jax.numpy as jnp
import numpy as np

N_NODES = 10000
N_EDGES = 320000
D_FEAT = 128


def setup_inputs(seed: int = 0) -> dict:
    key = jax.random.key(seed)
    k_x, k_e = jax.random.split(key)
    x = jax.random.normal(k_x, (N_NODES, D_FEAT), dtype=jnp.float32)
    edge_index = jax.random.randint(k_e, (2, N_EDGES), 0, N_NODES, dtype=jnp.int64)
    return {"x": x, "edge_index": edge_index}


def reference(x, edge_index):
    # Faithful JAX translation of the DGL-based GCNConv forward.
    # edge_index[0] = src (u), edge_index[1] = dst (v)
    src = edge_index[0]
    dst = edge_index[1]
    n = x.shape[0]
    # out_degrees: number of edges with each node as source
    degrees = jnp.zeros((n,), dtype=jnp.float32).at[src].add(1.0)
    degrees = jnp.clip(degrees, 1.0)
    # dgl.ops.u_mul_v(graph, degrees, degrees): per-edge deg[src] * deg[dst]
    degree_edge_products = degrees[src] * degrees[dst]
    norm_coefs = 1.0 / degree_edge_products ** 0.5
    # dgl.ops.u_mul_e_sum(graph, x, norm_coefs): per-edge x[src] * coef, summed at dst
    message = jax.ops.segment_sum(x[src] * norm_coefs[:, None], dst, num_segments=n)
    return message

if __name__ == "__main__":
    import jax
    _d = setup_inputs()
    print(jax.jit(kernel)(*tuple(_d.values())))

</pallas_src>

<mosaic_0001>
#map = affine_map<(d0, d1) -> (0, 0)>
#map1 = affine_map<(d0, d1) -> (0)>
#map2 = affine_map<(d0, d1) -> (0, 0, 0)>
module attributes {stable_mosaic.version = 14 : i64} {
  func.func @_main_body(%arg0: i32, %arg1: i32, %arg2: memref<10240x128xf32, #tpu.memory_space<hbm>>, %arg3: memref<320000xi32, #tpu.memory_space<hbm>>, %arg4: memref<320000xi32, #tpu.memory_space<hbm>>, %arg5: memref<2x10240x128xf32, #tpu.memory_space<hbm>>, %arg6: memref<20480x128xf32, #tpu.memory_space<hbm>>, %arg7: memref<80x128xf32, #tpu.memory_space<vmem_shared>>, %arg8: memref<10240x128xf32, #tpu.memory_space<vmem_shared>>, %arg9: memref<5x128xf32, #tpu.memory_space<vmem>>, %arg10: memref<80xi32, #tpu.memory_space<vmem>>, %arg11: memref<5x128xf32, #tpu.memory_space<vmem>>, %arg12: memref<640xf32, #tpu.memory_space<vmem>>, %arg13: memref<32x128xf32, #tpu.memory_space<vmem>>, %arg14: memref<2000xi32, #tpu.memory_space<vmem>>, %arg15: memref<2000xi32, #tpu.memory_space<vmem>>, %arg16: memref<80xi32, #tpu.memory_space<vmem>>, %arg17: memref<80xi32, #tpu.memory_space<vmem>>, %arg18: memref<80xi32, #tpu.memory_space<vmem>>, %arg19: memref<80xi32, #tpu.memory_space<vmem>>, %arg20: memref<80x128xf32, #tpu.memory_space<vmem>>, %arg21: memref<80x128xf32, #tpu.memory_space<vmem>>, %arg22: memref<32x128xf32, #tpu.memory_space<vmem>>, %arg23: memref<32x128xf32, #tpu.memory_space<vmem>>, %arg24: memref<32x128xf32, #tpu.memory_space<vmem>>, %arg25: memref<!tpu.dma_semaphore, #tpu.memory_space<semaphore_mem>>, %arg26: memref<!tpu.dma_semaphore, #tpu.memory_space<semaphore_mem>>, %arg27: memref<!tpu.dma_semaphore, #tpu.memory_space<semaphore_mem>>, %arg28: memref<!tpu.dma_semaphore, #tpu.memory_space<semaphore_mem>>, %arg29: memref<!tpu.dma_semaphore, #tpu.memory_space<semaphore_mem>>, %arg30: memref<!tpu.dma_semaphore, #tpu.memory_space<semaphore_mem>>, %arg31: memref<!tpu.dma_semaphore, #tpu.memory_space<semaphore_mem>>, %arg32: memref<!tpu.dma_semaphore, #tpu.memory_space<semaphore_mem>>, %arg33: memref<!tpu.dma_semaphore, #tpu.memory_space<semaphore_mem>>) attributes {dimension_semantics = [#tpu.dimension_semantics<core_parallel>, #tpu.dimension_semantics<subcore_parallel>], iteration_bounds = array<i64: 2, 16>, scalar_prefetch = 0 : i64, scratch_operands = 27 : i64, tpu.core_type = #tpu.core_type<sc_vector_subcore>, window_params = [{transform_indices = #map}, {transform_indices = #map1}, {transform_indices = #map1}, {transform_indices = #map2}, {transform_indices = #map}]} {
    %scan3A = arith.constant 0.000000e+00 : f32
    %scan3A_0 = arith.constant 0 : i32
    %scan3A_1 = arith.constant 32 : i32
    %scan3A_2 = arith.addi %scan3A_0, %scan3A_1 : i32
    %scan3A_3 = arith.constant 1 : i32
    scf.for %scan3A_203 = %scan3A_0 to %scan3A_2 step %scan3A_3  : i32 {
      %broadcast_in_dim3A_204 = vector.broadcast %scan3A : f32 to vector<16xf32>
      %swap3A_205 = arith.index_cast %scan3A_203 : i32 to index
      %swap3A_206 = arith.constant 0 : index
      %swap3A_207 = tpu.vector_load %arg22[%swap3A_205, %swap3A_206] {strides = array<i32>} : memref<32x128xf32, #tpu.memory_space<vmem>>, vector<16xf32>,
      tpu.vector_store %arg22[%swap3A_205, %swap3A_206], %broadcast_in_dim3A_204 {strides = array<i32>} : memref<32x128xf32, #tpu.memory_space<vmem>>, vector<16xf32>,
      %broadcast_in_dim3A_208 = vector.broadcast %scan3A : f32 to vector<16xf32>
      %swap3A_209 = arith.index_cast %scan3A_203 : i32 to index
      %swap3A_210 = arith.constant 16 : index
      %swap3A_211 = tpu.vector_load %arg22[%swap3A_209, %swap3A_210] {strides = array<i32>} : memref<32x128xf32, #tpu.memory_space<vmem>>, vector<16xf32>,
      tpu.vector_store %arg22[%swap3A_209, %swap3A_210], %broadcast_in_dim3A_208 {strides = array<i32>} : memref<32x128xf32, #tpu.memory_space<vmem>>, vector<16xf32>,
      %broadcast_in_dim3A_212 = vector.broadcast %scan3A : f32 to vector<16xf32>
      %swap3A_213 = arith.index_cast %scan3A_203 : i32 to index
      %swap3A_214 = arith.constant 32 : index
      %swap3A_215 = tpu.vector_load %arg22[%swap3A_213, %swap3A_214] {strides = array<i32>} : memref<32x128xf32, #tpu.memory_space<vmem>>, vector<16xf32>,
      tpu.vector_store %arg22[%swap3A_213, %swap3A_214], %broadcast_in_dim3A_212 {strides = array<i32>} : memref<32x128xf32, #tpu.memory_space<vmem>>, vector<16xf32>,
      %broadcast_in_dim3A_216 = vector.broadcast %scan3A : f32 to vector<16xf32>
      %swap3A_217 = arith.index_cast %scan3A_203 : i32 to index
      %swap3A_218 = arith.constant 48 : index
      %swap3A_219 = tpu.vector_load %arg22[%swap3A_217, %swap3A_218] {strides = array<i32>} : memref<32x128xf32, #tpu.memory_space<vmem>>, vector<16xf32>,
      tpu.vector_store %arg22[%swap3A_217, %swap3A_218], %broadcast_in_dim3A_216 {strides = array<i32>} : memref<32x128xf32, #tpu.memory_space<vmem>>, vector<16xf32>,
      %broadcast_in_dim3A_220 = vector.broadcast %scan3A : f32 to vector<16xf32>
      %swap3A_221 = arith.index_cast %scan3A_203 : i32 to index
      %swap3A_222 = arith.constant 64 : index
      %swap3A_223 = tpu.vector_load %arg22[%swap3A_221, %swap3A_222] {strides = array<i32>} : memref<32x128xf32, #tpu.memory_space<vmem>>, vector<16xf32>,
      tpu.vector_store %arg22[%swap3A_221, %swap3A_222], %broadcast_in_dim3A_220 {strides = array<i32>} : memref<32x128xf32, #tpu.memory_space<vmem>>, vector<16xf32>,
      %broadcast_in_dim3A_224 = vector.broadcast %scan3A : f32 to vector<16xf32>
      %swap3A_225 = arith.index_cast %scan3A_203 : i32 to index
      %swap3A_226 = arith.constant 80 : index
      %swap3A_227 = tpu.vector_load %arg22[%swap3A_225, %swap3A_226] {strides = array<i32>} : memref<32x128xf32, #tpu.memory_space<vmem>>, vector<16xf32>,
      tpu.vector_store %arg22[%swap3A_225, %swap3A_226], %broadcast_in_dim3A_224 {strides = array<i32>} : memref<32x128xf32, #tpu.memory_space<vmem>>, vector<16xf32>,
      %broadcast_in_dim3A_228 = vector.broadcast %scan3A : f32 to vector<16xf32>
      %swap3A_229 = arith.index_cast %scan3A_203 : i32 to index
      %swap3A_230 = arith.constant 96 : index
      %swap3A_231 = tpu.vector_load %arg22[%swap3A_229, %swap3A_230] {strides = array<i32>} : memref<32x128xf32, #tpu.memory_space<vmem>>, vector<16xf32>,
      tpu.vector_store %arg22[%swap3A_229, %swap3A_230], %broadcast_in_dim3A_228 {strides = array<i32>} : memref<32x128xf32, #tpu.memory_space<vmem>>, vector<16xf32>,
      %broadcast_in_dim3A_232 = vector.broadcast %scan3A : f32 to vector<16xf32>
      %swap3A_233 = arith.index_cast %scan3A_203 : i32 to index
      %swap3A_234 = arith.constant 112 : index
      %swap3A_235 = tpu.vector_load %arg22[%swap3A_233, %swap3A_234] {strides = array<i32>} : memref<32x128xf32, #tpu.memory_space<vmem>>, vector<16xf32>,
      tpu.vector_store %arg22[%swap3A_233, %swap3A_234], %broadcast_in_dim3A_232 {strides = array<i32>} : memref<32x128xf32, #tpu.memory_space<vmem>>, vector<16xf32>,
    }
    %scan3A_4 = arith.constant 32 : i32
    %scan3A_5 = arith.constant 0.000000e+00 : f32
    %scan3A_6 = arith.constant 0 : i32
    %scan3A_7 = arith.constant 5 : i32
    %scan3A_8 = arith.addi %scan3A_6, %scan3A_7 : i32
    %scan3A_9 = arith.constant 1 : i32
    scf.for %scan3A_203 = %scan3A_6 to %scan3A_8 step %scan3A_9  : i32 {
      %broadcast_in_dim3A_204 = vector.broadcast %scan3A_5 : f32 to vector<16xf32>
      %swap3A_205 = arith.index_cast %scan3A_203 : i32 to index
      %swap3A_206 = arith.constant 0 : index
      %swap3A_207 = tpu.vector_load %arg9[%swap3A_205, %swap3A_206] {strides = array<i32>} : memref<5x128xf32, #tpu.memory_space<vmem>>, vector<16xf32>,
      tpu.vector_store %arg9[%swap3A_205, %swap3A_206], %broadcast_in_dim3A_204 {strides = array<i32>} : memref<5x128xf32, #tpu.memory_space<vmem>>, vector<16xf32>,
      %broadcast_in_dim3A_208 = vector.broadcast %scan3A_5 : f32 to vector<16xf32>
      %swap3A_209 = arith.index_cast %scan3A_203 : i32 to index
      %swap3A_210 = arith.constant 16 : index
      %swap3A_211 = tpu.vector_load %arg9[%swap3A_209, %swap3A_210] {strides = array<i32>} : memref<5x128xf32, #tpu.memory_space<vmem>>, vector<16xf32>,
      tpu.vector_store %arg9[%swap3A_209, %swap3A_210], %broadcast_in_dim3A_208 {strides = array<i32>} : memref<5x128xf32, #tpu.memory_space<vmem>>, vector<16xf32>,
      %broadcast_in_dim3A_212 = vector.broadcast %scan3A_5 : f32 to vector<16xf32>
      %swap3A_213 = arith.index_cast %scan3A_203 : i32 to index
      %swap3A_214 = arith.constant 32 : index
      %swap3A_215 = tpu.vector_load %arg9[%swap3A_213, %swap3A_214] {strides = array<i32>} : memref<5x128xf32, #tpu.memory_space<vmem>>, vector<16xf32>,
      tpu.vector_store %arg9[%swap3A_213, %swap3A_214], %broadcast_in_dim3A_212 {strides = array<i32>} : memref<5x128xf32, #tpu.memory_space<vmem>>, vector<16xf32>,
      %broadcast_in_dim3A_216 = vector.broadcast %scan3A_5 : f32 to vector<16xf32>
      %swap3A_217 = arith.index_cast %scan3A_203 : i32 to index
      %swap3A_218 = arith.constant 48 : index
      %swap3A_219 = tpu.vector_load %arg9[%swap3A_217, %swap3A_218] {strides = array<i32>} : memref<5x128xf32, #tpu.memory_space<vmem>>, vector<16xf32>,
      tpu.vector_store %arg9[%swap3A_217, %swap3A_218], %broadcast_in_dim3A_216 {strides = array<i32>} : memref<5x128xf32, #tpu.memory_space<vmem>>, vector<16xf32>,
      %broadcast_in_dim3A_220 = vector.broadcast %scan3A_5 : f32 to vector<16xf32>
      %swap3A_221 = arith.index_cast %scan3A_203 : i32 to index
      %swap3A_222 = arith.constant 64 : index
      %swap3A_223 = tpu.vector_load %arg9[%swap3A_221, %swap3A_222] {strides = array<i32>} : memref<5x128xf32, #tpu.memory_space<vmem>>, vector<16xf32>,
      tpu.vector_store %arg9[%swap3A_221, %swap3A_222], %broadcast_in_dim3A_220 {strides = array<i32>} : memref<5x128xf32, #tpu.memory_space<vmem>>, vector<16xf32>,
      %broadcast_in_dim3A_224 = vector.broadcast %scan3A_5 : f32 to vector<16xf32>
      %swap3A_225 = arith.index_cast %scan3A_203 : i32 to index
      %swap3A_226 = arith.constant 80 : index
      %swap3A_227 = tpu.vector_load %arg9[%swap3A_225, %swap3A_226] {strides = array<i32>} : memref<5x128xf32, #tpu.memory_space<vmem>>, vector<16xf32>,
      tpu.vector_store %arg9[%swap3A_225, %swap3A_226], %broadcast_in_dim3A_224 {strides = array<i32>} : memref<5x128xf32, #tpu.memory_space<vmem>>, vector<16xf32>,
      %broadcast_in_dim3A_228 = vector.broadcast %scan3A_5 : f32 to vector<16xf32>
      %swap3A_229 = arith.index_cast %scan3A_203 : i32 to index
      %swap3A_230 = arith.constant 96 : index
      %swap3A_231 = tpu.vector_load %arg9[%swap3A_229, %swap3A_230] {strides = array<i32>} : memref<5x128xf32, #tpu.memory_space<vmem>>, vector<16xf32>,
      tpu.vector_store %arg9[%swap3A_229, %swap3A_230], %broadcast_in_dim3A_228 {strides = array<i32>} : memref<5x128xf32, #tpu.memory_space<vmem>>, vector<16xf32>,
      %broadcast_in_dim3A_232 = vector.broadcast %scan3A_5 : f32 to vector<16xf32>
      %swap3A_233 = arith.index_cast %scan3A_203 : i32 to index
      %swap3A_234 = arith.constant 112 : index
      %swap3A_235 = tpu.vector_load %arg9[%swap3A_233, %swap3A_234] {strides = array<i32>} : memref<5x128xf32, #tpu.memory_space<vmem>>, vector<16xf32>,
      tpu.vector_store %arg9[%swap3A_233, %swap3A_234], %broadcast_in_dim3A_232 {strides = array<i32>} : memref<5x128xf32, #tpu.memory_space<vmem>>, vector<16xf32>,
    }
    %scan3A_10 = arith.constant 5 : i32
    %scan3A_11 = arith.constant 0 : i32
    %scan3A_12 = arith.constant 5 : i32
    %scan3A_13 = arith.addi %scan3A_11, %scan3A_12 : i32
    %scan3A_14 = arith.constant 1 : i32
    scf.for %scan3A_203 = %scan3A_11 to %scan3A_13 step %scan3A_14  : i32 {
      %iota3A = tpu.iota {dimensions = array<i32: 0>} : vector<16xi32>
      %mul3A_204 = arith.constant 16 : i32
      %mul3A_205 = arith.muli %scan3A_203, %mul3A_204 : i32
      %add3A_206 = vector.broadcast %mul3A_205 : i32 to vector<16xi32>
      %add3A_207 = arith.addi %iota3A, %add3A_206 : vector<16xi32>
      %mul3A_208 = arith.constant 16 : i32
      %mul3A_209 = arith.muli %scan3A_203, %mul3A_208 : i32
      %swap3A_210 = arith.index_cast %mul3A_209 : i32 to index
      %swap3A_211 = tpu.vector_load %arg10[%swap3A_210] {strides = array<i32>} : memref<80xi32, #tpu.memory_space<vmem>>, vector<16xi32>,
      tpu.vector_store %arg10[%swap3A_210], %add3A_207 {strides = array<i32>} : memref<80xi32, #tpu.memory_space<vmem>>, vector<16xi32>,
    }
    %scan3A_15 = arith.constant 5 : i32
    %scan3A_16 = arith.constant 0.000000e+00 : f32
    %scan3A_17 = arith.constant 0 : i32
    %scan3A_18 = arith.constant 80 : i32
    %scan3A_19 = arith.addi %scan3A_17, %scan3A_18 : i32
    %scan3A_20 = arith.constant 1 : i32
    scf.for %scan3A_203 = %scan3A_17 to %scan3A_19 step %scan3A_20  : i32 {
      %broadcast_in_dim3A_204 = vector.broadcast %scan3A_16 : f32 to vector<16xf32>
      %swap3A_205 = arith.index_cast %scan3A_203 : i32 to index
      %swap3A_206 = arith.constant 0 : index
      %swap3A_207 = tpu.vector_load %arg20[%swap3A_205, %swap3A_206] {strides = array<i32>} : memref<80x128xf32, #tpu.memory_space<vmem>>, vector<16xf32>,
      tpu.vector_store %arg20[%swap3A_205, %swap3A_206], %broadcast_in_dim3A_204 {strides = array<i32>} : memref<80x128xf32, #tpu.memory_space<vmem>>, vector<16xf32>,
      %broadcast_in_dim3A_208 = vector.broadcast %scan3A_16 : f32 to vector<16xf32>
      %swap3A_209 = arith.index_cast %scan3A_203 : i32 to index
      %swap3A_210 = arith.constant 16 : index
      %swap3A_211 = tpu.vector_load %arg20[%swap3A_209, %swap3A_210] {strides = array<i32>} : memref<80x128xf32, #tpu.memory_space<vmem>>, vector<16xf32>,
      tpu.vector_store %arg20[%swap3A_209, %swap3A_210], %broadcast_in_dim3A_208 {strides = array<i32>} : memref<80x128xf32, #tpu.memory_space<vmem>>, vector<16xf32>,
      %broadcast_in_dim3A_212 = vector.broadcast %scan3A_16 : f32 to vector<16xf32>
      %swap3A_213 = arith.index_cast %scan3A_203 : i32 to index
      %swap3A_214 = arith.constant 32 : index
      %swap3A_215 = tpu.vector_load %arg20[%swap3A_213, %swap3A_214] {strides = array<i32>} : memref<80x128xf32, #tpu.memory_space<vmem>>, vector<16xf32>,
      tpu.vector_store %arg20[%swap3A_213, %swap3A_214], %broadcast_in_dim3A_212 {strides = array<i32>} : memref<80x128xf32, #tpu.memory_space<vmem>>, vector<16xf32>,
      %broadcast_in_dim3A_216 = vector.broadcast %scan3A_16 : f32 to vector<16xf32>
      %swap3A_217 = arith.index_cast %scan3A_203 : i32 to index
      %swap3A_218 = arith.constant 48 : index
      %swap3A_219 = tpu.vector_load %arg20[%swap3A_217, %swap3A_218] {strides = array<i32>} : memref<80x128xf32, #tpu.memory_space<vmem>>, vector<16xf32>,
      tpu.vector_store %arg20[%swap3A_217, %swap3A_218], %broadcast_in_dim3A_216 {strides = array<i32>} : memref<80x128xf32, #tpu.memory_space<vmem>>, vector<16xf32>,
      %broadcast_in_dim3A_220 = vector.broadcast %scan3A_16 : f32 to vector<16xf32>
      %swap3A_221 = arith.index_cast %scan3A_203 : i32 to index
      %swap3A_222 = arith.constant 64 : index
      %swap3A_223 = tpu.vector_load %arg20[%swap3A_221, %swap3A_222] {strides = array<i32>} : memref<80x128xf32, #tpu.memory_space<vmem>>, vector<16xf32>,
      tpu.vector_store %arg20[%swap3A_221, %swap3A_222], %broadcast_in_dim3A_220 {strides = array<i32>} : memref<80x128xf32, #tpu.memory_space<vmem>>, vector<16xf32>,
      %broadcast_in_dim3A_224 = vector.broadcast %scan3A_16 : f32 to vector<16xf32>
      %swap3A_225 = arith.index_cast %scan3A_203 : i32 to index
      %swap3A_226 = arith.constant 80 : index
      %swap3A_227 = tpu.vector_load %arg20[%swap3A_225, %swap3A_226] {strides = array<i32>} : memref<80x128xf32, #tpu.memory_space<vmem>>, vector<16xf32>,
      tpu.vector_store %arg20[%swap3A_225, %swap3A_226], %broadcast_in_dim3A_224 {strides = array<i32>} : memref<80x128xf32, #tpu.memory_space<vmem>>, vector<16xf32>,
      %broadcast_in_dim3A_228 = vector.broadcast %scan3A_16 : f32 to vector<16xf32>
      %swap3A_229 = arith.index_cast %scan3A_203 : i32 to index
      %swap3A_230 = arith.constant 96 : index
      %swap3A_231 = tpu.vector_load %arg20[%swap3A_229, %swap3A_230] {strides = array<i32>} : memref<80x128xf32, #tpu.memory_space<vmem>>, vector<16xf32>,
      tpu.vector_store %arg20[%swap3A_229, %swap3A_230], %broadcast_in_dim3A_228 {strides = array<i32>} : memref<80x128xf32, #tpu.memory_space<vmem>>, vector<16xf32>,
      %broadcast_in_dim3A_232 = vector.broadcast %scan3A_16 : f32 to vector<16xf32>
      %swap3A_233 = arith.index_cast %scan3A_203 : i32 to index
      %swap3A_234 = arith.constant 112 : index
      %swap3A_235 = tpu.vector_load %arg20[%swap3A_233, %swap3A_234] {strides = array<i32>} : memref<80x128xf32, #tpu.memory_space<vmem>>, vector<16xf32>,
      tpu.vector_store %arg20[%swap3A_233, %swap3A_234], %broadcast_in_dim3A_232 {strides = array<i32>} : memref<80x128xf32, #tpu.memory_space<vmem>>, vector<16xf32>,
    }
    %scan3A_21 = arith.constant 80 : i32
    %mul3A = arith.constant 5 : i32
    %mul3A_22 = arith.muli %arg1, %mul3A : i32
    %dma_start3A = arith.constant 0 : i32
    %dma_start3A_23 = tpu.memref_slice %arg7[%mul3A_22, %dma_start3A] : memref<80x128xf32, #tpu.memory_space<vmem_shared>> -> memref<5x128xf32, #tpu.memory_space<vmem_shared>>
    %dma_start3A_24 = arith.constant 0 : i32
    %dma_start3A_25 = tpu.memref_slice %arg7[%mul3A_22, %dma_start3A_24] : memref<80x128xf32, #tpu.memory_space<vmem_shared>> -> memref<5x128xf32, #tpu.memory_space<vmem_shared>>
    tpu.enqueue_dma source(%arg9 : memref<5x128xf32, #tpu.memory_space<vmem>>) target(%dma_start3A_25 : memref<5x128xf32, #tpu.memory_space<vmem_shared>>) target_semaphore(%arg29 : memref<!tpu.dma_semaphore, #tpu.memory_space<semaphore_mem>>)
    %scan3A_26 = arith.constant 0 : i32
    %scan3A_27 = arith.constant 20 : i32
    %scan3A_28 = arith.addi %scan3A_26, %scan3A_27 : i32
    %scan3A_29 = arith.constant 1 : i32
    scf.for %scan3A_203 = %scan3A_26 to %scan3A_28 step %scan3A_29  : i32 {
      %mul3A_204 = arith.constant 640 : i32
      %mul3A_205 = arith.muli %arg1, %mul3A_204 : i32
      %mul3A_206 = arith.constant 32 : i32
      %mul3A_207 = arith.muli %scan3A_203, %mul3A_206 : i32
      %add3A_208 = arith.addi %mul3A_205, %mul3A_207 : i32
      %dma_start3A_209 = arith.constant 0 : i32
      %dma_start3A_210 = tpu.memref_slice %arg8[%add3A_208, %dma_start3A_209] : memref<10240x128xf32, #tpu.memory_space<vmem_shared>> -> memref<32x128xf32, #tpu.memory_space<vmem_shared>>
      %dma_start3A_211 = arith.constant 0 : i32
      %dma_start3A_212 = tpu.memref_slice %arg8[%add3A_208, %dma_start3A_211] : memref<10240x128xf32, #tpu.memory_space<vmem_shared>> -> memref<32x128xf32, #tpu.memory_space<vmem_shared>>
      tpu.enqueue_dma source(%arg22 : memref<32x128xf32, #tpu.memory_space<vmem>>) target(%dma_start3A_212 : memref<32x128xf32, #tpu.memory_space<vmem_shared>>) target_semaphore(%arg29 : memref<!tpu.dma_semaphore, #tpu.memory_space<semaphore_mem>>)
    }
    %scan3A_30 = arith.constant 20 : i32
    %broadcast_in_dim3A = arith.constant 1.000000e+00 : f32
    %broadcast_in_dim3A_31 = vector.broadcast %broadcast_in_dim3A : f32 to vector<16xf32>
    %mul3A_32 = arith.constant 20000 : i32
    %mul3A_33 = arith.muli %arg1, %mul3A_32 : i32
    %add3A = arith.constant 0 : i32
    %add3A_34 = arith.addi %mul3A_33, %add3A : i32
    %dma_start3A_35 = tpu.memref_slice %arg3[%add3A_34] : memref<320000xi32, #tpu.memory_space<hbm>> -> memref<2000xi32, #tpu.memory_space<hbm>>
    %dma_start3A_36 = tpu.memref_slice %arg3[%add3A_34] : memref<320000xi32, #tpu.memory_space<hbm>> -> memref<2000xi32, #tpu.memory_space<hbm>>
    tpu.enqueue_dma source(%dma_start3A_36 : memref<2000xi32, #tpu.memory_space<hbm>>) target(%arg14 : memref<2000xi32, #tpu.memory_space<vmem>>) target_semaphore(%arg25 : memref<!tpu.dma_semaphore, #tpu.memory_space<semaphore_mem>>)
    %scan3A_37 = arith.constant 0 : i32
    %scan3A_38 = arith.constant 5 : i32
    %scan3A_39 = arith.addi %scan3A_37, %scan3A_38 : i32
    %scan3A_40 = arith.constant 1 : i32
    scf.for %scan3A_203 = %scan3A_37 to %scan3A_39 step %scan3A_40  : i32 {
      %mul3A_204 = arith.constant 2 : i32
      %mul3A_205 = arith.muli %mul3A_204, %scan3A_203 : i32
      %add3A_206 = arith.constant 1 : i32
      %add3A_207 = arith.addi %mul3A_205, %add3A_206 : i32
      %mul3A_208 = arith.constant 20000 : i32
      %mul3A_209 = arith.muli %arg1, %mul3A_208 : i32
      %mul3A_210 = arith.constant 2000 : i32
      %mul3A_211 = arith.muli %add3A_207, %mul3A_210 : i32
      %add3A_212 = arith.addi %mul3A_209, %mul3A_211 : i32
      %dma_start3A_213 = tpu.memref_slice %arg3[%add3A_212] : memref<320000xi32, #tpu.memory_space<hbm>> -> memref<2000xi32, #tpu.memory_space<hbm>>
      %dma_start3A_214 = tpu.memref_slice %arg3[%add3A_212] : memref<320000xi32, #tpu.memory_space<hbm>> -> memref<2000xi32, #tpu.memory_space<hbm>>
      tpu.enqueue_dma source(%dma_start3A_214 : memref<2000xi32, #tpu.memory_space<hbm>>) target(%arg15 : memref<2000xi32, #tpu.memory_space<vmem>>) target_semaphore(%arg26 : memref<!tpu.dma_semaphore, #tpu.memory_space<semaphore_mem>>)
      %mul3A_215 = arith.constant 2 : i32
      %mul3A_216 = arith.muli %mul3A_215, %scan3A_203 : i32
      %mul3A_217 = arith.constant 20000 : i32
      %mul3A_218 = arith.muli %arg1, %mul3A_217 : i32
      %mul3A_219 = arith.constant 2000 : i32
      %mul3A_220 = arith.muli %mul3A_216, %mul3A_219 : i32
      %add3A_221 = arith.addi %mul3A_218, %mul3A_220 : i32
      %dma_wait3A_222 = tpu.memref_slice %arg3[%add3A_221] : memref<320000xi32, #tpu.memory_space<hbm>> -> memref<2000xi32, #tpu.memory_space<hbm>>
      %dma_wait3A_223 = tpu.memref_slice %arg3[%add3A_221] : memref<320000xi32, #tpu.memory_space<hbm>> -> memref<2000xi32, #tpu.memory_space<hbm>>
      tpu.wait_dma2 semaphore(%arg25 : memref<!tpu.dma_semaphore, #tpu.memory_space<semaphore_mem>>) src(%dma_wait3A_223 : memref<2000xi32, #tpu.memory_space<hbm>>) dst(%arg14 : memref<2000xi32, #tpu.memory_space<vmem>>)
      %scan3A_224 = arith.constant 0 : i32
      %scan3A_225 = arith.constant 125 : i32
      %scan3A_226 = arith.addi %scan3A_224, %scan3A_225 : i32
      %scan3A_227 = arith.constant 1 : i32
      scf.for %scan3A_251 = %scan3A_224 to %scan3A_226 step %scan3A_227  : i32 {
        %mul3A_252 = arith.constant 16 : i32
        %mul3A_253 = arith.muli %scan3A_251, %mul3A_252 : i32
        %get3A_254 = arith.index_cast %mul3A_253 : i32 to index
        %get3A_255 = tpu.vector_load %arg14[%get3A_254] {strides = array<i32>} : memref<2000xi32, #tpu.memory_space<vmem>>, vector<16xi32>,
        %shift_right_arithmetic3A = arith.constant 7 : i32
        %shift_right_arithmetic3A_256 = vector.broadcast %shift_right_arithmetic3A : i32 to vector<16xi32>
        %shift_right_arithmetic3A_257 = arith.shrsi %get3A_255, %shift_right_arithmetic3A_256 : vector<16xi32>
        %and3A = arith.constant 127 : i32
        %and3A_258 = vector.broadcast %and3A : i32 to vector<16xi32>
        %and3A_259 = arith.andi %get3A_255, %and3A_258 : vector<16xi32>
        tpu.vector_store_idx %arg20[%shift_right_arithmetic3A_257, %and3A_259], %broadcast_in_dim3A_31 {add = true} : memref<80x128xf32, #tpu.memory_space<vmem>>[vector<16xi32>, vector<16xi32>], vector<16xf32>,
      }
      %scan3A_228 = arith.constant 125 : i32
      %mul3A_229 = arith.constant 2 : i32
      %mul3A_230 = arith.muli %mul3A_229, %scan3A_203 : i32
      %add3A_231 = arith.constant 2 : i32
      %add3A_232 = arith.addi %mul3A_230, %add3A_231 : i32
      %lt3A = arith.constant 10 : i32
      %lt3A_233 = arith.cmpi slt, %add3A_232, %lt3A : i32
      %convert_element_type3A = arith.extui %lt3A_233 : i1 to i32
      %cond3A = arith.constant 0 : i32
      %cond3A_234 = arith.cmpi ne, %convert_element_type3A, %cond3A : i32
      scf.if %cond3A_234 {
        %mul3A_251 = arith.constant 2 : i32
        %mul3A_252 = arith.muli %mul3A_251, %scan3A_203 : i32
        %add3A_253 = arith.constant 2 : i32
        %add3A_254 = arith.addi %mul3A_252, %add3A_253 : i32
        %mul3A_255 = arith.constant 20000 : i32
        %mul3A_256 = arith.muli %arg1, %mul3A_255 : i32
        %mul3A_257 = arith.constant 2000 : i32
        %mul3A_258 = arith.muli %add3A_254, %mul3A_257 : i32
        %add3A_259 = arith.addi %mul3A_256, %mul3A_258 : i32
        %dma_start3A_260 = tpu.memref_slice %arg3[%add3A_259] : memref<320000xi32, #tpu.memory_space<hbm>> -> memref<2000xi32, #tpu.memory_space<hbm>>
        %dma_start3A_261 = tpu.memref_slice %arg3[%add3A_259] : memref<320000xi32, #tpu.memory_space<hbm>> -> memref<2000xi32, #tpu.memory_space<hbm>>
        tpu.enqueue_dma source(%dma_start3A_261 : memref<2000xi32, #tpu.memory_space<hbm>>) target(%arg14 : memref<2000xi32, #tpu.memory_space<vmem>>) target_semaphore(%arg25 : memref<!tpu.dma_semaphore, #tpu.memory_space<semaphore_mem>>)
      } else {
      }
      %mul3A_235 = arith.constant 2 : i32
      %mul3A_236 = arith.muli %mul3A_235, %scan3A_203 : i32
      %add3A_237 = arith.constant 1 : i32
      %add3A_238 = arith.addi %mul3A_236, %add3A_237 : i32
      %mul3A_239 = arith.constant 20000 : i32
      %mul3A_240 = arith.muli %arg1, %mul3A_239 : i32
      %mul3A_241 = arith.constant 2000 : i32
      %mul3A_242 = arith.muli %add3A_238, %mul3A_241 : i32
      %add3A_243 = arith.addi %mul3A_240, %mul3A_242 : i32
      %dma_wait3A_244 = tpu.memref_slice %arg3[%add3A_243] : memref<320000xi32, #tpu.memory_space<hbm>> -> memref<2000xi32, #tpu.memory_space<hbm>>
      %dma_wait3A_245 = tpu.memref_slice %arg3[%add3A_243] : memref<320000xi32, #tpu.memory_space<hbm>> -> memref<2000xi32, #tpu.memory_space<hbm>>
      tpu.wait_dma2 semaphore(%arg26 : memref<!tpu.dma_semaphore, #tpu.memory_space<semaphore_mem>>) src(%dma_wait3A_245 : memref<2000xi32, #tpu.memory_space<hbm>>) dst(%arg15 : memref<2000xi32, #tpu.memory_space<vmem>>)
      %scan3A_246 = arith.constant 0 : i32
      %scan3A_247 = arith.constant 125 : i32
      %scan3A_248 = arith.addi %scan3A_246, %scan3A_247 : i32
      %scan3A_249 = arith.constant 1 : i32
      scf.for %scan3A_251 = %scan3A_246 to %scan3A_248 step %scan3A_249  : i32 {
        %mul3A_252 = arith.constant 16 : i32
        %mul3A_253 = arith.muli %scan3A_251, %mul3A_252 : i32
        %get3A_254 = arith.index_cast %mul3A_253 : i32 to index
        %get3A_255 = tpu.vector_load %arg15[%get3A_254] {strides = array<i32>} : memref<2000xi32, #tpu.memory_space<vmem>>, vector<16xi32>,
        %shift_right_arithmetic3A = arith.constant 7 : i32
        %shift_right_arithmetic3A_256 = vector.broadcast %shift_right_arithmetic3A : i32 to vector<16xi32>
        %shift_right_arithmetic3A_257 = arith.shrsi %get3A_255, %shift_right_arithmetic3A_256 : vector<16xi32>
        %and3A = arith.constant 127 : i32
        %and3A_258 = vector.broadcast %and3A : i32 to vector<16xi32>
        %and3A_259 = arith.andi %get3A_255, %and3A_258 : vector<16xi32>
        tpu.vector_store_idx %arg20[%shift_right_arithmetic3A_257, %and3A_259], %broadcast_in_dim3A_31 {add = true} : memref<80x128xf32, #tpu.memory_space<vmem>>[vector<16xi32>, vector<16xi32>], vector<16xf32>,
      }
      %scan3A_250 = arith.constant 125 : i32
    }
    %scan3A_41 = arith.constant 5 : i32
    %mul3A_42 = arith.constant 5 : i32
    %mul3A_43 = arith.muli %arg1, %mul3A_42 : i32
    %dma_wait3A = arith.constant 0 : i32
    %dma_wait3A_44 = tpu.memref_slice %arg7[%mul3A_43, %dma_wait3A] : memref<80x128xf32, #tpu.memory_space<vmem_shared>> -> memref<5x128xf32, #tpu.memory_space<vmem_shared>>
    %dma_wait3A_45 = arith.constant 0 : i32
    %dma_wait3A_46 = tpu.memref_slice %arg7[%mul3A_43, %dma_wait3A_45] : memref<80x128xf32, #tpu.memory_space<vmem_shared>> -> memref<5x128xf32, #tpu.memory_space<vmem_shared>>
    tpu.wait_dma2 semaphore(%arg29 : memref<!tpu.dma_semaphore, #tpu.memory_space<semaphore_mem>>) src(%arg9 : memref<5x128xf32, #tpu.memory_space<vmem>>) dst(%dma_wait3A_46 : memref<5x128xf32, #tpu.memory_space<vmem_shared>>)
    %scan3A_47 = arith.constant 0 : i32
    %scan3A_48 = arith.constant 20 : i32
    %scan3A_49 = arith.addi %scan3A_47, %scan3A_48 : i32
    %scan3A_50 = arith.constant 1 : i32
    scf.for %scan3A_203 = %scan3A_47 to %scan3A_49 step %scan3A_50  : i32 {
      %mul3A_204 = arith.constant 640 : i32
      %mul3A_205 = arith.muli %arg1, %mul3A_204 : i32
      %mul3A_206 = arith.constant 32 : i32
      %mul3A_207 = arith.muli %scan3A_203, %mul3A_206 : i32
      %add3A_208 = arith.addi %mul3A_205, %mul3A_207 : i32
      %dma_wait3A_209 = arith.constant 0 : i32
      %dma_wait3A_210 = tpu.memref_slice %arg8[%add3A_208, %dma_wait3A_209] : memref<10240x128xf32, #tpu.memory_space<vmem_shared>> -> memref<32x128xf32, #tpu.memory_space<vmem_shared>>
      %dma_wait3A_211 = arith.constant 0 : i32
      %dma_wait3A_212 = tpu.memref_slice %arg8[%add3A_208, %dma_wait3A_211] : memref<10240x128xf32, #tpu.memory_space<vmem_shared>> -> memref<32x128xf32, #tpu.memory_space<vmem_shared>>
      tpu.wait_dma2 semaphore(%arg29 : memref<!tpu.dma_semaphore, #tpu.memory_space<semaphore_mem>>) src(%arg22 : memref<32x128xf32, #tpu.memory_space<vmem>>) dst(%dma_wait3A_212 : memref<32x128xf32, #tpu.memory_space<vmem_shared>>)
    }
    %scan3A_51 = arith.constant 20 : i32
    %barrier3A = arith.constant 0 : index
    tpu.barrier barrier_id(%barrier3A)
    "tpu.region"() ({
      %run_scoped3A = tpu.sem_alloc : memref<!tpu.dma_semaphore, #tpu.memory_space<semaphore_mem>>
      %dma_start3A_203 = arith.constant 0 : i32
      %dma_start3A_204 = arith.constant 0 : i32
      %dma_start3A_205 = tpu.memref_slice %arg7[%dma_start3A_203, %dma_start3A_204] : memref<80x128xf32, #tpu.memory_space<vmem_shared>> -> memref<80x128xf32, #tpu.memory_space<vmem_shared>>
      tpu.enqueue_indirect_dma source(%arg20 : memref<80x128xf32, #tpu.memory_space<vmem>>) target(%dma_start3A_205 : memref<80x128xf32, #tpu.memory_space<vmem_shared>>) offsets(%arg10 : memref<80xi32, #tpu.memory_space<vmem>>) semaphore(%run_scoped3A : memref<!tpu.dma_semaphore, #tpu.memory_space<semaphore_mem>>) {add = true}
      %dma_wait3A_206 = arith.constant 0 : i32
      %dma_wait3A_207 = arith.constant 0 : i32
      %dma_wait3A_208 = tpu.memref_slice %arg7[%dma_wait3A_206, %dma_wait3A_207] : memref<80x128xf32, #tpu.memory_space<vmem_shared>> -> memref<80x128xf32, #tpu.memory_space<vmem_shared>>
      tpu.wait_indirect_dma semaphore(%run_scoped3A : memref<!tpu.dma_semaphore, #tpu.memory_space<semaphore_mem>>) src(%arg20 : memref<80x128xf32, #tpu.memory_space<vmem>>) dst(%dma_wait3A_208 : memref<80x128xf32, #tpu.memory_space<vmem_shared>>)
      tpu.yield
    }) : () -> ()
    %barrier3A_52 = arith.constant 0 : index
    tpu.barrier barrier_id(%barrier3A_52)
    %mul3A_53 = arith.constant 5 : i32
    %mul3A_54 = arith.muli %arg1, %mul3A_53 : i32
    "tpu.region"() ({
      %run_scoped3A = tpu.sem_alloc : memref<!tpu.dma_semaphore, #tpu.memory_space<semaphore_mem>>
      %dma_start3A_203 = arith.constant 0 : i32
      %dma_start3A_204 = tpu.memref_slice %arg7[%mul3A_54, %dma_start3A_203] : memref<80x128xf32, #tpu.memory_space<vmem_shared>> -> memref<5x128xf32, #tpu.memory_space<vmem_shared>>
      %dma_start3A_205 = arith.constant 0 : i32
      %dma_start3A_206 = tpu.memref_slice %arg7[%mul3A_54, %dma_start3A_205] : memref<80x128xf32, #tpu.memory_space<vmem_shared>> -> memref<5x128xf32, #tpu.memory_space<vmem_shared>>
      tpu.enqueue_dma source(%dma_start3A_206 : memref<5x128xf32, #tpu.memory_space<vmem_shared>>) target(%arg11 : memref<5x128xf32, #tpu.memory_space<vmem>>) target_semaphore(%run_scoped3A : memref<!tpu.dma_semaphore, #tpu.memory_space<semaphore_mem>>)
      %dma_wait3A_207 = arith.constant 0 : i32
      %dma_wait3A_208 = tpu.memref_slice %arg7[%mul3A_54, %dma_wait3A_207] : memref<80x128xf32, #tpu.memory_space<vmem_shared>> -> memref<5x128xf32, #tpu.memory_space<vmem_shared>>
      %dma_wait3A_209 = arith.constant 0 : i32
      %dma_wait3A_210 = tpu.memref_slice %arg7[%mul3A_54, %dma_wait3A_209] : memref<80x128xf32, #tpu.memory_space<vmem_shared>> -> memref<5x128xf32, #tpu.memory_space<vmem_shared>>
      tpu.wait_dma2 semaphore(%run_scoped3A : memref<!tpu.dma_semaphore, #tpu.memory_space<semaphore_mem>>) src(%dma_wait3A_210 : memref<5x128xf32, #tpu.memory_space<vmem_shared>>) dst(%arg11 : memref<5x128xf32, #tpu.memory_space<vmem>>)
      tpu.yield
    }) : () -> ()
    %scan3A_55 = arith.constant 0 : i32
    %scan3A_56 = arith.constant 40 : i32
    %scan3A_57 = arith.addi %scan3A_55, %scan3A_56 : i32
    %scan3A_58 = arith.constant 1 : i32
    scf.for %scan3A_203 = %scan3A_55 to %scan3A_57 step %scan3A_58  : i32 {
      %jit3A = arith.constant 8 : i32
      %div3A = arith.divsi %scan3A_203, %jit3A : i32
      %sign3A = arith.constant 0 : i32
      %sign3A_204 = arith.cmpi sgt, %scan3A_203, %sign3A : i32
      %sign3A_205 = arith.extui %sign3A_204 : i1 to i32
      %sign3A_206 = arith.constant 0 : i32
      %sign3A_207 = arith.cmpi slt, %scan3A_203, %sign3A_206 : i32
      %sign3A_208 = arith.extui %sign3A_207 : i1 to i32
      %sign3A_209 = arith.subi %sign3A_205, %sign3A_208 : i32
      %sign3A_210 = arith.constant 0 : i32
      %sign3A_211 = arith.cmpi sgt, %jit3A, %sign3A_210 : i32
      %sign3A_212 = arith.extui %sign3A_211 : i1 to i32
      %sign3A_213 = arith.constant 0 : i32
      %sign3A_214 = arith.cmpi slt, %jit3A, %sign3A_213 : i32
      %sign3A_215 = arith.extui %sign3A_214 : i1 to i32
      %sign3A_216 = arith.subi %sign3A_212, %sign3A_215 : i32
      %ne3A = arith.cmpi ne, %sign3A_209, %sign3A_216 : i32
      %rem3A = arith.remsi %scan3A_203, %jit3A : i32
      %ne3A_217 = arith.constant 0 : i32
      %ne3A_218 = arith.cmpi ne, %rem3A, %ne3A_217 : i32
      %and3A = arith.andi %ne3A, %ne3A_218 : i1
      %sub3A = arith.constant 1 : i32
      %sub3A_219 = arith.subi %div3A, %sub3A : i32
      %select_n3A = arith.select %and3A, %sub3A_219, %div3A : i32
      %jit3A_220 = arith.constant 8 : i32
      %eq3A = arith.constant 0 : i32
      %eq3A_221 = arith.cmpi eq, %jit3A_220, %eq3A : i32
      %jit3A_222 = arith.constant 1 : i32
      %select_n3A_223 = arith.select %eq3A_221, %jit3A_222, %jit3A_220 : i32
      %rem3A_224 = arith.remsi %scan3A_203, %select_n3A_223 : i32
      %ne3A_225 = arith.constant 0 : i32
      %ne3A_226 = arith.cmpi ne, %rem3A_224, %ne3A_225 : i32
      %lt3A = arith.constant 0 : i32
      %lt3A_227 = arith.cmpi slt, %rem3A_224, %lt3A : i32
      %lt3A_228 = arith.constant 0 : i32
      %lt3A_229 = arith.cmpi slt, %select_n3A_223, %lt3A_228 : i32
      %ne3A_230 = arith.xori %lt3A_227, %lt3A_229 : i1
      %and3A_231 = arith.andi %ne3A_230, %ne3A_226 : i1
      %add3A_232 = arith.addi %rem3A_224, %select_n3A_223 : i32
      %select_n3A_233 = arith.select %and3A_231, %add3A_232, %rem3A_224 : i32
      %mul3A_234 = arith.constant 16 : i32
      %mul3A_235 = arith.muli %select_n3A_233, %mul3A_234 : i32
      %get3A_236 = arith.index_cast %select_n3A : i32 to index
      %get3A_237 = arith.index_cast %mul3A_235 : i32 to index
      %get3A_238 = tpu.vector_load %arg11[%get3A_236, %get3A_237] {strides = array<i32>} : memref<5x128xf32, #tpu.memory_space<vmem>>, vector<16xf32>,
      %max3A = arith.constant 1.000000e+00 : f32
      %max3A_239 = vector.broadcast %max3A : f32 to vector<16xf32>
      %max3A_240 = arith.maximumf %get3A_238, %max3A_239 : vector<16xf32>
      %bitcast_convert_type3A = tpu.bitcast %max3A_240 : vector<16xf32> -> vector<16xi32>
      %shift_right_arithmetic3A = arith.constant 1 : i32
      %shift_right_arithmetic3A_241 = vector.broadcast %shift_right_arithmetic3A : i32 to vector<16xi32>
      %shift_right_arithmetic3A_242 = arith.shrsi %bitcast_convert_type3A, %shift_right_arithmetic3A_241 : vector<16xi32>
      %sub3A_243 = arith.constant 1597463007 : i32
      %sub3A_244 = vector.broadcast %sub3A_243 : i32 to vector<16xi32>
      %sub3A_245 = arith.subi %sub3A_244, %shift_right_arithmetic3A_242 : vector<16xi32>
      %bitcast_convert_type3A_246 = tpu.bitcast %sub3A_245 : vector<16xi32> -> vector<16xf32>
      %mul3A_247 = arith.constant 5.000000e-01 : f32
      %mul3A_248 = vector.broadcast %mul3A_247 : f32 to vector<16xf32>
      %mul3A_249 = arith.mulf %mul3A_248, %max3A_240 : vector<16xf32>
      %mul3A_250 = arith.mulf %mul3A_249, %bitcast_convert_type3A_246 : vector<16xf32>
      %mul3A_251 = arith.mulf %mul3A_250, %bitcast_convert_type3A_246 : vector<16xf32>
      %sub3A_252 = arith.constant 1.500000e+00 : f32
      %sub3A_253 = vector.broadcast %sub3A_252 : f32 to vector<16xf32>
      %sub3A_254 = arith.subf %sub3A_253, %mul3A_251 : vector<16xf32>
      %mul3A_255 = arith.mulf %bitcast_convert_type3A_246, %sub3A_254 : vector<16xf32>
      %mul3A_256 = arith.mulf %mul3A_249, %mul3A_255 : vector<16xf32>
      %mul3A_257 = arith.mulf %mul3A_256, %mul3A_255 : vector<16xf32>
      %sub3A_258 = arith.constant 1.500000e+00 : f32
      %sub3A_259 = vector.broadcast %sub3A_258 : f32 to vector<16xf32>
      %sub3A_260 = arith.subf %sub3A_259, %mul3A_257 : vector<16xf32>
      %mul3A_261 = arith.mulf %mul3A_255, %sub3A_260 : vector<16xf32>
      %mul3A_262 = arith.mulf %mul3A_249, %mul3A_261 : vector<16xf32>
      %mul3A_263 = arith.mulf %mul3A_262, %mul3A_261 : vector<16xf32>
      %sub3A_264 = arith.constant 1.500000e+00 : f32
      %sub3A_265 = vector.broadcast %sub3A_264 : f32 to vector<16xf32>
      %sub3A_266 = arith.subf %sub3A_265, %mul3A_263 : vector<16xf32>
      %mul3A_267 = arith.mulf %mul3A_261, %sub3A_266 : vector<16xf32>
      %mul3A_268 = arith.constant 16 : i32
      %mul3A_269 = arith.muli %scan3A_203, %mul3A_268 : i32
      %swap3A_270 = arith.index_cast %mul3A_269 : i32 to index
      %swap3A_271 = tpu.vector_load %arg12[%swap3A_270] {strides = array<i32>} : memref<640xf32, #tpu.memory_space<vmem>>, vector<16xf32>,
      tpu.vector_store %arg12[%swap3A_270], %mul3A_267 {strides = array<i32>} : memref<640xf32, #tpu.memory_space<vmem>>, vector<16xf32>,
    }
    %scan3A_59 = arith.constant 40 : i32
    %mul3A_60 = arith.constant 640 : i32
    %mul3A_61 = arith.muli %arg1, %mul3A_60 : i32
    %dma_start3A_62 = arith.constant 0 : i32
    %dma_start3A_63 = tpu.memref_slice %arg2[%mul3A_61, %dma_start3A_62] : memref<10240x128xf32, #tpu.memory_space<hbm>> -> memref<32x128xf32, #tpu.memory_space<hbm>>
    %dma_start3A_64 = arith.constant 0 : i32
    %dma_start3A_65 = tpu.memref_slice %arg2[%mul3A_61, %dma_start3A_64] : memref<10240x128xf32, #tpu.memory_space<hbm>> -> memref<32x128xf32, #tpu.memory_space<hbm>>
    tpu.enqueue_dma source(%dma_start3A_65 : memref<32x128xf32, #tpu.memory_space<hbm>>) target(%arg13 : memref<32x128xf32, #tpu.memory_space<vmem>>) target_semaphore(%arg30 : memref<!tpu.dma_semaphore, #tpu.memory_space<semaphore_mem>>)
    %scan3A_66 = arith.constant 0 : i32
    %scan3A_67 = arith.constant 10 : i32
    %scan3A_68 = arith.addi %scan3A_66, %scan3A_67 : i32
    %scan3A_69 = arith.constant 1 : i32
    scf.for %scan3A_203 = %scan3A_66 to %scan3A_68 step %scan3A_69  : i32 {
      %mul3A_204 = arith.constant 2 : i32
      %mul3A_205 = arith.muli %mul3A_204, %scan3A_203 : i32
      %mul3A_206 = arith.constant 2 : i32
      %mul3A_207 = arith.muli %mul3A_206, %scan3A_203 : i32
      %add3A_208 = arith.constant 1 : i32
      %add3A_209 = arith.addi %mul3A_207, %add3A_208 : i32
      %gt3A = arith.constant 0 : i32
      %gt3A_210 = arith.cmpi sgt, %scan3A_203, %gt3A : i32
      %convert_element_type3A = arith.extui %gt3A_210 : i1 to i32
      %cond3A = arith.constant 0 : i32
      %cond3A_211 = arith.cmpi ne, %convert_element_type3A, %cond3A : i32
      scf.if %cond3A_211 {
        %sub3A = arith.constant 2 : i32
        %sub3A_277 = arith.subi %add3A_209, %sub3A : i32
        %mul3A_278 = arith.constant 10240 : i32
        %mul3A_279 = arith.muli %arg0, %mul3A_278 : i32
        %mul3A_280 = arith.constant 640 : i32
        %mul3A_281 = arith.muli %arg1, %mul3A_280 : i32
        %add3A_282 = arith.addi %mul3A_279, %mul3A_281 : i32
        %mul3A_283 = arith.constant 32 : i32
        %mul3A_284 = arith.muli %sub3A_277, %mul3A_283 : i32
        %add3A_285 = arith.addi %add3A_282, %mul3A_284 : i32
        %dma_wait3A_286 = arith.constant 0 : i32
        %dma_wait3A_287 = tpu.memref_slice %arg6[%add3A_285, %dma_wait3A_286] : memref<20480x128xf32, #tpu.memory_space<hbm>> -> memref<32x128xf32, #tpu.memory_space<hbm>>
        %dma_wait3A_288 = arith.constant 0 : i32
        %dma_wait3A_289 = tpu.memref_slice %arg6[%add3A_285, %dma_wait3A_288] : memref<20480x128xf32, #tpu.memory_space<hbm>> -> memref<32x128xf32, #tpu.memory_space<hbm>>
        tpu.wait_dma2 semaphore(%arg33 : memref<!tpu.dma_semaphore, #tpu.memory_space<semaphore_mem>>) src(%arg23 : memref<32x128xf32, #tpu.memory_space<vmem>>) dst(%dma_wait3A_289 : memref<32x128xf32, #tpu.memory_space<hbm>>)
      } else {
      }
      %mul3A_212 = arith.constant 640 : i32
      %mul3A_213 = arith.muli %arg1, %mul3A_212 : i32
      %mul3A_214 = arith.constant 32 : i32
      %mul3A_215 = arith.muli %add3A_209, %mul3A_214 : i32
      %add3A_216 = arith.addi %mul3A_213, %mul3A_215 : i32
      %dma_start3A_217 = arith.constant 0 : i32
      %dma_start3A_218 = tpu.memref_slice %arg2[%add3A_216, %dma_start3A_217] : memref<10240x128xf32, #tpu.memory_space<hbm>> -> memref<32x128xf32, #tpu.memory_space<hbm>>
      %dma_start3A_219 = arith.constant 0 : i32
      %dma_start3A_220 = tpu.memref_slice %arg2[%add3A_216, %dma_start3A_219] : memref<10240x128xf32, #tpu.memory_space<hbm>> -> memref<32x128xf32, #tpu.memory_space<hbm>>
      tpu.enqueue_dma source(%dma_start3A_220 : memref<32x128xf32, #tpu.memory_space<hbm>>) target(%arg23 : memref<32x128xf32, #tpu.memory_space<vmem>>) target_semaphore(%arg31 : memref<!tpu.dma_semaphore, #tpu.memory_space<semaphore_mem>>)
      %mul3A_221 = arith.constant 640 : i32
      %mul3A_222 = arith.muli %arg1, %mul3A_221 : i32
      %mul3A_223 = arith.constant 32 : i32
      %mul3A_224 = arith.muli %mul3A_205, %mul3A_223 : i32
      %add3A_225 = arith.addi %mul3A_222, %mul3A_224 : i32
      %dma_wait3A_226 = arith.constant 0 : i32
      %dma_wait3A_227 = tpu.memref_slice %arg2[%add3A_225, %dma_wait3A_226] : memref<10240x128xf32, #tpu.memory_space<hbm>> -> memref<32x128xf32, #tpu.memory_space<hbm>>
      %dma_wait3A_228 = arith.constant 0 : i32
      %dma_wait3A_229 = tpu.memref_slice %arg2[%add3A_225, %dma_wait3A_228] : memref<10240x128xf32, #tpu.memory_space<hbm>> -> memref<32x128xf32, #tpu.memory_space<hbm>>
      tpu.wait_dma2 semaphore(%arg30 : memref<!tpu.dma_semaphore, #tpu.memory_space<semaphore_mem>>) src(%dma_wait3A_229 : memref<32x128xf32, #tpu.memory_space<hbm>>) dst(%arg13 : memref<32x128xf32, #tpu.memory_space<vmem>>)
      %scan3A_230 = arith.constant 0 : i32
      %scan3A_231 = arith.constant 32 : i32
      %scan3A_232 = arith.addi %scan3A_230, %scan3A_231 : i32
      %scan3A_233 = arith.constant 1 : i32
      scf.for %scan3A_277 = %scan3A_230 to %scan3A_232 step %scan3A_233  : i32 {
        %broadcast_in_dim3A_278 = arith.constant 0 : i32
        %broadcast_in_dim3A_279 = vector.broadcast %broadcast_in_dim3A_278 : i32 to vector<16xi32>
        %mul3A_280 = arith.constant 32 : i32
        %mul3A_281 = arith.muli %mul3A_205, %mul3A_280 : i32
        %add3A_282 = arith.addi %mul3A_281, %scan3A_277 : i32
        %add3A_283 = vector.broadcast %add3A_282 : i32 to vector<16xi32>
        %add3A_284 = arith.addi %broadcast_in_dim3A_279, %add3A_283 : vector<16xi32>
        %gather3A = tpu.vector_load_idx %arg12[%add3A_284] : memref<640xf32, #tpu.memory_space<vmem>>[vector<16xi32>], vector<16xf32>,
        %get3A_285 = arith.index_cast %scan3A_277 : i32 to index
        %get3A_286 = arith.constant 0 : index
        %get3A_287 = tpu.vector_load %arg13[%get3A_285, %get3A_286] {strides = array<i32>} : memref<32x128xf32, #tpu.memory_space<vmem>>, vector<16xf32>,
        %mul3A_288 = arith.mulf %get3A_287, %gather3A : vector<16xf32>
        %swap3A_289 = arith.index_cast %scan3A_277 : i32 to index
        %swap3A_290 = arith.constant 0 : index
        %swap3A_291 = tpu.vector_load %arg13[%swap3A_289, %swap3A_290] {strides = array<i32>} : memref<32x128xf32, #tpu.memory_space<vmem>>, vector<16xf32>,
        tpu.vector_store %arg13[%swap3A_289, %swap3A_290], %mul3A_288 {strides = array<i32>} : memref<32x128xf32, #tpu.memory_space<vmem>>, vector<16xf32>,
        %get3A_292 = arith.index_cast %scan3A_277 : i32 to index
        %get3A_293 = arith.constant 16 : index
        %get3A_294 = tpu.vector_load %arg13[%get3A_292, %get3A_293] {strides = array<i32>} : memref<32x128xf32, #tpu.memory_space<vmem>>, vector<16xf32>,
        %mul3A_295 = arith.mulf %get3A_294, %gather3A : vector<16xf32>
        %swap3A_296 = arith.index_cast %scan3A_277 : i32 to index
        %swap3A_297 = arith.constant 16 : index
        %swap3A_298 = tpu.vector_load %arg13[%swap3A_296, %swap3A_297] {strides = array<i32>} : memref<32x128xf32, #tpu.memory_space<vmem>>, vector<16xf32>,
        tpu.vector_store %arg13[%swap3A_296, %swap3A_297], %mul3A_295 {strides = array<i32>} : memref<32x128xf32, #tpu.memory_space<vmem>>, vector<16xf32>,
        %get3A_299 = arith.index_cast %scan3A_277 : i32 to index
        %get3A_300 = arith.constant 32 : index
        %get3A_301 = tpu.vector_load %arg13[%get3A_299, %get3A_300] {strides = array<i32>} : memref<32x128xf32, #tpu.memory_space<vmem>>, vector<16xf32>,
        %mul3A_302 = arith.mulf %get3A_301, %gather3A : vector<16xf32>
        %swap3A_303 = arith.index_cast %scan3A_277 : i32 to index
        %swap3A_304 = arith.constant 32 : index
        %swap3A_305 = tpu.vector_load %arg13[%swap3A_303, %swap3A_304] {strides = array<i32>} : memref<32x128xf32, #tpu.memory_space<vmem>>, vector<16xf32>,
        tpu.vector_store %arg13[%swap3A_303, %swap3A_304], %mul3A_302 {strides = array<i32>} : memref<32x128xf32, #tpu.memory_space<vmem>>, vector<16xf32>,
        %get3A_306 = arith.index_cast %scan3A_277 : i32 to index
        %get3A_307 = arith.constant 48 : index
        %get3A_308 = tpu.vector_load %arg13[%get3A_306, %get3A_307] {strides = array<i32>} : memref<32x128xf32, #tpu.memory_space<vmem>>, vector<16xf32>,
        %mul3A_309 = arith.mulf %get3A_308, %gather3A : vector<16xf32>
        %swap3A_310 = arith.index_cast %scan3A_277 : i32 to index
        %swap3A_311 = arith.constant 48 : index
        %swap3A_312 = tpu.vector_load %arg13[%swap3A_310, %swap3A_311] {strides = array<i32>} : memref<32x128xf32, #tpu.memory_space<vmem>>, vector<16xf32>,
        tpu.vector_store %arg13[%swap3A_310, %swap3A_311], %mul3A_309 {strides = array<i32>} : memref<32x128xf32, #tpu.memory_space<vmem>>, vector<16xf32>,
        %get3A_313 = arith.index_cast %scan3A_277 : i32 to index
        %get3A_314 = arith.constant 64 : index
        %get3A_315 = tpu.vector_load %arg13[%get3A_313, %get3A_314] {strides = array<i32>} : memref<32x128xf32, #tpu.memory_space<vmem>>, vector<16xf32>,
        %mul3A_316 = arith.mulf %get3A_315, %gather3A : vector<16xf32>
        %swap3A_317 = arith.index_cast %scan3A_277 : i32 to index
        %swap3A_318 = arith.constant 64 : index
        %swap3A_319 = tpu.vector_load %arg13[%swap3A_317, %swap3A_318] {strides = array<i32>} : memref<32x128xf32, #tpu.memory_space<vmem>>, vector<16xf32>,
        tpu.vector_store %arg13[%swap3A_317, %swap3A_318], %mul3A_316 {strides = array<i32>} : memref<32x128xf32, #tpu.memory_space<vmem>>, vector<16xf32>,
        %get3A_320 = arith.index_cast %scan3A_277 : i32 to index
        %get3A_321 = arith.constant 80 : index
        %get3A_322 = tpu.vector_load %arg13[%get3A_320, %get3A_321] {strides = array<i32>} : memref<32x128xf32, #tpu.memory_space<vmem>>, vector<16xf32>,
        %mul3A_323 = arith.mulf %get3A_322, %gather3A : vector<16xf32>
        %swap3A_324 = arith.index_cast %scan3A_277 : i32 to index
        %swap3A_325 = arith.constant 80 : index
        %swap3A_326 = tpu.vector_load %arg13[%swap3A_324, %swap3A_325] {strides = array<i32>} : memref<32x128xf32, #tpu.memory_space<vmem>>, vector<16xf32>,
        tpu.vector_store %arg13[%swap3A_324, %swap3A_325], %mul3A_323 {strides = array<i32>} : memref<32x128xf32, #tpu.memory_space<vmem>>, vector<16xf32>,
        %get3A_327 = arith.index_cast %scan3A_277 : i32 to index
        %get3A_328 = arith.constant 96 : index
        %get3A_329 = tpu.vector_load %arg13[%get3A_327, %get3A_328] {strides = array<i32>} : memref<32x128xf32, #tpu.memory_space<vmem>>, vector<16xf32>,
        %mul3A_330 = arith.mulf %get3A_329, %gather3A : vector<16xf32>
        %swap3A_331 = arith.index_cast %scan3A_277 : i32 to index
        %swap3A_332 = arith.constant 96 : index
        %swap3A_333 = tpu.vector_load %arg13[%swap3A_331, %swap3A_332] {strides = array<i32>} : memref<32x128xf32, #tpu.memory_space<vmem>>, vector<16xf32>,
        tpu.vector_store %arg13[%swap3A_331, %swap3A_332], %mul3A_330 {strides = array<i32>} : memref<32x128xf32, #tpu.memory_space<vmem>>, vector<16xf32>,
        %get3A_334 = arith.index_cast %scan3A_277 : i32 to index
        %get3A_335 = arith.constant 112 : index
        %get3A_336 = tpu.vector_load %arg13[%get3A_334, %get3A_335] {strides = array<i32>} : memref<32x128xf32, #tpu.memory_space<vmem>>, vector<16xf32>,
        %mul3A_337 = arith.mulf %get3A_336, %gather3A : vector<16xf32>
        %swap3A_338 = arith.index_cast %scan3A_277 : i32 to index
        %swap3A_339 = arith.constant 112 : index
        %swap3A_340 = tpu.vector_load %arg13[%swap3A_338, %swap3A_339] {strides = array<i32>} : memref<32x128xf32, #tpu.memory_space<vmem>>, vector<16xf32>,
        tpu.vector_store %arg13[%swap3A_338, %swap3A_339], %mul3A_337 {strides = array<i32>} : memref<32x128xf32, #tpu.memory_space<vmem>>, vector<16xf32>,
      }
      %scan3A_234 = arith.constant 32 : i32
      %mul3A_235 = arith.constant 10240 : i32
      %mul3A_236 = arith.muli %arg0, %mul3A_235 : i32
      %mul3A_237 = arith.constant 640 : i32
      %mul3A_238 = arith.muli %arg1, %mul3A_237 : i32
      %add3A_239 = arith.addi %mul3A_236, %mul3A_238 : i32
      %mul3A_240 = arith.constant 32 : i32
      %mul3A_241 = arith.muli %mul3A_205, %mul3A_240 : i32
      %add3A_242 = arith.addi %add3A_239, %mul3A_241 : i32
      %dma_start3A_243 = arith.constant 0 : i32
      %dma_start3A_244 = tpu.memref_slice %arg6[%add3A_242, %dma_start3A_243] : memref<20480x128xf32, #tpu.memory_space<hbm>> -> memref<32x128xf32, #tpu.memory_space<hbm>>
      %dma_start3A_245 = arith.constant 0 : i32
      %dma_start3A_246 = tpu.memref_slice %arg6[%add3A_242, %dma_start3A_245] : memref<20480x128xf32, #tpu.memory_space<hbm>> -> memref<32x128xf32, #tpu.memory_space<hbm>>
      tpu.enqueue_dma source(%arg13 : memref<32x128xf32, #tpu.memory_space<vmem>>) target(%dma_start3A_246 : memref<32x128xf32, #tpu.memory_space<hbm>>) target_semaphore(%arg32 : memref<!tpu.dma_semaphore, #tpu.memory_space<semaphore_mem>>)
      %lt3A = arith.constant 9 : i32
      %lt3A_247 = arith.cmpi slt, %scan3A_203, %lt3A : i32
      %convert_element_type3A_248 = arith.extui %lt3A_247 : i1 to i32
      %cond3A_249 = arith.constant 0 : i32
      %cond3A_250 = arith.cmpi ne, %convert_element_type3A_248, %cond3A_249 : i32
      scf.if %cond3A_250 {
        %mul3A_277 = arith.constant 10240 : i32
        %mul3A_278 = arith.muli %arg0, %mul3A_277 : i32
        %mul3A_279 = arith.constant 640 : i32
        %mul3A_280 = arith.muli %arg1, %mul3A_279 : i32
        %add3A_281 = arith.addi %mul3A_278, %mul3A_280 : i32
        %mul3A_282 = arith.constant 32 : i32
        %mul3A_283 = arith.muli %mul3A_205, %mul3A_282 : i32
        %add3A_284 = arith.addi %add3A_281, %mul3A_283 : i32
        %dma_wait3A_285 = arith.constant 0 : i32
        %dma_wait3A_286 = tpu.memref_slice %arg6[%add3A_284, %dma_wait3A_285] : memref<20480x128xf32, #tpu.memory_space<hbm>> -> memref<32x128xf32, #tpu.memory_space<hbm>>
        %dma_wait3A_287 = arith.constant 0 : i32
        %dma_wait3A_288 = tpu.memref_slice %arg6[%add3A_284, %dma_wait3A_287] : memref<20480x128xf32, #tpu.memory_space<hbm>> -> memref<32x128xf32, #tpu.memory_space<hbm>>
        tpu.wait_dma2 semaphore(%arg32 : memref<!tpu.dma_semaphore, #tpu.memory_space<semaphore_mem>>) src(%arg13 : memref<32x128xf32, #tpu.memory_space<vmem>>) dst(%dma_wait3A_288 : memref<32x128xf32, #tpu.memory_space<hbm>>)
        %mul3A_289 = arith.constant 640 : i32
        %mul3A_290 = arith.muli %arg1, %mul3A_289 : i32
        %add3A_291 = arith.constant 2 : i32
        %add3A_292 = arith.addi %mul3A_205, %add3A_291 : i32
        %mul3A_293 = arith.constant 32 : i32
        %mul3A_294 = arith.muli %add3A_292, %mul3A_293 : i32
        %add3A_295 = arith.addi %mul3A_290, %mul3A_294 : i32
        %dma_start3A_296 = arith.constant 0 : i32
        %dma_start3A_297 = tpu.memref_slice %arg2[%add3A_295, %dma_start3A_296] : memref<10240x128xf32, #tpu.memory_space<hbm>> -> memref<32x128xf32, #tpu.memory_space<hbm>>
        %dma_start3A_298 = arith.constant 0 : i32
        %dma_start3A_299 = tpu.memref_slice %arg2[%add3A_295, %dma_start3A_298] : memref<10240x128xf32, #tpu.memory_space<hbm>> -> memref<32x128xf32, #tpu.memory_space<hbm>>
        tpu.enqueue_dma source(%dma_start3A_299 : memref<32x128xf32, #tpu.memory_space<hbm>>) target(%arg13 : memref<32x128xf32, #tpu.memory_space<vmem>>) target_semaphore(%arg30 : memref<!tpu.dma_semaphore, #tpu.memory_space<semaphore_mem>>)
      } else {
      }
      %mul3A_251 = arith.constant 640 : i32
      %mul3A_252 = arith.muli %arg1, %mul3A_251 : i32
      %mul3A_253 = arith.constant 32 : i32
      %mul3A_254 = arith.muli %add3A_209, %mul3A_253 : i32
      %add3A_255 = arith.addi %mul3A_252, %mul3A_254 : i32
      %dma_wait3A_256 = arith.constant 0 : i32
      %dma_wait3A_257 = tpu.memref_slice %arg2[%add3A_255, %dma_wait3A_256] : memref<10240x128xf32, #tpu.memory_space<hbm>> -> memref<32x128xf32, #tpu.memory_space<hbm>>
      %dma_wait3A_258 = arith.constant 0 : i32
      %dma_wait3A_259 = tpu.memref_slice %arg2[%add3A_255, %dma_wait3A_258] : memref<10240x128xf32, #tpu.memory_space<hbm>> -> memref<32x128xf32, #tpu.memory_space<hbm>>
      tpu.wait_dma2 semaphore(%arg31 : memref<!tpu.dma_semaphore, #tpu.memory_space<semaphore_mem>>) src(%dma_wait3A_259 : memref<32x128xf32, #tpu.memory_space<hbm>>) dst(%arg23 : memref<32x128xf32, #tpu.memory_space<vmem>>)
      %scan3A_260 = arith.constant 0 : i32
      %scan3A_261 = arith.constant 32 : i32
      %scan3A_262 = arith.addi %scan3A_260, %scan3A_261 : i32
      %scan3A_263 = arith.constant 1 : i32
      scf.for %scan3A_277 = %scan3A_260 to %scan3A_262 step %scan3A_263  : i32 {
        %broadcast_in_dim3A_278 = arith.constant 0 : i32
        %broadcast_in_dim3A_279 = vector.broadcast %broadcast_in_dim3A_278 : i32 to vector<16xi32>
        %mul3A_280 = arith.constant 32 : i32
        %mul3A_281 = arith.muli %add3A_209, %mul3A_280 : i32
        %add3A_282 = arith.addi %mul3A_281, %scan3A_277 : i32
        %add3A_283 = vector.broadcast %add3A_282 : i32 to vector<16xi32>
        %add3A_284 = arith.addi %broadcast_in_dim3A_279, %add3A_283 : vector<16xi32>
        %gather3A = tpu.vector_load_idx %arg12[%add3A_284] : memref<640xf32, #tpu.memory_space<vmem>>[vector<16xi32>], vector<16xf32>,
        %get3A_285 = arith.index_cast %scan3A_277 : i32 to index
        %get3A_286 = arith.constant 0 : index
        %get3A_287 = tpu.vector_load %arg23[%get3A_285, %get3A_286] {strides = array<i32>} : memref<32x128xf32, #tpu.memory_space<vmem>>, vector<16xf32>,
        %mul3A_288 = arith.mulf %get3A_287, %gather3A : vector<16xf32>
        %swap3A_289 = arith.index_cast %scan3A_277 : i32 to index
        %swap3A_290 = arith.constant 0 : index
        %swap3A_291 = tpu.vector_load %arg23[%swap3A_289, %swap3A_290] {strides = array<i32>} : memref<32x128xf32, #tpu.memory_space<vmem>>, vector<16xf32>,
        tpu.vector_store %arg23[%swap3A_289, %swap3A_290], %mul3A_288 {strides = array<i32>} : memref<32x128xf32, #tpu.memory_space<vmem>>, vector<16xf32>,
        %get3A_292 = arith.index_cast %scan3A_277 : i32 to index
        %get3A_293 = arith.constant 16 : index
        %get3A_294 = tpu.vector_load %arg23[%get3A_292, %get3A_293] {strides = array<i32>} : memref<32x128xf32, #tpu.memory_space<vmem>>, vector<16xf32>,
        %mul3A_295 = arith.mulf %get3A_294, %gather3A : vector<16xf32>
        %swap3A_296 = arith.index_cast %scan3A_277 : i32 to index
        %swap3A_297 = arith.constant 16 : index
        %swap3A_298 = tpu.vector_load %arg23[%swap3A_296, %swap3A_297] {strides = array<i32>} : memref<32x128xf32, #tpu.memory_space<vmem>>, vector<16xf32>,
        tpu.vector_store %arg23[%swap3A_296, %swap3A_297], %mul3A_295 {strides = array<i32>} : memref<32x128xf32, #tpu.memory_space<vmem>>, vector<16xf32>,
        %get3A_299 = arith.index_cast %scan3A_277 : i32 to index
        %get3A_300 = arith.constant 32 : index
        %get3A_301 = tpu.vector_load %arg23[%get3A_299, %get3A_300] {strides = array<i32>} : memref<32x128xf32, #tpu.memory_space<vmem>>, vector<16xf32>,
        %mul3A_302 = arith.mulf %get3A_301, %gather3A : vector<16xf32>
        %swap3A_303 = arith.index_cast %scan3A_277 : i32 to index
        %swap3A_304 = arith.constant 32 : index
        %swap3A_305 = tpu.vector_load %arg23[%swap3A_303, %swap3A_304] {strides = array<i32>} : memref<32x128xf32, #tpu.memory_space<vmem>>, vector<16xf32>,
        tpu.vector_store %arg23[%swap3A_303, %swap3A_304], %mul3A_302 {strides = array<i32>} : memref<32x128xf32, #tpu.memory_space<vmem>>, vector<16xf32>,
        %get3A_306 = arith.index_cast %scan3A_277 : i32 to index
        %get3A_307 = arith.constant 48 : index
        %get3A_308 = tpu.vector_load %arg23[%get3A_306, %get3A_307] {strides = array<i32>} : memref<32x128xf32, #tpu.memory_space<vmem>>, vector<16xf32>,
        %mul3A_309 = arith.mulf %get3A_308, %gather3A : vector<16xf32>
        %swap3A_310 = arith.index_cast %scan3A_277 : i32 to index
        %swap3A_311 = arith.constant 48 : index
        %swap3A_312 = tpu.vector_load %arg23[%swap3A_310, %swap3A_311] {strides = array<i32>} : memref<32x128xf32, #tpu.memory_space<vmem>>, vector<16xf32>,
        tpu.vector_store %arg23[%swap3A_310, %swap3A_311], %mul3A_309 {strides = array<i32>} : memref<32x128xf32, #tpu.memory_space<vmem>>, vector<16xf32>,
        %get3A_313 = arith.index_cast %scan3A_277 : i32 to index
        %get3A_314 = arith.constant 64 : index
        %get3A_315 = tpu.vector_load %arg23[%get3A_313, %get3A_314] {strides = array<i32>} : memref<32x128xf32, #tpu.memory_space<vmem>>, vector<16xf32>,
        %mul3A_316 = arith.mulf %get3A_315, %gather3A : vector<16xf32>
        %swap3A_317 = arith.index_cast %scan3A_277 : i32 to index
        %swap3A_318 = arith.constant 64 : index
        %swap3A_319 = tpu.vector_load %arg23[%swap3A_317, %swap3A_318] {strides = array<i32>} : memref<32x128xf32, #tpu.memory_space<vmem>>, vector<16xf32>,
        tpu.vector_store %arg23[%swap3A_317, %swap3A_318], %mul3A_316 {strides = array<i32>} : memref<32x128xf32, #tpu.memory_space<vmem>>, vector<16xf32>,
        %get3A_320 = arith.index_cast %scan3A_277 : i32 to index
        %get3A_321 = arith.constant 80 : index
        %get3A_322 = tpu.vector_load %arg23[%get3A_320, %get3A_321] {strides = array<i32>} : memref<32x128xf32, #tpu.memory_space<vmem>>, vector<16xf32>,
        %mul3A_323 = arith.mulf %get3A_322, %gather3A : vector<16xf32>
        %swap3A_324 = arith.index_cast %scan3A_277 : i32 to index
        %swap3A_325 = arith.constant 80 : index
        %swap3A_326 = tpu.vector_load %arg23[%swap3A_324, %swap3A_325] {strides = array<i32>} : memref<32x128xf32, #tpu.memory_space<vmem>>, vector<16xf32>,
        tpu.vector_store %arg23[%swap3A_324, %swap3A_325], %mul3A_323 {strides = array<i32>} : memref<32x128xf32, #tpu.memory_space<vmem>>, vector<16xf32>,
        %get3A_327 = arith.index_cast %scan3A_277 : i32 to index
        %get3A_328 = arith.constant 96 : index
        %get3A_329 = tpu.vector_load %arg23[%get3A_327, %get3A_328] {strides = array<i32>} : memref<32x128xf32, #tpu.memory_space<vmem>>, vector<16xf32>,
        %mul3A_330 = arith.mulf %get3A_329, %gather3A : vector<16xf32>
        %swap3A_331 = arith.index_cast %scan3A_277 : i32 to index
        %swap3A_332 = arith.constant 96 : index
        %swap3A_333 = tpu.vector_load %arg23[%swap3A_331, %swap3A_332] {strides = array<i32>} : memref<32x128xf32, #tpu.memory_space<vmem>>, vector<16xf32>,
        tpu.vector_store %arg23[%swap3A_331, %swap3A_332], %mul3A_330 {strides = array<i32>} : memref<32x128xf32, #tpu.memory_space<vmem>>, vector<16xf32>,
        %get3A_334 = arith.index_cast %scan3A_277 : i32 to index
        %get3A_335 = arith.constant 112 : index
        %get3A_336 = tpu.vector_load %arg23[%get3A_334, %get3A_335] {strides = array<i32>} : memref<32x128xf32, #tpu.memory_space<vmem>>, vector<16xf32>,
        %mul3A_337 = arith.mulf %get3A_336, %gather3A : vector<16xf32>
        %swap3A_338 = arith.index_cast %scan3A_277 : i32 to index
        %swap3A_339 = arith.constant 112 : index
        %swap3A_340 = tpu.vector_load %arg23[%swap3A_338, %swap3A_339] {strides = array<i32>} : memref<32x128xf32, #tpu.memory_space<vmem>>, vector<16xf32>,
        tpu.vector_store %arg23[%swap3A_338, %swap3A_339], %mul3A_337 {strides = array<i32>} : memref<32x128xf32, #tpu.memory_space<vmem>>, vector<16xf32>,
      }
      %scan3A_264 = arith.constant 32 : i32
      %mul3A_265 = arith.constant 10240 : i32
      %mul3A_266 = arith.muli %arg0, %mul3A_265 : i32
      %mul3A_267 = arith.constant 640 : i32
      %mul3A_268 = arith.muli %arg1, %mul3A_267 : i32
      %add3A_269 = arith.addi %mul3A_266, %mul3A_268 : i32
      %mul3A_270 = arith.constant 32 : i32
      %mul3A_271 = arith.muli %add3A_209, %mul3A_270 : i32
      %add3A_272 = arith.addi %add3A_269, %mul3A_271 : i32
      %dma_start3A_273 = arith.constant 0 : i32
      %dma_start3A_274 = tpu.memref_slice %arg6[%add3A_272, %dma_start3A_273] : memref<20480x128xf32, #tpu.memory_space<hbm>> -> memref<32x128xf32, #tpu.memory_space<hbm>>
      %dma_start3A_275 = arith.constant 0 : i32
      %dma_start3A_276 = tpu.memref_slice %arg6[%add3A_272, %dma_start3A_275] : memref<20480x128xf32, #tpu.memory_space<hbm>> -> memref<32x128xf32, #tpu.memory_space<hbm>>
      tpu.enqueue_dma source(%arg23 : memref<32x128xf32, #tpu.memory_space<vmem>>) target(%dma_start3A_276 : memref<32x128xf32, #tpu.memory_space<hbm>>) target_semaphore(%arg33 : memref<!tpu.dma_semaphore, #tpu.memory_space<semaphore_mem>>)
    }
    %scan3A_70 = arith.constant 10 : i32
    %mul3A_71 = arith.constant 10240 : i32
    %mul3A_72 = arith.muli %arg0, %mul3A_71 : i32
    %mul3A_73 = arith.constant 640 : i32
    %mul3A_74 = arith.muli %arg1, %mul3A_73 : i32
    %add3A_75 = arith.addi %mul3A_72, %mul3A_74 : i32
    %add3A_76 = arith.constant 576 : i32
    %add3A_77 = arith.addi %add3A_75, %add3A_76 : i32
    %dma_wait3A_78 = arith.constant 0 : i32
    %dma_wait3A_79 = tpu.memref_slice %arg6[%add3A_77, %dma_wait3A_78] : memref<20480x128xf32, #tpu.memory_space<hbm>> -> memref<32x128xf32, #tpu.memory_space<hbm>>
    %dma_wait3A_80 = arith.constant 0 : i32
    %dma_wait3A_81 = tpu.memref_slice %arg6[%add3A_77, %dma_wait3A_80] : memref<20480x128xf32, #tpu.memory_space<hbm>> -> memref<32x128xf32, #tpu.memory_space<hbm>>
    tpu.wait_dma2 semaphore(%arg32 : memref<!tpu.dma_semaphore, #tpu.memory_space<semaphore_mem>>) src(%arg13 : memref<32x128xf32, #tpu.memory_space<vmem>>) dst(%dma_wait3A_81 : memref<32x128xf32, #tpu.memory_space<hbm>>)
    %mul3A_82 = arith.constant 10240 : i32
    %mul3A_83 = arith.muli %arg0, %mul3A_82 : i32
    %mul3A_84 = arith.constant 640 : i32
    %mul3A_85 = arith.muli %arg1, %mul3A_84 : i32
    %add3A_86 = arith.addi %mul3A_83, %mul3A_85 : i32
    %add3A_87 = arith.constant 608 : i32
    %add3A_88 = arith.addi %add3A_86, %add3A_87 : i32
    %dma_wait3A_89 = arith.constant 0 : i32
    %dma_wait3A_90 = tpu.memref_slice %arg6[%add3A_88, %dma_wait3A_89] : memref<20480x128xf32, #tpu.memory_space<hbm>> -> memref<32x128xf32, #tpu.memory_space<hbm>>
    %dma_wait3A_91 = arith.constant 0 : i32
    %dma_wait3A_92 = tpu.memref_slice %arg6[%add3A_88, %dma_wait3A_91] : memref<20480x128xf32, #tpu.memory_space<hbm>> -> memref<32x128xf32, #tpu.memory_space<hbm>>
    tpu.wait_dma2 semaphore(%arg33 : memref<!tpu.dma_semaphore, #tpu.memory_space<semaphore_mem>>) src(%arg23 : memref<32x128xf32, #tpu.memory_space<vmem>>) dst(%dma_wait3A_92 : memref<32x128xf32, #tpu.memory_space<hbm>>)
    %barrier3A_93 = arith.constant 0 : index
    tpu.barrier barrier_id(%barrier3A_93)
    %mul3A_94 = arith.constant 10240 : i32
    %mul3A_95 = arith.muli %arg0, %mul3A_94 : i32
    %mul3A_96 = arith.constant 160000 : i32
    %mul3A_97 = arith.muli %arg0, %mul3A_96 : i32
    %mul3A_98 = arith.constant 10000 : i32
    %mul3A_99 = arith.muli %arg1, %mul3A_98 : i32
    %add3A_100 = arith.addi %mul3A_97, %mul3A_99 : i32
    %add3A_101 = arith.constant 0 : i32
    %add3A_102 = arith.addi %add3A_100, %add3A_101 : i32
    "tpu.region"() ({
      %run_scoped3A = tpu.sem_alloc : memref<!tpu.dma_semaphore, #tpu.memory_space<semaphore_mem>>
      %dma_start3A_203 = tpu.memref_slice %arg3[%add3A_102] : memref<320000xi32, #tpu.memory_space<hbm>> -> memref<2000xi32, #tpu.memory_space<hbm>>
      %dma_start3A_204 = tpu.memref_slice %arg3[%add3A_102] : memref<320000xi32, #tpu.memory_space<hbm>> -> memref<2000xi32, #tpu.memory_space<hbm>>
      tpu.enqueue_dma source(%dma_start3A_204 : memref<2000xi32, #tpu.memory_space<hbm>>) target(%arg14 : memref<2000xi32, #tpu.memory_space<vmem>>) target_semaphore(%run_scoped3A : memref<!tpu.dma_semaphore, #tpu.memory_space<semaphore_mem>>)
      %dma_wait3A_205 = tpu.memref_slice %arg3[%add3A_102] : memref<320000xi32, #tpu.memory_space<hbm>> -> memref<2000xi32, #tpu.memory_space<hbm>>
      %dma_wait3A_206 = tpu.memref_slice %arg3[%add3A_102] : memref<320000xi32, #tpu.memory_space<hbm>> -> memref<2000xi32, #tpu.memory_space<hbm>>
      tpu.wait_dma2 semaphore(%run_scoped3A : memref<!tpu.dma_semaphore, #tpu.memory_space<semaphore_mem>>) src(%dma_wait3A_206 : memref<2000xi32, #tpu.memory_space<hbm>>) dst(%arg14 : memref<2000xi32, #tpu.memory_space<vmem>>)
      tpu.yield
    }) : () -> ()
    "tpu.region"() ({
      %run_scoped3A = tpu.sem_alloc : memref<!tpu.dma_semaphore, #tpu.memory_space<semaphore_mem>>
      %dma_start3A_203 = tpu.memref_slice %arg4[%add3A_102] : memref<320000xi32, #tpu.memory_space<hbm>> -> memref<2000xi32, #tpu.memory_space<hbm>>
      %dma_start3A_204 = tpu.memref_slice %arg4[%add3A_102] : memref<320000xi32, #tpu.memory_space<hbm>> -> memref<2000xi32, #tpu.memory_space<hbm>>
      tpu.enqueue_dma source(%dma_start3A_204 : memref<2000xi32, #tpu.memory_space<hbm>>) target(%arg15 : memref<2000xi32, #tpu.memory_space<vmem>>) target_semaphore(%run_scoped3A : memref<!tpu.dma_semaphore, #tpu.memory_space<semaphore_mem>>)
      %dma_wait3A_205 = tpu.memref_slice %arg4[%add3A_102] : memref<320000xi32, #tpu.memory_space<hbm>> -> memref<2000xi32, #tpu.memory_space<hbm>>
      %dma_wait3A_206 = tpu.memref_slice %arg4[%add3A_102] : memref<320000xi32, #tpu.memory_space<hbm>> -> memref<2000xi32, #tpu.memory_space<hbm>>
      tpu.wait_dma2 semaphore(%run_scoped3A : memref<!tpu.dma_semaphore, #tpu.memory_space<semaphore_mem>>) src(%dma_wait3A_206 : memref<2000xi32, #tpu.memory_space<hbm>>) dst(%arg15 : memref<2000xi32, #tpu.memory_space<vmem>>)
      tpu.yield
    }) : () -> ()
    %get3A = arith.constant 0 : index
    %get3A_103 = tpu.vector_load %arg14[%get3A] {strides = array<i32>} : memref<2000xi32, #tpu.memory_space<vmem>>, vector<16xi32>,
    %add3A_104 = vector.broadcast %mul3A_95 : i32 to vector<16xi32>
    %add3A_105 = arith.addi %get3A_103, %add3A_104 : vector<16xi32>
    %swap3A = arith.constant 0 : index
    %swap3A_106 = tpu.vector_load %arg16[%swap3A] {strides = array<i32>} : memref<80xi32, #tpu.memory_space<vmem>>, vector<16xi32>,
    tpu.vector_store %arg16[%swap3A], %add3A_105 {strides = array<i32>} : memref<80xi32, #tpu.memory_space<vmem>>, vector<16xi32>,
    %get3A_107 = arith.constant 0 : index
    %get3A_108 = tpu.vector_load %arg15[%get3A_107] {strides = array<i32>} : memref<2000xi32, #tpu.memory_space<vmem>>, vector<16xi32>,
    %swap3A_109 = arith.constant 0 : index
    %swap3A_110 = tpu.vector_load %arg17[%swap3A_109] {strides = array<i32>} : memref<80xi32, #tpu.memory_space<vmem>>, vector<16xi32>,
    tpu.vector_store %arg17[%swap3A_109], %get3A_108 {strides = array<i32>} : memref<80xi32, #tpu.memory_space<vmem>>, vector<16xi32>,
    %get3A_111 = arith.constant 16 : index
    %get3A_112 = tpu.vector_load %arg14[%get3A_111] {strides = array<i32>} : memref<2000xi32, #tpu.memory_space<vmem>>, vector<16xi32>,
    %add3A_113 = vector.broadcast %mul3A_95 : i32 to vector<16xi32>
    %add3A_114 = arith.addi %get3A_112, %add3A_113 : vector<16xi32>
    %swap3A_115 = arith.constant 16 : index
    %swap3A_116 = tpu.vector_load %arg16[%swap3A_115] {strides = array<i32>} : memref<80xi32, #tpu.memory_space<vmem>>, vector<16xi32>,
    tpu.vector_store %arg16[%swap3A_115], %add3A_114 {strides = array<i32>} : memref<80xi32, #tpu.memory_space<vmem>>, vector<16xi32>,
    %get3A_117 = arith.constant 16 : index
    %get3A_118 = tpu.vector_load %arg15[%get3A_117] {strides = array<i32>} : memref<2000xi32, #tpu.memory_space<vmem>>, vector<16xi32>,
    %swap3A_119 = arith.constant 16 : index
    %swap3A_120 = tpu.vector_load %arg17[%swap3A_119] {strides = array<i32>} : memref<80xi32, #tpu.memory_space<vmem>>, vector<16xi32>,
    tpu.vector_store %arg17[%swap3A_119], %get3A_118 {strides = array<i32>} : memref<80xi32, #tpu.memory_space<vmem>>, vector<16xi32>,
    %get3A_121 = arith.constant 32 : index
    %get3A_122 = tpu.vector_load %arg14[%get3A_121] {strides = array<i32>} : memref<2000xi32, #tpu.memory_space<vmem>>, vector<16xi32>,
    %add3A_123 = vector.broadcast %mul3A_95 : i32 to vector<16xi32>
    %add3A_124 = arith.addi %get3A_122, %add3A_123 : vector<16xi32>
    %swap3A_125 = arith.constant 32 : index
    %swap3A_126 = tpu.vector_load %arg16[%swap3A_125] {strides = array<i32>} : memref<80xi32, #tpu.memory_space<vmem>>, vector<16xi32>,
    tpu.vector_store %arg16[%swap3A_125], %add3A_124 {strides = array<i32>} : memref<80xi32, #tpu.memory_space<vmem>>, vector<16xi32>,
    %get3A_127 = arith.constant 32 : index
    %get3A_128 = tpu.vector_load %arg15[%get3A_127] {strides = array<i32>} : memref<2000xi32, #tpu.memory_space<vmem>>, vector<16xi32>,
    %swap3A_129 = arith.constant 32 : index
    %swap3A_130 = tpu.vector_load %arg17[%swap3A_129] {strides = array<i32>} : memref<80xi32, #tpu.memory_space<vmem>>, vector<16xi32>,
    tpu.vector_store %arg17[%swap3A_129], %get3A_128 {strides = array<i32>} : memref<80xi32, #tpu.memory_space<vmem>>, vector<16xi32>,
    %get3A_131 = arith.constant 48 : index
    %get3A_132 = tpu.vector_load %arg14[%get3A_131] {strides = array<i32>} : memref<2000xi32, #tpu.memory_space<vmem>>, vector<16xi32>,
    %add3A_133 = vector.broadcast %mul3A_95 : i32 to vector<16xi32>
    %add3A_134 = arith.addi %get3A_132, %add3A_133 : vector<16xi32>
    %swap3A_135 = arith.constant 48 : index
    %swap3A_136 = tpu.vector_load %arg16[%swap3A_135] {strides = array<i32>} : memref<80xi32, #tpu.memory_space<vmem>>, vector<16xi32>,
    tpu.vector_store %arg16[%swap3A_135], %add3A_134 {strides = array<i32>} : memref<80xi32, #tpu.memory_space<vmem>>, vector<16xi32>,
    %get3A_137 = arith.constant 48 : index
    %get3A_138 = tpu.vector_load %arg15[%get3A_137] {strides = array<i32>} : memref<2000xi32, #tpu.memory_space<vmem>>, vector<16xi32>,
    %swap3A_139 = arith.constant 48 : index
    %swap3A_140 = tpu.vector_load %arg17[%swap3A_139] {strides = array<i32>} : memref<80xi32, #tpu.memory_space<vmem>>, vector<16xi32>,
    tpu.vector_store %arg17[%swap3A_139], %get3A_138 {strides = array<i32>} : memref<80xi32, #tpu.memory_space<vmem>>, vector<16xi32>,
    %get3A_141 = arith.constant 64 : index
    %get3A_142 = tpu.vector_load %arg14[%get3A_141] {strides = array<i32>} : memref<2000xi32, #tpu.memory_space<vmem>>, vector<16xi32>,
    %add3A_143 = vector.broadcast %mul3A_95 : i32 to vector<16xi32>
    %add3A_144 = arith.addi %get3A_142, %add3A_143 : vector<16xi32>
    %swap3A_145 = arith.constant 64 : index
    %swap3A_146 = tpu.vector_load %arg16[%swap3A_145] {strides = array<i32>} : memref<80xi32, #tpu.memory_space<vmem>>, vector<16xi32>,
    tpu.vector_store %arg16[%swap3A_145], %add3A_144 {strides = array<i32>} : memref<80xi32, #tpu.memory_space<vmem>>, vector<16xi32>,
    %get3A_147 = arith.constant 64 : index
    %get3A_148 = tpu.vector_load %arg15[%get3A_147] {strides = array<i32>} : memref<2000xi32, #tpu.memory_space<vmem>>, vector<16xi32>,
    %swap3A_149 = arith.constant 64 : index
    %swap3A_150 = tpu.vector_load %arg17[%swap3A_149] {strides = array<i32>} : memref<80xi32, #tpu.memory_space<vmem>>, vector<16xi32>,
    tpu.vector_store %arg17[%swap3A_149], %get3A_148 {strides = array<i32>} : memref<80xi32, #tpu.memory_space<vmem>>, vector<16xi32>,
    %dma_start3A_151 = arith.constant 0 : i32
    %dma_start3A_152 = arith.constant 0 : i32
    %dma_start3A_153 = tpu.memref_slice %arg6[%dma_start3A_151, %dma_start3A_152] : memref<20480x128xf32, #tpu.memory_space<hbm>> -> memref<20480x128xf32, #tpu.memory_space<hbm>>
    tpu.enqueue_indirect_dma source(%dma_start3A_153 : memref<20480x128xf32, #tpu.memory_space<hbm>>) target(%arg20 : memref<80x128xf32, #tpu.memory_space<vmem>>) offsets(%arg16 : memref<80xi32, #tpu.memory_space<vmem>>) semaphore(%arg25 : memref<!tpu.dma_semaphore, #tpu.memory_space<semaphore_mem>>)
    %scan3A_154 = arith.constant 0 : i32
    %scan3A_155 = arith.constant 62 : i32
    %scan3A_156 = arith.addi %scan3A_154, %scan3A_155 : i32
    %scan3A_157 = arith.constant 1 : i32
    scf.for %scan3A_203 = %scan3A_154 to %scan3A_156 step %scan3A_157  : i32 {
      %mul3A_204 = arith.constant 2 : i32
      %mul3A_205 = arith.muli %mul3A_204, %scan3A_203 : i32
      %add3A_206 = arith.constant 1 : i32
      %add3A_207 = arith.addi %mul3A_205, %add3A_206 : i32
      %ge3A = arith.constant 2 : i32
      %ge3A_208 = arith.cmpi sge, %add3A_207, %ge3A : i32
      %convert_element_type3A = arith.extui %ge3A_208 : i1 to i32
      %cond3A = arith.constant 0 : i32
      %cond3A_209 = arith.cmpi ne, %convert_element_type3A, %cond3A : i32
      scf.if %cond3A_209 {
        %dma_wait3A_448 = arith.constant 0 : i32
        %dma_wait3A_449 = arith.constant 0 : i32
        %dma_wait3A_450 = tpu.memref_slice %arg8[%dma_wait3A_448, %dma_wait3A_449] : memref<10240x128xf32, #tpu.memory_space<vmem_shared>> -> memref<10240x128xf32, #tpu.memory_space<vmem_shared>>
        tpu.wait_indirect_dma semaphore(%arg28 : memref<!tpu.dma_semaphore, #tpu.memory_space<semaphore_mem>>) src(%arg21 : memref<80x128xf32, #tpu.memory_space<vmem>>) dst(%dma_wait3A_450 : memref<10240x128xf32, #tpu.memory_space<vmem_shared>>)
      } else {
      }
      %jit3A = arith.constant 25 : i32
      %eq3A = arith.constant 0 : i32
      %eq3A_210 = arith.cmpi eq, %jit3A, %eq3A : i32
      %jit3A_211 = arith.constant 1 : i32
      %select_n3A = arith.select %eq3A_210, %jit3A_211, %jit3A : i32
      %rem3A = arith.remsi %add3A_207, %select_n3A : i32
      %ne3A = arith.constant 0 : i32
      %ne3A_212 = arith.cmpi ne, %rem3A, %ne3A : i32
      %lt3A = arith.constant 0 : i32
      %lt3A_213 = arith.cmpi slt, %rem3A, %lt3A : i32
      %lt3A_214 = arith.constant 0 : i32
      %lt3A_215 = arith.cmpi slt, %select_n3A, %lt3A_214 : i32
      %ne3A_216 = arith.xori %lt3A_213, %lt3A_215 : i1
      %and3A = arith.andi %ne3A_216, %ne3A_212 : i1
      %add3A_217 = arith.addi %rem3A, %select_n3A : i32
      %select_n3A_218 = arith.select %and3A, %add3A_217, %rem3A : i32
      %eq3A_219 = arith.constant 0 : i32
      %eq3A_220 = arith.cmpi eq, %select_n3A_218, %eq3A_219 : i32
      %convert_element_type3A_221 = arith.extui %eq3A_220 : i1 to i32
      %cond3A_222 = arith.constant 0 : i32
      %cond3A_223 = arith.cmpi ne, %convert_element_type3A_221, %cond3A_222 : i32
      scf.if %cond3A_223 {
        %mul3A_448 = arith.constant 160000 : i32
        %mul3A_449 = arith.muli %arg0, %mul3A_448 : i32
        %mul3A_450 = arith.constant 10000 : i32
        %mul3A_451 = arith.muli %arg1, %mul3A_450 : i32
        %add3A_452 = arith.addi %mul3A_449, %mul3A_451 : i32
        %jit3A_453 = arith.constant 25 : i32
        %div3A = arith.divsi %add3A_207, %jit3A_453 : i32
        %sign3A = arith.constant 0 : i32
        %sign3A_454 = arith.cmpi sgt, %add3A_207, %sign3A : i32
        %sign3A_455 = arith.extui %sign3A_454 : i1 to i32
        %sign3A_456 = arith.constant 0 : i32
        %sign3A_457 = arith.cmpi slt, %add3A_207, %sign3A_456 : i32
        %sign3A_458 = arith.extui %sign3A_457 : i1 to i32
        %sign3A_459 = arith.subi %sign3A_455, %sign3A_458 : i32
        %sign3A_460 = arith.constant 0 : i32
        %sign3A_461 = arith.cmpi sgt, %jit3A_453, %sign3A_460 : i32
        %sign3A_462 = arith.extui %sign3A_461 : i1 to i32
        %sign3A_463 = arith.constant 0 : i32
        %sign3A_464 = arith.cmpi slt, %jit3A_453, %sign3A_463 : i32
        %sign3A_465 = arith.extui %sign3A_464 : i1 to i32
        %sign3A_466 = arith.subi %sign3A_462, %sign3A_465 : i32
        %ne3A_467 = arith.cmpi ne, %sign3A_459, %sign3A_466 : i32
        %rem3A_468 = arith.remsi %add3A_207, %jit3A_453 : i32
        %ne3A_469 = arith.constant 0 : i32
        %ne3A_470 = arith.cmpi ne, %rem3A_468, %ne3A_469 : i32
        %and3A_471 = arith.andi %ne3A_467, %ne3A_470 : i1
        %sub3A = arith.constant 1 : i32
        %sub3A_472 = arith.subi %div3A, %sub3A : i32
        %select_n3A_473 = arith.select %and3A_471, %sub3A_472, %div3A : i32
        %mul3A_474 = arith.constant 2000 : i32
        %mul3A_475 = arith.muli %select_n3A_473, %mul3A_474 : i32
        %add3A_476 = arith.addi %add3A_452, %mul3A_475 : i32
        "tpu.region"() ({
          %run_scoped3A = tpu.sem_alloc : memref<!tpu.dma_semaphore, #tpu.memory_space<semaphore_mem>>
          %dma_start3A_477 = tpu.memref_slice %arg3[%add3A_476] : memref<320000xi32, #tpu.memory_space<hbm>> -> memref<2000xi32, #tpu.memory_space<hbm>>
          %dma_start3A_478 = tpu.memref_slice %arg3[%add3A_476] : memref<320000xi32, #tpu.memory_space<hbm>> -> memref<2000xi32, #tpu.memory_space<hbm>>
          tpu.enqueue_dma source(%dma_start3A_478 : memref<2000xi32, #tpu.memory_space<hbm>>) target(%arg14 : memref<2000xi32, #tpu.memory_space<vmem>>) target_semaphore(%run_scoped3A : memref<!tpu.dma_semaphore, #tpu.memory_space<semaphore_mem>>)
          %dma_wait3A_479 = tpu.memref_slice %arg3[%add3A_476] : memref<320000xi32, #tpu.memory_space<hbm>> -> memref<2000xi32, #tpu.memory_space<hbm>>
          %dma_wait3A_480 = tpu.memref_slice %arg3[%add3A_476] : memref<320000xi32, #tpu.memory_space<hbm>> -> memref<2000xi32, #tpu.memory_space<hbm>>
          tpu.wait_dma2 semaphore(%run_scoped3A : memref<!tpu.dma_semaphore, #tpu.memory_space<semaphore_mem>>) src(%dma_wait3A_480 : memref<2000xi32, #tpu.memory_space<hbm>>) dst(%arg14 : memref<2000xi32, #tpu.memory_space<vmem>>)
          tpu.yield
        }) : () -> ()
        "tpu.region"() ({
          %run_scoped3A = tpu.sem_alloc : memref<!tpu.dma_semaphore, #tpu.memory_space<semaphore_mem>>
          %dma_start3A_477 = tpu.memref_slice %arg4[%add3A_476] : memref<320000xi32, #tpu.memory_space<hbm>> -> memref<2000xi32, #tpu.memory_space<hbm>>
          %dma_start3A_478 = tpu.memref_slice %arg4[%add3A_476] : memref<320000xi32, #tpu.memory_space<hbm>> -> memref<2000xi32, #tpu.memory_space<hbm>>
          tpu.enqueue_dma source(%dma_start3A_478 : memref<2000xi32, #tpu.memory_space<hbm>>) target(%arg15 : memref<2000xi32, #tpu.memory_space<vmem>>) target_semaphore(%run_scoped3A : memref<!tpu.dma_semaphore, #tpu.memory_space<semaphore_mem>>)
          %dma_wait3A_479 = tpu.memref_slice %arg4[%add3A_476] : memref<320000xi32, #tpu.memory_space<hbm>> -> memref<2000xi32, #tpu.memory_space<hbm>>
          %dma_wait3A_480 = tpu.memref_slice %arg4[%add3A_476] : memref<320000xi32, #tpu.memory_space<hbm>> -> memref<2000xi32, #tpu.memory_space<hbm>>
          tpu.wait_dma2 semaphore(%run_scoped3A : memref<!tpu.dma_semaphore, #tpu.memory_space<semaphore_mem>>) src(%dma_wait3A_480 : memref<2000xi32, #tpu.memory_space<hbm>>) dst(%arg15 : memref<2000xi32, #tpu.memory_space<vmem>>)
          tpu.yield
        }) : () -> ()
      } else {
      }
      %jit3A_224 = arith.constant 25 : i32
      %eq3A_225 = arith.constant 0 : i32
      %eq3A_226 = arith.cmpi eq, %jit3A_224, %eq3A_225 : i32
      %jit3A_227 = arith.constant 1 : i32
      %select_n3A_228 = arith.select %eq3A_226, %jit3A_227, %jit3A_224 : i32
      %rem3A_229 = arith.remsi %add3A_207, %select_n3A_228 : i32
      %ne3A_230 = arith.constant 0 : i32
      %ne3A_231 = arith.cmpi ne, %rem3A_229, %ne3A_230 : i32
      %lt3A_232 = arith.constant 0 : i32
      %lt3A_233 = arith.cmpi slt, %rem3A_229, %lt3A_232 : i32
      %lt3A_234 = arith.constant 0 : i32
      %lt3A_235 = arith.cmpi slt, %select_n3A_228, %lt3A_234 : i32
      %ne3A_236 = arith.xori %lt3A_233, %lt3A_235 : i1
      %and3A_237 = arith.andi %ne3A_236, %ne3A_231 : i1
      %add3A_238 = arith.addi %rem3A_229, %select_n3A_228 : i32
      %select_n3A_239 = arith.select %and3A_237, %add3A_238, %rem3A_229 : i32
      %mul3A_240 = arith.constant 80 : i32
      %mul3A_241 = arith.muli %select_n3A_239, %mul3A_240 : i32
      %add3A_242 = arith.constant 0 : i32
      %add3A_243 = arith.addi %mul3A_241, %add3A_242 : i32
      %get3A_244 = arith.index_cast %add3A_243 : i32 to index
      %get3A_245 = tpu.vector_load %arg14[%get3A_244] {strides = array<i32>} : memref<2000xi32, #tpu.memory_space<vmem>>, vector<16xi32>,
      %add3A_246 = vector.broadcast %mul3A_95 : i32 to vector<16xi32>
      %add3A_247 = arith.addi %get3A_245, %add3A_246 : vector<16xi32>
      %swap3A_248 = arith.constant 0 : index
      %swap3A_249 = tpu.vector_load %arg18[%swap3A_248] {strides = array<i32>} : memref<80xi32, #tpu.memory_space<vmem>>, vector<16xi32>,
      tpu.vector_store %arg18[%swap3A_248], %add3A_247 {strides = array<i32>} : memref<80xi32, #tpu.memory_space<vmem>>, vector<16xi32>,
      %add3A_250 = arith.constant 0 : i32
      %add3A_251 = arith.addi %mul3A_241, %add3A_250 : i32
      %get3A_252 = arith.index_cast %add3A_251 : i32 to index
      %get3A_253 = tpu.vector_load %arg15[%get3A_252] {strides = array<i32>} : memref<2000xi32, #tpu.memory_space<vmem>>, vector<16xi32>,
      %swap3A_254 = arith.constant 0 : index
      %swap3A_255 = tpu.vector_load %arg19[%swap3A_254] {strides = array<i32>} : memref<80xi32, #tpu.memory_space<vmem>>, vector<16xi32>,
      tpu.vector_store %arg19[%swap3A_254], %get3A_253 {strides = array<i32>} : memref<80xi32, #tpu.memory_space<vmem>>, vector<16xi32>,
      %add3A_256 = arith.constant 16 : i32
      %add3A_257 = arith.addi %mul3A_241, %add3A_256 : i32
      %get3A_258 = arith.index_cast %add3A_257 : i32 to index
      %get3A_259 = tpu.vector_load %arg14[%get3A_258] {strides = array<i32>} : memref<2000xi32, #tpu.memory_space<vmem>>, vector<16xi32>,
      %add3A_260 = vector.broadcast %mul3A_95 : i32 to vector<16xi32>
      %add3A_261 = arith.addi %get3A_259, %add3A_260 : vector<16xi32>
      %swap3A_262 = arith.constant 16 : index
      %swap3A_263 = tpu.vector_load %arg18[%swap3A_262] {strides = array<i32>} : memref<80xi32, #tpu.memory_space<vmem>>, vector<16xi32>,
      tpu.vector_store %arg18[%swap3A_262], %add3A_261 {strides = array<i32>} : memref<80xi32, #tpu.memory_space<vmem>>, vector<16xi32>,
      %add3A_264 = arith.constant 16 : i32
      %add3A_265 = arith.addi %mul3A_241, %add3A_264 : i32
      %get3A_266 = arith.index_cast %add3A_265 : i32 to index
      %get3A_267 = tpu.vector_load %arg15[%get3A_266] {strides = array<i32>} : memref<2000xi32, #tpu.memory_space<vmem>>, vector<16xi32>,
      %swap3A_268 = arith.constant 16 : index
      %swap3A_269 = tpu.vector_load %arg19[%swap3A_268] {strides = array<i32>} : memref<80xi32, #tpu.memory_space<vmem>>, vector<16xi32>,
      tpu.vector_store %arg19[%swap3A_268], %get3A_267 {strides = array<i32>} : memref<80xi32, #tpu.memory_space<vmem>>, vector<16xi32>,
      %add3A_270 = arith.constant 32 : i32
      %add3A_271 = arith.addi %mul3A_241, %add3A_270 : i32
      %get3A_272 = arith.index_cast %add3A_271 : i32 to index
      %get3A_273 = tpu.vector_load %arg14[%get3A_272] {strides = array<i32>} : memref<2000xi32, #tpu.memory_space<vmem>>, vector<16xi32>,
      %add3A_274 = vector.broadcast %mul3A_95 : i32 to vector<16xi32>
      %add3A_275 = arith.addi %get3A_273, %add3A_274 : vector<16xi32>
      %swap3A_276 = arith.constant 32 : index
      %swap3A_277 = tpu.vector_load %arg18[%swap3A_276] {strides = array<i32>} : memref<80xi32, #tpu.memory_space<vmem>>, vector<16xi32>,
      tpu.vector_store %arg18[%swap3A_276], %add3A_275 {strides = array<i32>} : memref<80xi32, #tpu.memory_space<vmem>>, vector<16xi32>,
      %add3A_278 = arith.constant 32 : i32
      %add3A_279 = arith.addi %mul3A_241, %add3A_278 : i32
      %get3A_280 = arith.index_cast %add3A_279 : i32 to index
      %get3A_281 = tpu.vector_load %arg15[%get3A_280] {strides = array<i32>} : memref<2000xi32, #tpu.memory_space<vmem>>, vector<16xi32>,
      %swap3A_282 = arith.constant 32 : index
      %swap3A_283 = tpu.vector_load %arg19[%swap3A_282] {strides = array<i32>} : memref<80xi32, #tpu.memory_space<vmem>>, vector<16xi32>,
      tpu.vector_store %arg19[%swap3A_282], %get3A_281 {strides = array<i32>} : memref<80xi32, #tpu.memory_space<vmem>>, vector<16xi32>,
      %add3A_284 = arith.constant 48 : i32
      %add3A_285 = arith.addi %mul3A_241, %add3A_284 : i32
      %get3A_286 = arith.index_cast %add3A_285 : i32 to index
      %get3A_287 = tpu.vector_load %arg14[%get3A_286] {strides = array<i32>} : memref<2000xi32, #tpu.memory_space<vmem>>, vector<16xi32>,
      %add3A_288 = vector.broadcast %mul3A_95 : i32 to vector<16xi32>
      %add3A_289 = arith.addi %get3A_287, %add3A_288 : vector<16xi32>
      %swap3A_290 = arith.constant 48 : index
      %swap3A_291 = tpu.vector_load %arg18[%swap3A_290] {strides = array<i32>} : memref<80xi32, #tpu.memory_space<vmem>>, vector<16xi32>,
      tpu.vector_store %arg18[%swap3A_290], %add3A_289 {strides = array<i32>} : memref<80xi32, #tpu.memory_space<vmem>>, vector<16xi32>,
      %add3A_292 = arith.constant 48 : i32
      %add3A_293 = arith.addi %mul3A_241, %add3A_292 : i32
      %get3A_294 = arith.index_cast %add3A_293 : i32 to index
      %get3A_295 = tpu.vector_load %arg15[%get3A_294] {strides = array<i32>} : memref<2000xi32, #tpu.memory_space<vmem>>, vector<16xi32>,
      %swap3A_296 = arith.constant 48 : index
      %swap3A_297 = tpu.vector_load %arg19[%swap3A_296] {strides = array<i32>} : memref<80xi32, #tpu.memory_space<vmem>>, vector<16xi32>,
      tpu.vector_store %arg19[%swap3A_296], %get3A_295 {strides = array<i32>} : memref<80xi32, #tpu.memory_space<vmem>>, vector<16xi32>,
      %add3A_298 = arith.constant 64 : i32
      %add3A_299 = arith.addi %mul3A_241, %add3A_298 : i32
      %get3A_300 = arith.index_cast %add3A_299 : i32 to index
      %get3A_301 = tpu.vector_load %arg14[%get3A_300] {strides = array<i32>} : memref<2000xi32, #tpu.memory_space<vmem>>, vector<16xi32>,
      %add3A_302 = vector.broadcast %mul3A_95 : i32 to vector<16xi32>
      %add3A_303 = arith.addi %get3A_301, %add3A_302 : vector<16xi32>
      %swap3A_304 = arith.constant 64 : index
      %swap3A_305 = tpu.vector_load %arg18[%swap3A_304] {strides = array<i32>} : memref<80xi32, #tpu.memory_space<vmem>>, vector<16xi32>,
      tpu.vector_store %arg18[%swap3A_304], %add3A_303 {strides = array<i32>} : memref<80xi32, #tpu.memory_space<vmem>>, vector<16xi32>,
      %add3A_306 = arith.constant 64 : i32
      %add3A_307 = arith.addi %mul3A_241, %add3A_306 : i32
      %get3A_308 = arith.index_cast %add3A_307 : i32 to index
      %get3A_309 = tpu.vector_load %arg15[%get3A_308] {strides = array<i32>} : memref<2000xi32, #tpu.memory_space<vmem>>, vector<16xi32>,
      %swap3A_310 = arith.constant 64 : index
      %swap3A_311 = tpu.vector_load %arg19[%swap3A_310] {strides = array<i32>} : memref<80xi32, #tpu.memory_space<vmem>>, vector<16xi32>,
      tpu.vector_store %arg19[%swap3A_310], %get3A_309 {strides = array<i32>} : memref<80xi32, #tpu.memory_space<vmem>>, vector<16xi32>,
      %dma_start3A_312 = arith.constant 0 : i32
      %dma_start3A_313 = arith.constant 0 : i32
      %dma_start3A_314 = tpu.memref_slice %arg6[%dma_start3A_312, %dma_start3A_313] : memref<20480x128xf32, #tpu.memory_space<hbm>> -> memref<20480x128xf32, #tpu.memory_space<hbm>>
      tpu.enqueue_indirect_dma source(%dma_start3A_314 : memref<20480x128xf32, #tpu.memory_space<hbm>>) target(%arg21 : memref<80x128xf32, #tpu.memory_space<vmem>>) offsets(%arg18 : memref<80xi32, #tpu.memory_space<vmem>>) semaphore(%arg26 : memref<!tpu.dma_semaphore, #tpu.memory_space<semaphore_mem>>)
      %dma_wait3A_315 = arith.constant 0 : i32
      %dma_wait3A_316 = arith.constant 0 : i32
      %dma_wait3A_317 = tpu.memref_slice %arg6[%dma_wait3A_315, %dma_wait3A_316] : memref<20480x128xf32, #tpu.memory_space<hbm>> -> memref<20480x128xf32, #tpu.memory_space<hbm>>
      tpu.wait_indirect_dma semaphore(%arg25 : memref<!tpu.dma_semaphore, #tpu.memory_space<semaphore_mem>>) src(%dma_wait3A_317 : memref<20480x128xf32, #tpu.memory_space<hbm>>) dst(%arg20 : memref<80x128xf32, #tpu.memory_space<vmem>>)
      %dma_start3A_318 = arith.constant 0 : i32
      %dma_start3A_319 = arith.constant 0 : i32
      %dma_start3A_320 = tpu.memref_slice %arg8[%dma_start3A_318, %dma_start3A_319] : memref<10240x128xf32, #tpu.memory_space<vmem_shared>> -> memref<10240x128xf32, #tpu.memory_space<vmem_shared>>
      tpu.enqueue_indirect_dma source(%arg20 : memref<80x128xf32, #tpu.memory_space<vmem>>) target(%dma_start3A_320 : memref<10240x128xf32, #tpu.memory_space<vmem_shared>>) offsets(%arg17 : memref<80xi32, #tpu.memory_space<vmem>>) semaphore(%arg27 : memref<!tpu.dma_semaphore, #tpu.memory_space<semaphore_mem>>) {add = true}
      %mul3A_321 = arith.constant 2 : i32
      %mul3A_322 = arith.muli %mul3A_321, %scan3A_203 : i32
      %add3A_323 = arith.constant 2 : i32
      %add3A_324 = arith.addi %mul3A_322, %add3A_323 : i32
      %ge3A_325 = arith.constant 2 : i32
      %ge3A_326 = arith.cmpi sge, %add3A_324, %ge3A_325 : i32
      %convert_element_type3A_327 = arith.extui %ge3A_326 : i1 to i32
      %cond3A_328 = arith.constant 0 : i32
      %cond3A_329 = arith.cmpi ne, %convert_element_type3A_327, %cond3A_328 : i32
      scf.if %cond3A_329 {
        %dma_wait3A_448 = arith.constant 0 : i32
        %dma_wait3A_449 = arith.constant 0 : i32
        %dma_wait3A_450 = tpu.memref_slice %arg8[%dma_wait3A_448, %dma_wait3A_449] : memref<10240x128xf32, #tpu.memory_space<vmem_shared>> -> memref<10240x128xf32, #tpu.memory_space<vmem_shared>>
        tpu.wait_indirect_dma semaphore(%arg27 : memref<!tpu.dma_semaphore, #tpu.memory_space<semaphore_mem>>) src(%arg20 : memref<80x128xf32, #tpu.memory_space<vmem>>) dst(%dma_wait3A_450 : memref<10240x128xf32, #tpu.memory_space<vmem_shared>>)
      } else {
      }
      %jit3A_330 = arith.constant 25 : i32
      %eq3A_331 = arith.constant 0 : i32
      %eq3A_332 = arith.cmpi eq, %jit3A_330, %eq3A_331 : i32
      %jit3A_333 = arith.constant 1 : i32
      %select_n3A_334 = arith.select %eq3A_332, %jit3A_333, %jit3A_330 : i32
      %rem3A_335 = arith.remsi %add3A_324, %select_n3A_334 : i32
      %ne3A_336 = arith.constant 0 : i32
      %ne3A_337 = arith.cmpi ne, %rem3A_335, %ne3A_336 : i32
      %lt3A_338 = arith.constant 0 : i32
      %lt3A_339 = arith.cmpi slt, %rem3A_335, %lt3A_338 : i32
      %lt3A_340 = arith.constant 0 : i32
      %lt3A_341 = arith.cmpi slt, %select_n3A_334, %lt3A_340 : i32
      %ne3A_342 = arith.xori %lt3A_339, %lt3A_341 : i1
      %and3A_343 = arith.andi %ne3A_342, %ne3A_337 : i1
      %add3A_344 = arith.addi %rem3A_335, %select_n3A_334 : i32
      %select_n3A_345 = arith.select %and3A_343, %add3A_344, %rem3A_335 : i32
      %eq3A_346 = arith.constant 0 : i32
      %eq3A_347 = arith.cmpi eq, %select_n3A_345, %eq3A_346 : i32
      %convert_element_type3A_348 = arith.extui %eq3A_347 : i1 to i32
      %cond3A_349 = arith.constant 0 : i32
      %cond3A_350 = arith.cmpi ne, %convert_element_type3A_348, %cond3A_349 : i32
      scf.if %cond3A_350 {
        %mul3A_448 = arith.constant 160000 : i32
        %mul3A_449 = arith.muli %arg0, %mul3A_448 : i32
        %mul3A_450 = arith.constant 10000 : i32
        %mul3A_451 = arith.muli %arg1, %mul3A_450 : i32
        %add3A_452 = arith.addi %mul3A_449, %mul3A_451 : i32
        %jit3A_453 = arith.constant 25 : i32
        %div3A = arith.divsi %add3A_324, %jit3A_453 : i32
        %sign3A = arith.constant 0 : i32
        %sign3A_454 = arith.cmpi sgt, %add3A_324, %sign3A : i32
        %sign3A_455 = arith.extui %sign3A_454 : i1 to i32
        %sign3A_456 = arith.constant 0 : i32
        %sign3A_457 = arith.cmpi slt, %add3A_324, %sign3A_456 : i32
        %sign3A_458 = arith.extui %sign3A_457 : i1 to i32
        %sign3A_459 = arith.subi %sign3A_455, %sign3A_458 : i32
        %sign3A_460 = arith.constant 0 : i32
        %sign3A_461 = arith.cmpi sgt, %jit3A_453, %sign3A_460 : i32
        %sign3A_462 = arith.extui %sign3A_461 : i1 to i32
        %sign3A_463 = arith.constant 0 : i32
        %sign3A_464 = arith.cmpi slt, %jit3A_453, %sign3A_463 : i32
        %sign3A_465 = arith.extui %sign3A_464 : i1 to i32
        %sign3A_466 = arith.subi %sign3A_462, %sign3A_465 : i32
        %ne3A_467 = arith.cmpi ne, %sign3A_459, %sign3A_466 : i32
        %rem3A_468 = arith.remsi %add3A_324, %jit3A_453 : i32
        %ne3A_469 = arith.constant 0 : i32
        %ne3A_470 = arith.cmpi ne, %rem3A_468, %ne3A_469 : i32
        %and3A_471 = arith.andi %ne3A_467, %ne3A_470 : i1
        %sub3A = arith.constant 1 : i32
        %sub3A_472 = arith.subi %div3A, %sub3A : i32
        %select_n3A_473 = arith.select %and3A_471, %sub3A_472, %div3A : i32
        %mul3A_474 = arith.constant 2000 : i32
        %mul3A_475 = arith.muli %select_n3A_473, %mul3A_474 : i32
        %add3A_476 = arith.addi %add3A_452, %mul3A_475 : i32
        "tpu.region"() ({
          %run_scoped3A = tpu.sem_alloc : memref<!tpu.dma_semaphore, #tpu.memory_space<semaphore_mem>>
          %dma_start3A_477 = tpu.memref_slice %arg3[%add3A_476] : memref<320000xi32, #tpu.memory_space<hbm>> -> memref<2000xi32, #tpu.memory_space<hbm>>
          %dma_start3A_478 = tpu.memref_slice %arg3[%add3A_476] : memref<320000xi32, #tpu.memory_space<hbm>> -> memref<2000xi32, #tpu.memory_space<hbm>>
          tpu.enqueue_dma source(%dma_start3A_478 : memref<2000xi32, #tpu.memory_space<hbm>>) target(%arg14 : memref<2000xi32, #tpu.memory_space<vmem>>) target_semaphore(%run_scoped3A : memref<!tpu.dma_semaphore, #tpu.memory_space<semaphore_mem>>)
          %dma_wait3A_479 = tpu.memref_slice %arg3[%add3A_476] : memref<320000xi32, #tpu.memory_space<hbm>> -> memref<2000xi32, #tpu.memory_space<hbm>>
          %dma_wait3A_480 = tpu.memref_slice %arg3[%add3A_476] : memref<320000xi32, #tpu.memory_space<hbm>> -> memref<2000xi32, #tpu.memory_space<hbm>>
          tpu.wait_dma2 semaphore(%run_scoped3A : memref<!tpu.dma_semaphore, #tpu.memory_space<semaphore_mem>>) src(%dma_wait3A_480 : memref<2000xi32, #tpu.memory_space<hbm>>) dst(%arg14 : memref<2000xi32, #tpu.memory_space<vmem>>)
          tpu.yield
        }) : () -> ()
        "tpu.region"() ({
          %run_scoped3A = tpu.sem_alloc : memref<!tpu.dma_semaphore, #tpu.memory_space<semaphore_mem>>
          %dma_start3A_477 = tpu.memref_slice %arg4[%add3A_476] : memref<320000xi32, #tpu.memory_space<hbm>> -> memref<2000xi32, #tpu.memory_space<hbm>>
          %dma_start3A_478 = tpu.memref_slice %arg4[%add3A_476] : memref<320000xi32, #tpu.memory_space<hbm>> -> memref<2000xi32, #tpu.memory_space<hbm>>
          tpu.enqueue_dma source(%dma_start3A_478 : memref<2000xi32, #tpu.memory_space<hbm>>) target(%arg15 : memref<2000xi32, #tpu.memory_space<vmem>>) target_semaphore(%run_scoped3A : memref<!tpu.dma_semaphore, #tpu.memory_space<semaphore_mem>>)
          %dma_wait3A_479 = tpu.memref_slice %arg4[%add3A_476] : memref<320000xi32, #tpu.memory_space<hbm>> -> memref<2000xi32, #tpu.memory_space<hbm>>
          %dma_wait3A_480 = tpu.memref_slice %arg4[%add3A_476] : memref<320000xi32, #tpu.memory_space<hbm>> -> memref<2000xi32, #tpu.memory_space<hbm>>
          tpu.wait_dma2 semaphore(%run_scoped3A : memref<!tpu.dma_semaphore, #tpu.memory_space<semaphore_mem>>) src(%dma_wait3A_480 : memref<2000xi32, #tpu.memory_space<hbm>>) dst(%arg15 : memref<2000xi32, #tpu.memory_space<vmem>>)
          tpu.yield
        }) : () -> ()
      } else {
      }
      %jit3A_351 = arith.constant 25 : i32
      %eq3A_352 = arith.constant 0 : i32
      %eq3A_353 = arith.cmpi eq, %jit3A_351, %eq3A_352 : i32
      %jit3A_354 = arith.constant 1 : i32
      %select_n3A_355 = arith.select %eq3A_353, %jit3A_354, %jit3A_351 : i32
      %rem3A_356 = arith.remsi %add3A_324, %select_n3A_355 : i32
      %ne3A_357 = arith.constant 0 : i32
      %ne3A_358 = arith.cmpi ne, %rem3A_356, %ne3A_357 : i32
      %lt3A_359 = arith.constant 0 : i32
      %lt3A_360 = arith.cmpi slt, %rem3A_356, %lt3A_359 : i32
      %lt3A_361 = arith.constant 0 : i32
      %lt3A_362 = arith.cmpi slt, %select_n3A_355, %lt3A_361 : i32
      %ne3A_363 = arith.xori %lt3A_360, %lt3A_362 : i1
      %and3A_364 = arith.andi %ne3A_363, %ne3A_358 : i1
      %add3A_365 = arith.addi %rem3A_356, %select_n3A_355 : i32
      %select_n3A_366 = arith.select %and3A_364, %add3A_365, %rem3A_356 : i32
      %mul3A_367 = arith.constant 80 : i32
      %mul3A_368 = arith.muli %select_n3A_366, %mul3A_367 : i32
      %add3A_369 = arith.constant 0 : i32
      %add3A_370 = arith.addi %mul3A_368, %add3A_369 : i32
      %get3A_371 = arith.index_cast %add3A_370 : i32 to index
      %get3A_372 = tpu.vector_load %arg14[%get3A_371] {strides = array<i32>} : memref<2000xi32, #tpu.memory_space<vmem>>, vector<16xi32>,
      %add3A_373 = vector.broadcast %mul3A_95 : i32 to vector<16xi32>
      %add3A_374 = arith.addi %get3A_372, %add3A_373 : vector<16xi32>
      %swap3A_375 = arith.constant 0 : index
      %swap3A_376 = tpu.vector_load %arg16[%swap3A_375] {strides = array<i32>} : memref<80xi32, #tpu.memory_space<vmem>>, vector<16xi32>,
      tpu.vector_store %arg16[%swap3A_375], %add3A_374 {strides = array<i32>} : memref<80xi32, #tpu.memory_space<vmem>>, vector<16xi32>,
      %add3A_377 = arith.constant 0 : i32
      %add3A_378 = arith.addi %mul3A_368, %add3A_377 : i32
      %get3A_379 = arith.index_cast %add3A_378 : i32 to index
      %get3A_380 = tpu.vector_load %arg15[%get3A_379] {strides = array<i32>} : memref<2000xi32, #tpu.memory_space<vmem>>, vector<16xi32>,
      %swap3A_381 = arith.constant 0 : index
      %swap3A_382 = tpu.vector_load %arg17[%swap3A_381] {strides = array<i32>} : memref<80xi32, #tpu.memory_space<vmem>>, vector<16xi32>,
      tpu.vector_store %arg17[%swap3A_381], %get3A_380 {strides = array<i32>} : memref<80xi32, #tpu.memory_space<vmem>>, vector<16xi32>,
      %add3A_383 = arith.constant 16 : i32
      %add3A_384 = arith.addi %mul3A_368, %add3A_383 : i32
      %get3A_385 = arith.index_cast %add3A_384 : i32 to index
      %get3A_386 = tpu.vector_load %arg14[%get3A_385] {strides = array<i32>} : memref<2000xi32, #tpu.memory_space<vmem>>, vector<16xi32>,
      %add3A_387 = vector.broadcast %mul3A_95 : i32 to vector<16xi32>
      %add3A_388 = arith.addi %get3A_386, %add3A_387 : vector<16xi32>
      %swap3A_389 = arith.constant 16 : index
      %swap3A_390 = tpu.vector_load %arg16[%swap3A_389] {strides = array<i32>} : memref<80xi32, #tpu.memory_space<vmem>>, vector<16xi32>,
      tpu.vector_store %arg16[%swap3A_389], %add3A_388 {strides = array<i32>} : memref<80xi32, #tpu.memory_space<vmem>>, vector<16xi32>,
      %add3A_391 = arith.constant 16 : i32
      %add3A_392 = arith.addi %mul3A_368, %add3A_391 : i32
      %get3A_393 = arith.index_cast %add3A_392 : i32 to index
      %get3A_394 = tpu.vector_load %arg15[%get3A_393] {strides = array<i32>} : memref<2000xi32, #tpu.memory_space<vmem>>, vector<16xi32>,
      %swap3A_395 = arith.constant 16 : index
      %swap3A_396 = tpu.vector_load %arg17[%swap3A_395] {strides = array<i32>} : memref<80xi32, #tpu.memory_space<vmem>>, vector<16xi32>,
      tpu.vector_store %arg17[%swap3A_395], %get3A_394 {strides = array<i32>} : memref<80xi32, #tpu.memory_space<vmem>>, vector<16xi32>,
      %add3A_397 = arith.constant 32 : i32
      %add3A_398 = arith.addi %mul3A_368, %add3A_397 : i32
      %get3A_399 = arith.index_cast %add3A_398 : i32 to index
      %get3A_400 = tpu.vector_load %arg14[%get3A_399] {strides = array<i32>} : memref<2000xi32, #tpu.memory_space<vmem>>, vector<16xi32>,
      %add3A_401 = vector.broadcast %mul3A_95 : i32 to vector<16xi32>
      %add3A_402 = arith.addi %get3A_400, %add3A_401 : vector<16xi32>
      %swap3A_403 = arith.constant 32 : index
      %swap3A_404 = tpu.vector_load %arg16[%swap3A_403] {strides = array<i32>} : memref<80xi32, #tpu.memory_space<vmem>>, vector<16xi32>,
      tpu.vector_store %arg16[%swap3A_403], %add3A_402 {strides = array<i32>} : memref<80xi32, #tpu.memory_space<vmem>>, vector<16xi32>,
      %add3A_405 = arith.constant 32 : i32
      %add3A_406 = arith.addi %mul3A_368, %add3A_405 : i32
      %get3A_407 = arith.index_cast %add3A_406 : i32 to index
      %get3A_408 = tpu.vector_load %arg15[%get3A_407] {strides = array<i32>} : memref<2000xi32, #tpu.memory_space<vmem>>, vector<16xi32>,
      %swap3A_409 = arith.constant 32 : index
      %swap3A_410 = tpu.vector_load %arg17[%swap3A_409] {strides = array<i32>} : memref<80xi32, #tpu.memory_space<vmem>>, vector<16xi32>,
      tpu.vector_store %arg17[%swap3A_409], %get3A_408 {strides = array<i32>} : memref<80xi32, #tpu.memory_space<vmem>>, vector<16xi32>,
      %add3A_411 = arith.constant 48 : i32
      %add3A_412 = arith.addi %mul3A_368, %add3A_411 : i32
      %get3A_413 = arith.index_cast %add3A_412 : i32 to index
      %get3A_414 = tpu.vector_load %arg14[%get3A_413] {strides = array<i32>} : memref<2000xi32, #tpu.memory_space<vmem>>, vector<16xi32>,
      %add3A_415 = vector.broadcast %mul3A_95 : i32 to vector<16xi32>
      %add3A_416 = arith.addi %get3A_414, %add3A_415 : vector<16xi32>
      %swap3A_417 = arith.constant 48 : index
      %swap3A_418 = tpu.vector_load %arg16[%swap3A_417] {strides = array<i32>} : memref<80xi32, #tpu.memory_space<vmem>>, vector<16xi32>,
      tpu.vector_store %arg16[%swap3A_417], %add3A_416 {strides = array<i32>} : memref<80xi32, #tpu.memory_space<vmem>>, vector<16xi32>,
      %add3A_419 = arith.constant 48 : i32
      %add3A_420 = arith.addi %mul3A_368, %add3A_419 : i32
      %get3A_421 = arith.index_cast %add3A_420 : i32 to index
      %get3A_422 = tpu.vector_load %arg15[%get3A_421] {strides = array<i32>} : memref<2000xi32, #tpu.memory_space<vmem>>, vector<16xi32>,
      %swap3A_423 = arith.constant 48 : index
      %swap3A_424 = tpu.vector_load %arg17[%swap3A_423] {strides = array<i32>} : memref<80xi32, #tpu.memory_space<vmem>>, vector<16xi32>,
      tpu.vector_store %arg17[%swap3A_423], %get3A_422 {strides = array<i32>} : memref<80xi32, #tpu.memory_space<vmem>>, vector<16xi32>,
      %add3A_425 = arith.constant 64 : i32
      %add3A_426 = arith.addi %mul3A_368, %add3A_425 : i32
      %get3A_427 = arith.index_cast %add3A_426 : i32 to index
      %get3A_428 = tpu.vector_load %arg14[%get3A_427] {strides = array<i32>} : memref<2000xi32, #tpu.memory_space<vmem>>, vector<16xi32>,
      %add3A_429 = vector.broadcast %mul3A_95 : i32 to vector<16xi32>
      %add3A_430 = arith.addi %get3A_428, %add3A_429 : vector<16xi32>
      %swap3A_431 = arith.constant 64 : index
      %swap3A_432 = tpu.vector_load %arg16[%swap3A_431] {strides = array<i32>} : memref<80xi32, #tpu.memory_space<vmem>>, vector<16xi32>,
      tpu.vector_store %arg16[%swap3A_431], %add3A_430 {strides = array<i32>} : memref<80xi32, #tpu.memory_space<vmem>>, vector<16xi32>,
      %add3A_433 = arith.constant 64 : i32
      %add3A_434 = arith.addi %mul3A_368, %add3A_433 : i32
      %get3A_435 = arith.index_cast %add3A_434 : i32 to index
      %get3A_436 = tpu.vector_load %arg15[%get3A_435] {strides = array<i32>} : memref<2000xi32, #tpu.memory_space<vmem>>, vector<16xi32>,
      %swap3A_437 = arith.constant 64 : index
      %swap3A_438 = tpu.vector_load %arg17[%swap3A_437] {strides = array<i32>} : memref<80xi32, #tpu.memory_space<vmem>>, vector<16xi32>,
      tpu.vector_store %arg17[%swap3A_437], %get3A_436 {strides = array<i32>} : memref<80xi32, #tpu.memory_space<vmem>>, vector<16xi32>,
      %dma_start3A_439 = arith.constant 0 : i32
      %dma_start3A_440 = arith.constant 0 : i32
      %dma_start3A_441 = tpu.memref_slice %arg6[%dma_start3A_439, %dma_start3A_440] : memref<20480x128xf32, #tpu.memory_space<hbm>> -> memref<20480x128xf32, #tpu.memory_space<hbm>>
      tpu.enqueue_indirect_dma source(%dma_start3A_441 : memref<20480x128xf32, #tpu.memory_space<hbm>>) target(%arg20 : memref<80x128xf32, #tpu.memory_space<vmem>>) offsets(%arg16 : memref<80xi32, #tpu.memory_space<vmem>>) semaphore(%arg25 : memref<!tpu.dma_semaphore, #tpu.memory_space<semaphore_mem>>)
      %dma_wait3A_442 = arith.constant 0 : i32
      %dma_wait3A_443 = arith.constant 0 : i32
      %dma_wait3A_444 = tpu.memref_slice %arg6[%dma_wait3A_442, %dma_wait3A_443] : memref<20480x128xf32, #tpu.memory_space<hbm>> -> memref<20480x128xf32, #tpu.memory_space<hbm>>
      tpu.wait_indirect_dma semaphore(%arg26 : memref<!tpu.dma_semaphore, #tpu.memory_space<semaphore_mem>>) src(%dma_wait3A_444 : memref<20480x128xf32, #tpu.memory_space<hbm>>) dst(%arg21 : memref<80x128xf32, #tpu.memory_space<vmem>>)
      %dma_start3A_445 = arith.constant 0 : i32
      %dma_start3A_446 = arith.constant 0 : i32
      %dma_start3A_447 = tpu.memref_slice %arg8[%dma_start3A_445, %dma_start3A_446] : memref<10240x128xf32, #tpu.memory_space<vmem_shared>> -> memref<10240x128xf32, #tpu.memory_space<vmem_shared>>
      tpu.enqueue_indirect_dma source(%arg21 : memref<80x128xf32, #tpu.memory_space<vmem>>) target(%dma_start3A_447 : memref<10240x128xf32, #tpu.memory_space<vmem_shared>>) offsets(%arg19 : memref<80xi32, #tpu.memory_space<vmem>>) semaphore(%arg28 : memref<!tpu.dma_semaphore, #tpu.memory_space<semaphore_mem>>) {add = true}
    }
    %scan3A_158 = arith.constant 62 : i32
    %dma_wait3A_159 = arith.constant 0 : i32
    %dma_wait3A_160 = arith.constant 0 : i32
    %dma_wait3A_161 = tpu.memref_slice %arg6[%dma_wait3A_159, %dma_wait3A_160] : memref<20480x128xf32, #tpu.memory_space<hbm>> -> memref<20480x128xf32, #tpu.memory_space<hbm>>
    tpu.wait_indirect_dma semaphore(%arg25 : memref<!tpu.dma_semaphore, #tpu.memory_space<semaphore_mem>>) src(%dma_wait3A_161 : memref<20480x128xf32, #tpu.memory_space<hbm>>) dst(%arg20 : memref<80x128xf32, #tpu.memory_space<vmem>>)
    %dma_start3A_162 = arith.constant 0 : i32
    %dma_start3A_163 = arith.constant 0 : i32
    %dma_start3A_164 = tpu.memref_slice %arg8[%dma_start3A_162, %dma_start3A_163] : memref<10240x128xf32, #tpu.memory_space<vmem_shared>> -> memref<10240x128xf32, #tpu.memory_space<vmem_shared>>
    tpu.enqueue_indirect_dma source(%arg20 : memref<80x128xf32, #tpu.memory_space<vmem>>) target(%dma_start3A_164 : memref<10240x128xf32, #tpu.memory_space<vmem_shared>>) offsets(%arg17 : memref<80xi32, #tpu.memory_space<vmem>>) semaphore(%arg27 : memref<!tpu.dma_semaphore, #tpu.memory_space<semaphore_mem>>) {add = true}
    %dma_wait3A_165 = arith.constant 0 : i32
    %dma_wait3A_166 = arith.constant 0 : i32
    %dma_wait3A_167 = tpu.memref_slice %arg8[%dma_wait3A_165, %dma_wait3A_166] : memref<10240x128xf32, #tpu.memory_space<vmem_shared>> -> memref<10240x128xf32, #tpu.memory_space<vmem_shared>>
    tpu.wait_indirect_dma semaphore(%arg28 : memref<!tpu.dma_semaphore, #tpu.memory_space<semaphore_mem>>) src(%arg21 : memref<80x128xf32, #tpu.memory_space<vmem>>) dst(%dma_wait3A_167 : memref<10240x128xf32, #tpu.memory_space<vmem_shared>>)
    %dma_wait3A_168 = arith.constant 0 : i32
    %dma_wait3A_169 = arith.constant 0 : i32
    %dma_wait3A_170 = tpu.memref_slice %arg8[%dma_wait3A_168, %dma_wait3A_169] : memref<10240x128xf32, #tpu.memory_space<vmem_shared>> -> memref<10240x128xf32, #tpu.memory_space<vmem_shared>>
    tpu.wait_indirect_dma semaphore(%arg27 : memref<!tpu.dma_semaphore, #tpu.memory_space<semaphore_mem>>) src(%arg20 : memref<80x128xf32, #tpu.memory_space<vmem>>) dst(%dma_wait3A_170 : memref<10240x128xf32, #tpu.memory_space<vmem_shared>>)
    %barrier3A_171 = arith.constant 0 : index
    tpu.barrier barrier_id(%barrier3A_171)
    %mul3A_172 = arith.constant 640 : i32
    %mul3A_173 = arith.muli %arg1, %mul3A_172 : i32
    %dma_start3A_174 = arith.constant 0 : i32
    %dma_start3A_175 = tpu.memref_slice %arg8[%mul3A_173, %dma_start3A_174] : memref<10240x128xf32, #tpu.memory_space<vmem_shared>> -> memref<32x128xf32, #tpu.memory_space<vmem_shared>>
    %dma_start3A_176 = arith.constant 0 : i32
    %dma_start3A_177 = tpu.memref_slice %arg8[%mul3A_173, %dma_start3A_176] : memref<10240x128xf32, #tpu.memory_space<vmem_shared>> -> memref<32x128xf32, #tpu.memory_space<vmem_shared>>
    tpu.enqueue_dma source(%dma_start3A_177 : memref<32x128xf32, #tpu.memory_space<vmem_shared>>) target(%arg22 : memref<32x128xf32, #tpu.memory_space<vmem>>) target_semaphore(%arg30 : memref<!tpu.dma_semaphore, #tpu.memory_space<semaphore_mem>>)
    %scan3A_178 = arith.constant 0 : i32
    %scan3A_179 = arith.constant 10 : i32
    %scan3A_180 = arith.addi %scan3A_178, %scan3A_179 : i32
    %scan3A_181 = arith.constant 1 : i32
    scf.for %scan3A_203 = %scan3A_178 to %scan3A_180 step %scan3A_181  : i32 {
      %mul3A_204 = arith.constant 2 : i32
      %mul3A_205 = arith.muli %mul3A_204, %scan3A_203 : i32
      %mul3A_206 = arith.constant 2 : i32
      %mul3A_207 = arith.muli %mul3A_206, %scan3A_203 : i32
      %add3A_208 = arith.constant 1 : i32
      %add3A_209 = arith.addi %mul3A_207, %add3A_208 : i32
      %gt3A = arith.constant 0 : i32
      %gt3A_210 = arith.cmpi sgt, %scan3A_203, %gt3A : i32
      %convert_element_type3A = arith.extui %gt3A_210 : i1 to i32
      %cond3A = arith.constant 0 : i32
      %cond3A_211 = arith.cmpi ne, %convert_element_type3A, %cond3A : i32
      scf.if %cond3A_211 {
        %sub3A = arith.constant 2 : i32
        %sub3A_275 = arith.subi %add3A_209, %sub3A : i32
        %mul3A_276 = arith.constant 640 : i32
        %mul3A_277 = arith.muli %arg1, %mul3A_276 : i32
        %mul3A_278 = arith.constant 32 : i32
        %mul3A_279 = arith.muli %sub3A_275, %mul3A_278 : i32
        %add3A_280 = arith.addi %mul3A_277, %mul3A_279 : i32
        %dma_wait3A_281 = arith.constant 0 : i32
        %dma_wait3A_282 = tpu.memref_slice %arg5[%arg0, %add3A_280, %dma_wait3A_281] : memref<2x10240x128xf32, #tpu.memory_space<hbm>> -> memref<1x32x128xf32, #tpu.memory_space<hbm>>
        %dma_wait3A_283 = tpu.memref_squeeze %dma_wait3A_282 : memref<1x32x128xf32, #tpu.memory_space<hbm>> -> memref<32x128xf32, #tpu.memory_space<hbm>>
        %dma_wait3A_284 = arith.constant 0 : i32
        %dma_wait3A_285 = tpu.memref_slice %arg5[%arg0, %add3A_280, %dma_wait3A_284] : memref<2x10240x128xf32, #tpu.memory_space<hbm>> -> memref<1x32x128xf32, #tpu.memory_space<hbm>>
        %dma_wait3A_286 = tpu.memref_squeeze %dma_wait3A_285 : memref<1x32x128xf32, #tpu.memory_space<hbm>> -> memref<32x128xf32, #tpu.memory_space<hbm>>
        tpu.wait_dma2 semaphore(%arg33 : memref<!tpu.dma_semaphore, #tpu.memory_space<semaphore_mem>>) src(%arg24 : memref<32x128xf32, #tpu.memory_space<vmem>>) dst(%dma_wait3A_286 : memref<32x128xf32, #tpu.memory_space<hbm>>)
      } else {
      }
      %mul3A_212 = arith.constant 640 : i32
      %mul3A_213 = arith.muli %arg1, %mul3A_212 : i32
      %mul3A_214 = arith.constant 32 : i32
      %mul3A_215 = arith.muli %add3A_209, %mul3A_214 : i32
      %add3A_216 = arith.addi %mul3A_213, %mul3A_215 : i32
      %dma_start3A_217 = arith.constant 0 : i32
      %dma_start3A_218 = tpu.memref_slice %arg8[%add3A_216, %dma_start3A_217] : memref<10240x128xf32, #tpu.memory_space<vmem_shared>> -> memref<32x128xf32, #tpu.memory_space<vmem_shared>>
      %dma_start3A_219 = arith.constant 0 : i32
      %dma_start3A_220 = tpu.memref_slice %arg8[%add3A_216, %dma_start3A_219] : memref<10240x128xf32, #tpu.memory_space<vmem_shared>> -> memref<32x128xf32, #tpu.memory_space<vmem_shared>>
      tpu.enqueue_dma source(%dma_start3A_220 : memref<32x128xf32, #tpu.memory_space<vmem_shared>>) target(%arg24 : memref<32x128xf32, #tpu.memory_space<vmem>>) target_semaphore(%arg31 : memref<!tpu.dma_semaphore, #tpu.memory_space<semaphore_mem>>)
      %mul3A_221 = arith.constant 640 : i32
      %mul3A_222 = arith.muli %arg1, %mul3A_221 : i32
      %mul3A_223 = arith.constant 32 : i32
      %mul3A_224 = arith.muli %mul3A_205, %mul3A_223 : i32
      %add3A_225 = arith.addi %mul3A_222, %mul3A_224 : i32
      %dma_wait3A_226 = arith.constant 0 : i32
      %dma_wait3A_227 = tpu.memref_slice %arg8[%add3A_225, %dma_wait3A_226] : memref<10240x128xf32, #tpu.memory_space<vmem_shared>> -> memref<32x128xf32, #tpu.memory_space<vmem_shared>>
      %dma_wait3A_228 = arith.constant 0 : i32
      %dma_wait3A_229 = tpu.memref_slice %arg8[%add3A_225, %dma_wait3A_228] : memref<10240x128xf32, #tpu.memory_space<vmem_shared>> -> memref<32x128xf32, #tpu.memory_space<vmem_shared>>
      tpu.wait_dma2 semaphore(%arg30 : memref<!tpu.dma_semaphore, #tpu.memory_space<semaphore_mem>>) src(%dma_wait3A_229 : memref<32x128xf32, #tpu.memory_space<vmem_shared>>) dst(%arg22 : memref<32x128xf32, #tpu.memory_space<vmem>>)
      %scan3A_230 = arith.constant 0 : i32
      %scan3A_231 = arith.constant 32 : i32
      %scan3A_232 = arith.addi %scan3A_230, %scan3A_231 : i32
      %scan3A_233 = arith.constant 1 : i32
      scf.for %scan3A_275 = %scan3A_230 to %scan3A_232 step %scan3A_233  : i32 {
        %broadcast_in_dim3A_276 = arith.constant 0 : i32
        %broadcast_in_dim3A_277 = vector.broadcast %broadcast_in_dim3A_276 : i32 to vector<16xi32>
        %mul3A_278 = arith.constant 32 : i32
        %mul3A_279 = arith.muli %mul3A_205, %mul3A_278 : i32
        %add3A_280 = arith.addi %mul3A_279, %scan3A_275 : i32
        %add3A_281 = vector.broadcast %add3A_280 : i32 to vector<16xi32>
        %add3A_282 = arith.addi %broadcast_in_dim3A_277, %add3A_281 : vector<16xi32>
        %gather3A = tpu.vector_load_idx %arg12[%add3A_282] : memref<640xf32, #tpu.memory_space<vmem>>[vector<16xi32>], vector<16xf32>,
        %get3A_283 = arith.index_cast %scan3A_275 : i32 to index
        %get3A_284 = arith.constant 0 : index
        %get3A_285 = tpu.vector_load %arg22[%get3A_283, %get3A_284] {strides = array<i32>} : memref<32x128xf32, #tpu.memory_space<vmem>>, vector<16xf32>,
        %mul3A_286 = arith.mulf %get3A_285, %gather3A : vector<16xf32>
        %swap3A_287 = arith.index_cast %scan3A_275 : i32 to index
        %swap3A_288 = arith.constant 0 : index
        %swap3A_289 = tpu.vector_load %arg22[%swap3A_287, %swap3A_288] {strides = array<i32>} : memref<32x128xf32, #tpu.memory_space<vmem>>, vector<16xf32>,
        tpu.vector_store %arg22[%swap3A_287, %swap3A_288], %mul3A_286 {strides = array<i32>} : memref<32x128xf32, #tpu.memory_space<vmem>>, vector<16xf32>,
        %get3A_290 = arith.index_cast %scan3A_275 : i32 to index
        %get3A_291 = arith.constant 16 : index
        %get3A_292 = tpu.vector_load %arg22[%get3A_290, %get3A_291] {strides = array<i32>} : memref<32x128xf32, #tpu.memory_space<vmem>>, vector<16xf32>,
        %mul3A_293 = arith.mulf %get3A_292, %gather3A : vector<16xf32>
        %swap3A_294 = arith.index_cast %scan3A_275 : i32 to index
        %swap3A_295 = arith.constant 16 : index
        %swap3A_296 = tpu.vector_load %arg22[%swap3A_294, %swap3A_295] {strides = array<i32>} : memref<32x128xf32, #tpu.memory_space<vmem>>, vector<16xf32>,
        tpu.vector_store %arg22[%swap3A_294, %swap3A_295], %mul3A_293 {strides = array<i32>} : memref<32x128xf32, #tpu.memory_space<vmem>>, vector<16xf32>,
        %get3A_297 = arith.index_cast %scan3A_275 : i32 to index
        %get3A_298 = arith.constant 32 : index
        %get3A_299 = tpu.vector_load %arg22[%get3A_297, %get3A_298] {strides = array<i32>} : memref<32x128xf32, #tpu.memory_space<vmem>>, vector<16xf32>,
        %mul3A_300 = arith.mulf %get3A_299, %gather3A : vector<16xf32>
        %swap3A_301 = arith.index_cast %scan3A_275 : i32 to index
        %swap3A_302 = arith.constant 32 : index
        %swap3A_303 = tpu.vector_load %arg22[%swap3A_301, %swap3A_302] {strides = array<i32>} : memref<32x128xf32, #tpu.memory_space<vmem>>, vector<16xf32>,
        tpu.vector_store %arg22[%swap3A_301, %swap3A_302], %mul3A_300 {strides = array<i32>} : memref<32x128xf32, #tpu.memory_space<vmem>>, vector<16xf32>,
        %get3A_304 = arith.index_cast %scan3A_275 : i32 to index
        %get3A_305 = arith.constant 48 : index
        %get3A_306 = tpu.vector_load %arg22[%get3A_304, %get3A_305] {strides = array<i32>} : memref<32x128xf32, #tpu.memory_space<vmem>>, vector<16xf32>,
        %mul3A_307 = arith.mulf %get3A_306, %gather3A : vector<16xf32>
        %swap3A_308 = arith.index_cast %scan3A_275 : i32 to index
        %swap3A_309 = arith.constant 48 : index
        %swap3A_310 = tpu.vector_load %arg22[%swap3A_308, %swap3A_309] {strides = array<i32>} : memref<32x128xf32, #tpu.memory_space<vmem>>, vector<16xf32>,
        tpu.vector_store %arg22[%swap3A_308, %swap3A_309], %mul3A_307 {strides = array<i32>} : memref<32x128xf32, #tpu.memory_space<vmem>>, vector<16xf32>,
        %get3A_311 = arith.index_cast %scan3A_275 : i32 to index
        %get3A_312 = arith.constant 64 : index
        %get3A_313 = tpu.vector_load %arg22[%get3A_311, %get3A_312] {strides = array<i32>} : memref<32x128xf32, #tpu.memory_space<vmem>>, vector<16xf32>,
        %mul3A_314 = arith.mulf %get3A_313, %gather3A : vector<16xf32>
        %swap3A_315 = arith.index_cast %scan3A_275 : i32 to index
        %swap3A_316 = arith.constant 64 : index
        %swap3A_317 = tpu.vector_load %arg22[%swap3A_315, %swap3A_316] {strides = array<i32>} : memref<32x128xf32, #tpu.memory_space<vmem>>, vector<16xf32>,
        tpu.vector_store %arg22[%swap3A_315, %swap3A_316], %mul3A_314 {strides = array<i32>} : memref<32x128xf32, #tpu.memory_space<vmem>>, vector<16xf32>,
        %get3A_318 = arith.index_cast %scan3A_275 : i32 to index
        %get3A_319 = arith.constant 80 : index
        %get3A_320 = tpu.vector_load %arg22[%get3A_318, %get3A_319] {strides = array<i32>} : memref<32x128xf32, #tpu.memory_space<vmem>>, vector<16xf32>,
        %mul3A_321 = arith.mulf %get3A_320, %gather3A : vector<16xf32>
        %swap3A_322 = arith.index_cast %scan3A_275 : i32 to index
        %swap3A_323 = arith.constant 80 : index
        %swap3A_324 = tpu.vector_load %arg22[%swap3A_322, %swap3A_323] {strides = array<i32>} : memref<32x128xf32, #tpu.memory_space<vmem>>, vector<16xf32>,
        tpu.vector_store %arg22[%swap3A_322, %swap3A_323], %mul3A_321 {strides = array<i32>} : memref<32x128xf32, #tpu.memory_space<vmem>>, vector<16xf32>,
        %get3A_325 = arith.index_cast %scan3A_275 : i32 to index
        %get3A_326 = arith.constant 96 : index
        %get3A_327 = tpu.vector_load %arg22[%get3A_325, %get3A_326] {strides = array<i32>} : memref<32x128xf32, #tpu.memory_space<vmem>>, vector<16xf32>,
        %mul3A_328 = arith.mulf %get3A_327, %gather3A : vector<16xf32>
        %swap3A_329 = arith.index_cast %scan3A_275 : i32 to index
        %swap3A_330 = arith.constant 96 : index
        %swap3A_331 = tpu.vector_load %arg22[%swap3A_329, %swap3A_330] {strides = array<i32>} : memref<32x128xf32, #tpu.memory_space<vmem>>, vector<16xf32>,
        tpu.vector_store %arg22[%swap3A_329, %swap3A_330], %mul3A_328 {strides = array<i32>} : memref<32x128xf32, #tpu.memory_space<vmem>>, vector<16xf32>,
        %get3A_332 = arith.index_cast %scan3A_275 : i32 to index
        %get3A_333 = arith.constant 112 : index
        %get3A_334 = tpu.vector_load %arg22[%get3A_332, %get3A_333] {strides = array<i32>} : memref<32x128xf32, #tpu.memory_space<vmem>>, vector<16xf32>,
        %mul3A_335 = arith.mulf %get3A_334, %gather3A : vector<16xf32>
        %swap3A_336 = arith.index_cast %scan3A_275 : i32 to index
        %swap3A_337 = arith.constant 112 : index
        %swap3A_338 = tpu.vector_load %arg22[%swap3A_336, %swap3A_337] {strides = array<i32>} : memref<32x128xf32, #tpu.memory_space<vmem>>, vector<16xf32>,
        tpu.vector_store %arg22[%swap3A_336, %swap3A_337], %mul3A_335 {strides = array<i32>} : memref<32x128xf32, #tpu.memory_space<vmem>>, vector<16xf32>,
      }
      %scan3A_234 = arith.constant 32 : i32
      %mul3A_235 = arith.constant 640 : i32
      %mul3A_236 = arith.muli %arg1, %mul3A_235 : i32
      %mul3A_237 = arith.constant 32 : i32
      %mul3A_238 = arith.muli %mul3A_205, %mul3A_237 : i32
      %add3A_239 = arith.addi %mul3A_236, %mul3A_238 : i32
      %dma_start3A_240 = arith.constant 0 : i32
      %dma_start3A_241 = tpu.memref_slice %arg5[%arg0, %add3A_239, %dma_start3A_240] : memref<2x10240x128xf32, #tpu.memory_space<hbm>> -> memref<1x32x128xf32, #tpu.memory_space<hbm>>
      %dma_start3A_242 = tpu.memref_squeeze %dma_start3A_241 : memref<1x32x128xf32, #tpu.memory_space<hbm>> -> memref<32x128xf32, #tpu.memory_space<hbm>>
      %dma_start3A_243 = arith.constant 0 : i32
      %dma_start3A_244 = tpu.memref_slice %arg5[%arg0, %add3A_239, %dma_start3A_243] : memref<2x10240x128xf32, #tpu.memory_space<hbm>> -> memref<1x32x128xf32, #tpu.memory_space<hbm>>
      %dma_start3A_245 = tpu.memref_squeeze %dma_start3A_244 : memref<1x32x128xf32, #tpu.memory_space<hbm>> -> memref<32x128xf32, #tpu.memory_space<hbm>>
      tpu.enqueue_dma source(%arg22 : memref<32x128xf32, #tpu.memory_space<vmem>>) target(%dma_start3A_245 : memref<32x128xf32, #tpu.memory_space<hbm>>) target_semaphore(%arg32 : memref<!tpu.dma_semaphore, #tpu.memory_space<semaphore_mem>>)
      %lt3A = arith.constant 9 : i32
      %lt3A_246 = arith.cmpi slt, %scan3A_203, %lt3A : i32
      %convert_element_type3A_247 = arith.extui %lt3A_246 : i1 to i32
      %cond3A_248 = arith.constant 0 : i32
      %cond3A_249 = arith.cmpi ne, %convert_element_type3A_247, %cond3A_248 : i32
      scf.if %cond3A_249 {
        %mul3A_275 = arith.constant 640 : i32
        %mul3A_276 = arith.muli %arg1, %mul3A_275 : i32
        %mul3A_277 = arith.constant 32 : i32
        %mul3A_278 = arith.muli %mul3A_205, %mul3A_277 : i32
        %add3A_279 = arith.addi %mul3A_276, %mul3A_278 : i32
        %dma_wait3A_280 = arith.constant 0 : i32
        %dma_wait3A_281 = tpu.memref_slice %arg5[%arg0, %add3A_279, %dma_wait3A_280] : memref<2x10240x128xf32, #tpu.memory_space<hbm>> -> memref<1x32x128xf32, #tpu.memory_space<hbm>>
        %dma_wait3A_282 = tpu.memref_squeeze %dma_wait3A_281 : memref<1x32x128xf32, #tpu.memory_space<hbm>> -> memref<32x128xf32, #tpu.memory_space<hbm>>
        %dma_wait3A_283 = arith.constant 0 : i32
        %dma_wait3A_284 = tpu.memref_slice %arg5[%arg0, %add3A_279, %dma_wait3A_283] : memref<2x10240x128xf32, #tpu.memory_space<hbm>> -> memref<1x32x128xf32, #tpu.memory_space<hbm>>
        %dma_wait3A_285 = tpu.memref_squeeze %dma_wait3A_284 : memref<1x32x128xf32, #tpu.memory_space<hbm>> -> memref<32x128xf32, #tpu.memory_space<hbm>>
        tpu.wait_dma2 semaphore(%arg32 : memref<!tpu.dma_semaphore, #tpu.memory_space<semaphore_mem>>) src(%arg22 : memref<32x128xf32, #tpu.memory_space<vmem>>) dst(%dma_wait3A_285 : memref<32x128xf32, #tpu.memory_space<hbm>>)
        %mul3A_286 = arith.constant 640 : i32
        %mul3A_287 = arith.muli %arg1, %mul3A_286 : i32
        %add3A_288 = arith.constant 2 : i32
        %add3A_289 = arith.addi %mul3A_205, %add3A_288 : i32
        %mul3A_290 = arith.constant 32 : i32
        %mul3A_291 = arith.muli %add3A_289, %mul3A_290 : i32
        %add3A_292 = arith.addi %mul3A_287, %mul3A_291 : i32
        %dma_start3A_293 = arith.constant 0 : i32
        %dma_start3A_294 = tpu.memref_slice %arg8[%add3A_292, %dma_start3A_293] : memref<10240x128xf32, #tpu.memory_space<vmem_shared>> -> memref<32x128xf32, #tpu.memory_space<vmem_shared>>
        %dma_start3A_295 = arith.constant 0 : i32
        %dma_start3A_296 = tpu.memref_slice %arg8[%add3A_292, %dma_start3A_295] : memref<10240x128xf32, #tpu.memory_space<vmem_shared>> -> memref<32x128xf32, #tpu.memory_space<vmem_shared>>
        tpu.enqueue_dma source(%dma_start3A_296 : memref<32x128xf32, #tpu.memory_space<vmem_shared>>) target(%arg22 : memref<32x128xf32, #tpu.memory_space<vmem>>) target_semaphore(%arg30 : memref<!tpu.dma_semaphore, #tpu.memory_space<semaphore_mem>>)
      } else {
      }
      %mul3A_250 = arith.constant 640 : i32
      %mul3A_251 = arith.muli %arg1, %mul3A_250 : i32
      %mul3A_252 = arith.constant 32 : i32
      %mul3A_253 = arith.muli %add3A_209, %mul3A_252 : i32
      %add3A_254 = arith.addi %mul3A_251, %mul3A_253 : i32
      %dma_wait3A_255 = arith.constant 0 : i32
      %dma_wait3A_256 = tpu.memref_slice %arg8[%add3A_254, %dma_wait3A_255] : memref<10240x128xf32, #tpu.memory_space<vmem_shared>> -> memref<32x128xf32, #tpu.memory_space<vmem_shared>>
      %dma_wait3A_257 = arith.constant 0 : i32
      %dma_wait3A_258 = tpu.memref_slice %arg8[%add3A_254, %dma_wait3A_257] : memref<10240x128xf32, #tpu.memory_space<vmem_shared>> -> memref<32x128xf32, #tpu.memory_space<vmem_shared>>
      tpu.wait_dma2 semaphore(%arg31 : memref<!tpu.dma_semaphore, #tpu.memory_space<semaphore_mem>>) src(%dma_wait3A_258 : memref<32x128xf32, #tpu.memory_space<vmem_shared>>) dst(%arg24 : memref<32x128xf32, #tpu.memory_space<vmem>>)
      %scan3A_259 = arith.constant 0 : i32
      %scan3A_260 = arith.constant 32 : i32
      %scan3A_261 = arith.addi %scan3A_259, %scan3A_260 : i32
      %scan3A_262 = arith.constant 1 : i32
      scf.for %scan3A_275 = %scan3A_259 to %scan3A_261 step %scan3A_262  : i32 {
        %broadcast_in_dim3A_276 = arith.constant 0 : i32
        %broadcast_in_dim3A_277 = vector.broadcast %broadcast_in_dim3A_276 : i32 to vector<16xi32>
        %mul3A_278 = arith.constant 32 : i32
        %mul3A_279 = arith.muli %add3A_209, %mul3A_278 : i32
        %add3A_280 = arith.addi %mul3A_279, %scan3A_275 : i32
        %add3A_281 = vector.broadcast %add3A_280 : i32 to vector<16xi32>
        %add3A_282 = arith.addi %broadcast_in_dim3A_277, %add3A_281 : vector<16xi32>
        %gather3A = tpu.vector_load_idx %arg12[%add3A_282] : memref<640xf32, #tpu.memory_space<vmem>>[vector<16xi32>], vector<16xf32>,
        %get3A_283 = arith.index_cast %scan3A_275 : i32 to index
        %get3A_284 = arith.constant 0 : index
        %get3A_285 = tpu.vector_load %arg24[%get3A_283, %get3A_284] {strides = array<i32>} : memref<32x128xf32, #tpu.memory_space<vmem>>, vector<16xf32>,
        %mul3A_286 = arith.mulf %get3A_285, %gather3A : vector<16xf32>
        %swap3A_287 = arith.index_cast %scan3A_275 : i32 to index
        %swap3A_288 = arith.constant 0 : index
        %swap3A_289 = tpu.vector_load %arg24[%swap3A_287, %swap3A_288] {strides = array<i32>} : memref<32x128xf32, #tpu.memory_space<vmem>>, vector<16xf32>,
        tpu.vector_store %arg24[%swap3A_287, %swap3A_288], %mul3A_286 {strides = array<i32>} : memref<32x128xf32, #tpu.memory_space<vmem>>, vector<16xf32>,
        %get3A_290 = arith.index_cast %scan3A_275 : i32 to index
        %get3A_291 = arith.constant 16 : index
        %get3A_292 = tpu.vector_load %arg24[%get3A_290, %get3A_291] {strides = array<i32>} : memref<32x128xf32, #tpu.memory_space<vmem>>, vector<16xf32>,
        %mul3A_293 = arith.mulf %get3A_292, %gather3A : vector<16xf32>
        %swap3A_294 = arith.index_cast %scan3A_275 : i32 to index
        %swap3A_295 = arith.constant 16 : index
        %swap3A_296 = tpu.vector_load %arg24[%swap3A_294, %swap3A_295] {strides = array<i32>} : memref<32x128xf32, #tpu.memory_space<vmem>>, vector<16xf32>,
        tpu.vector_store %arg24[%swap3A_294, %swap3A_295], %mul3A_293 {strides = array<i32>} : memref<32x128xf32, #tpu.memory_space<vmem>>, vector<16xf32>,
        %get3A_297 = arith.index_cast %scan3A_275 : i32 to index
        %get3A_298 = arith.constant 32 : index
        %get3A_299 = tpu.vector_load %arg24[%get3A_297, %get3A_298] {strides = array<i32>} : memref<32x128xf32, #tpu.memory_space<vmem>>, vector<16xf32>,
        %mul3A_300 = arith.mulf %get3A_299, %gather3A : vector<16xf32>
        %swap3A_301 = arith.index_cast %scan3A_275 : i32 to index
        %swap3A_302 = arith.constant 32 : index
        %swap3A_303 = tpu.vector_load %arg24[%swap3A_301, %swap3A_302] {strides = array<i32>} : memref<32x128xf32, #tpu.memory_space<vmem>>, vector<16xf32>,
        tpu.vector_store %arg24[%swap3A_301, %swap3A_302], %mul3A_300 {strides = array<i32>} : memref<32x128xf32, #tpu.memory_space<vmem>>, vector<16xf32>,
        %get3A_304 = arith.index_cast %scan3A_275 : i32 to index
        %get3A_305 = arith.constant 48 : index
        %get3A_306 = tpu.vector_load %arg24[%get3A_304, %get3A_305] {strides = array<i32>} : memref<32x128xf32, #tpu.memory_space<vmem>>, vector<16xf32>,
        %mul3A_307 = arith.mulf %get3A_306, %gather3A : vector<16xf32>
        %swap3A_308 = arith.index_cast %scan3A_275 : i32 to index
        %swap3A_309 = arith.constant 48 : index
        %swap3A_310 = tpu.vector_load %arg24[%swap3A_308, %swap3A_309] {strides = array<i32>} : memref<32x128xf32, #tpu.memory_space<vmem>>, vector<16xf32>,
        tpu.vector_store %arg24[%swap3A_308, %swap3A_309], %mul3A_307 {strides = array<i32>} : memref<32x128xf32, #tpu.memory_space<vmem>>, vector<16xf32>,
        %get3A_311 = arith.index_cast %scan3A_275 : i32 to index
        %get3A_312 = arith.constant 64 : index
        %get3A_313 = tpu.vector_load %arg24[%get3A_311, %get3A_312] {strides = array<i32>} : memref<32x128xf32, #tpu.memory_space<vmem>>, vector<16xf32>,
        %mul3A_314 = arith.mulf %get3A_313, %gather3A : vector<16xf32>
        %swap3A_315 = arith.index_cast %scan3A_275 : i32 to index
        %swap3A_316 = arith.constant 64 : index
        %swap3A_317 = tpu.vector_load %arg24[%swap3A_315, %swap3A_316] {strides = array<i32>} : memref<32x128xf32, #tpu.memory_space<vmem>>, vector<16xf32>,
        tpu.vector_store %arg24[%swap3A_315, %swap3A_316], %mul3A_314 {strides = array<i32>} : memref<32x128xf32, #tpu.memory_space<vmem>>, vector<16xf32>,
        %get3A_318 = arith.index_cast %scan3A_275 : i32 to index
        %get3A_319 = arith.constant 80 : index
        %get3A_320 = tpu.vector_load %arg24[%get3A_318, %get3A_319] {strides = array<i32>} : memref<32x128xf32, #tpu.memory_space<vmem>>, vector<16xf32>,
        %mul3A_321 = arith.mulf %get3A_320, %gather3A : vector<16xf32>
        %swap3A_322 = arith.index_cast %scan3A_275 : i32 to index
        %swap3A_323 = arith.constant 80 : index
        %swap3A_324 = tpu.vector_load %arg24[%swap3A_322, %swap3A_323] {strides = array<i32>} : memref<32x128xf32, #tpu.memory_space<vmem>>, vector<16xf32>,
        tpu.vector_store %arg24[%swap3A_322, %swap3A_323], %mul3A_321 {strides = array<i32>} : memref<32x128xf32, #tpu.memory_space<vmem>>, vector<16xf32>,
        %get3A_325 = arith.index_cast %scan3A_275 : i32 to index
        %get3A_326 = arith.constant 96 : index
        %get3A_327 = tpu.vector_load %arg24[%get3A_325, %get3A_326] {strides = array<i32>} : memref<32x128xf32, #tpu.memory_space<vmem>>, vector<16xf32>,
        %mul3A_328 = arith.mulf %get3A_327, %gather3A : vector<16xf32>
        %swap3A_329 = arith.index_cast %scan3A_275 : i32 to index
        %swap3A_330 = arith.constant 96 : index
        %swap3A_331 = tpu.vector_load %arg24[%swap3A_329, %swap3A_330] {strides = array<i32>} : memref<32x128xf32, #tpu.memory_space<vmem>>, vector<16xf32>,
        tpu.vector_store %arg24[%swap3A_329, %swap3A_330], %mul3A_328 {strides = array<i32>} : memref<32x128xf32, #tpu.memory_space<vmem>>, vector<16xf32>,
        %get3A_332 = arith.index_cast %scan3A_275 : i32 to index
        %get3A_333 = arith.constant 112 : index
        %get3A_334 = tpu.vector_load %arg24[%get3A_332, %get3A_333] {strides = array<i32>} : memref<32x128xf32, #tpu.memory_space<vmem>>, vector<16xf32>,
        %mul3A_335 = arith.mulf %get3A_334, %gather3A : vector<16xf32>
        %swap3A_336 = arith.index_cast %scan3A_275 : i32 to index
        %swap3A_337 = arith.constant 112 : index
        %swap3A_338 = tpu.vector_load %arg24[%swap3A_336, %swap3A_337] {strides = array<i32>} : memref<32x128xf32, #tpu.memory_space<vmem>>, vector<16xf32>,
        tpu.vector_store %arg24[%swap3A_336, %swap3A_337], %mul3A_335 {strides = array<i32>} : memref<32x128xf32, #tpu.memory_space<vmem>>, vector<16xf32>,
      }
      %scan3A_263 = arith.constant 32 : i32
      %mul3A_264 = arith.constant 640 : i32
      %mul3A_265 = arith.muli %arg1, %mul3A_264 : i32
      %mul3A_266 = arith.constant 32 : i32
      %mul3A_267 = arith.muli %add3A_209, %mul3A_266 : i32
      %add3A_268 = arith.addi %mul3A_265, %mul3A_267 : i32
      %dma_start3A_269 = arith.constant 0 : i32
      %dma_start3A_270 = tpu.memref_slice %arg5[%arg0, %add3A_268, %dma_start3A_269] : memref<2x10240x128xf32, #tpu.memory_space<hbm>> -> memref<1x32x128xf32, #tpu.memory_space<hbm>>
      %dma_start3A_271 = tpu.memref_squeeze %dma_start3A_270 : memref<1x32x128xf32, #tpu.memory_space<hbm>> -> memref<32x128xf32, #tpu.memory_space<hbm>>
      %dma_start3A_272 = arith.constant 0 : i32
      %dma_start3A_273 = tpu.memref_slice %arg5[%arg0, %add3A_268, %dma_start3A_272] : memref<2x10240x128xf32, #tpu.memory_space<hbm>> -> memref<1x32x128xf32, #tpu.memory_space<hbm>>
      %dma_start3A_274 = tpu.memref_squeeze %dma_start3A_273 : memref<1x32x128xf32, #tpu.memory_space<hbm>> -> memref<32x128xf32, #tpu.memory_space<hbm>>
      tpu.enqueue_dma source(%arg24 : memref<32x128xf32, #tpu.memory_space<vmem>>) target(%dma_start3A_274 : memref<32x128xf32, #tpu.memory_space<hbm>>) target_semaphore(%arg33 : memref<!tpu.dma_semaphore, #tpu.memory_space<semaphore_mem>>)
    }
    %scan3A_182 = arith.constant 10 : i32
    %mul3A_183 = arith.constant 640 : i32
    %mul3A_184 = arith.muli %arg1, %mul3A_183 : i32
    %add3A_185 = arith.constant 576 : i32
    %add3A_186 = arith.addi %mul3A_184, %add3A_185 : i32
    %dma_wait3A_187 = arith.constant 0 : i32
    %dma_wait3A_188 = tpu.memref_slice %arg5[%arg0, %add3A_186, %dma_wait3A_187] : memref<2x10240x128xf32, #tpu.memory_space<hbm>> -> memref<1x32x128xf32, #tpu.memory_space<hbm>>
    %dma_wait3A_189 = tpu.memref_squeeze %dma_wait3A_188 : memref<1x32x128xf32, #tpu.memory_space<hbm>> -> memref<32x128xf32, #tpu.memory_space<hbm>>
    %dma_wait3A_190 = arith.constant 0 : i32
    %dma_wait3A_191 = tpu.memref_slice %arg5[%arg0, %add3A_186, %dma_wait3A_190] : memref<2x10240x128xf32, #tpu.memory_space<hbm>> -> memref<1x32x128xf32, #tpu.memory_space<hbm>>
    %dma_wait3A_192 = tpu.memref_squeeze %dma_wait3A_191 : memref<1x32x128xf32, #tpu.memory_space<hbm>> -> memref<32x128xf32, #tpu.memory_space<hbm>>
    tpu.wait_dma2 semaphore(%arg32 : memref<!tpu.dma_semaphore, #tpu.memory_space<semaphore_mem>>) src(%arg22 : memref<32x128xf32, #tpu.memory_space<vmem>>) dst(%dma_wait3A_192 : memref<32x128xf32, #tpu.memory_space<hbm>>)
    %mul3A_193 = arith.constant 640 : i32
    %mul3A_194 = arith.muli %arg1, %mul3A_193 : i32
    %add3A_195 = arith.constant 608 : i32
    %add3A_196 = arith.addi %mul3A_194, %add3A_195 : i32
    %dma_wait3A_197 = arith.constant 0 : i32
    %dma_wait3A_198 = tpu.memref_slice %arg5[%arg0, %add3A_196, %dma_wait3A_197] : memref<2x10240x128xf32, #tpu.memory_space<hbm>> -> memref<1x32x128xf32, #tpu.memory_space<hbm>>
    %dma_wait3A_199 = tpu.memref_squeeze %dma_wait3A_198 : memref<1x32x128xf32, #tpu.memory_space<hbm>> -> memref<32x128xf32, #tpu.memory_space<hbm>>
    %dma_wait3A_200 = arith.constant 0 : i32
    %dma_wait3A_201 = tpu.memref_slice %arg5[%arg0, %add3A_196, %dma_wait3A_200] : memref<2x10240x128xf32, #tpu.memory_space<hbm>> -> memref<1x32x128xf32, #tpu.memory_space<hbm>>
    %dma_wait3A_202 = tpu.memref_squeeze %dma_wait3A_201 : memref<1x32x128xf32, #tpu.memory_space<hbm>> -> memref<32x128xf32, #tpu.memory_space<hbm>>
    tpu.wait_dma2 semaphore(%arg33 : memref<!tpu.dma_semaphore, #tpu.memory_space<semaphore_mem>>) src(%arg24 : memref<32x128xf32, #tpu.memory_space<vmem>>) dst(%dma_wait3A_202 : memref<32x128xf32, #tpu.memory_space<hbm>>)
    return
  }
}

module attributes {stable_mosaic.version = 14 : i64} {
  func.func @_sum_tc_body(%arg0: i32, %arg1: memref<2x400x128xf32, #tpu.memory_space<vmem>>, %arg2: memref<400x128xf32, #tpu.memory_space<vmem>>) attributes {dimension_semantics = [#tpu.dimension_semantics<arbitrary>], iteration_bounds = array<i64: 25>, scalar_prefetch = 0 : i64, scratch_operands = 0 : i64, tpu.core_type = #tpu.core_type<tc>, window_params = [{transform_indices = @transform_0, window_bounds = array<i64: 2, 400, 128>}, {transform_indices = @transform_1, window_bounds = array<i64: 400, 128>}]} {
    %get3A = arith.constant 0 : index
    %get3A_0 = arith.constant 0 : index
    %get3A_1 = arith.constant 0 : index
    %get3A_2 = vector.load %arg1[%get3A, %get3A_0, %get3A_1] : memref<2x400x128xf32, #tpu.memory_space<vmem>>, vector<1x400x128xf32>
    %get3A_3 = vector.shape_cast %get3A_2 : vector<1x400x128xf32> to vector<400x128xf32>
    %get3A_4 = arith.constant 1 : index
    %get3A_5 = arith.constant 0 : index
    %get3A_6 = arith.constant 0 : index
    %get3A_7 = vector.load %arg1[%get3A_4, %get3A_5, %get3A_6] : memref<2x400x128xf32, #tpu.memory_space<vmem>>, vector<1x400x128xf32>
    %get3A_8 = vector.shape_cast %get3A_7 : vector<1x400x128xf32> to vector<400x128xf32>
    %add3A = arith.addf %get3A_3, %get3A_8 : vector<400x128xf32>
    %swap3A = arith.constant 0 : index
    %swap3A_9 = arith.constant 0 : index
    %swap3A_10 = vector.load %arg2[%swap3A, %swap3A_9] : memref<400x128xf32, #tpu.memory_space<vmem>>, vector<400x128xf32>
    tpu.vector_store %arg2[%swap3A, %swap3A_9], %add3A {strides = array<i32>} : memref<400x128xf32, #tpu.memory_space<vmem>>, vector<400x128xf32>,
    return
  }
  func.func @transform_0(%arg0: i32) -> (i32, i32, i32) {
    %c0_i32 = arith.constant 0 : i32
    %c0_i32_0 = arith.constant 0 : i32
    %c0_i32_1 = arith.constant 0 : i32
    return %c0_i32, %arg0, %c0_i32_0 : i32, i32, i32
  }
  func.func @transform_1(%arg0: i32) -> (i32, i32) {
    %c0_i32 = arith.constant 0 : i32
    %c0_i32_0 = arith.constant 0 : i32
    return %arg0, %c0_i32 : i32, i32
  }
}

</mosaic_0001>

<sc_bundles>
// kernel: _gcn_sc.4.cloned.1.call-start
scs
__scs_entry_jumppad:
0x0: {  	(pc) =	sbr.rel $0x88, $3  }
0x1: {  	(tag) =	ssettag $0x0;
	lr =	simm.s32 $0x1  }
0x2: {  	[smem:$0x3F9E] =	sst lr;
	_ =	strace $0xD0000000  }
0x3: {  	_ = 	snop  }
0x4: {  	_ = 	snop  }
0x5: {  	_ = 	snop  }
0x6: {  	_ = 	snop  }
0x7: {  	_ = 	snop  }
__scs_overlays_trampoline_lowered:
0x8: {  	[smem:$0x3FAD] =	sst s0  }
0x9: {  	[smem:$0x3FAE] =	sst s1  }
0xa: {  	[smem:$0x3FAF] =	sst s2  }
0xb: {  	[smem:$0x3FB0] =	sst s3  }
0xc: {  	[smem:$0x3FB1] =	sst s4  }
0xd: {  	[smem:$0x3FB2] =	sst s5  }
0xe: {  	[smem:$0x3FB3] =	sst s6  }
0xf: {  	[smem:$0x3FB4] =	sst s7  }
0x10: {  	[smem:$0x3FB5] =	sst s8  }
0x11: {  	[smem:$0x3FB6] =	sst s9;
	s0 =	simm.s32 @!p0 $0x0  }
0x12: {  	s1 =	sld [smem:$0x3F9C];
	s0 =	simm.s32 @p0 $0x1  }
0x13: {  	[smem:$0x3FB7] =	sst s0;
	s0 =	simm.s32 @!p1 $0x0  }
0x14: {  	s2 =	sld [smem:$0x3F9B];
	s0 =	simm.s32 @p1 $0x1  }
0x15: {  	[smem:$0x3FB8] =	sst s0;
	s0 =	simm.s32 @!p2 $0x0  }
0x16: {  	s3 =	sld [smem:$0x3FDB];
	s0 =	simm.s32 @p2 $0x1  }
0x17: {  	s4 =	simm.s32 $0x1BF5;
	[smem:$0x3FBA] =	sst s0  }
0x18: {  	s0 =	sld [smem:$0x3F9D];
	_ =	swait.ge [sflag:s4], $0x0  }
0x19: {  	s7 =	sld [smem:$0x3F9E]  }
0x1a: {  	s8 =	sadd.s32 $0xFFFFE003, lr  }
0x1b: {  	s9 =	sadd.s32 $0xFFFFFEF7, lr;
	s5 =	simm.s32 $0xFFFFFFFF;
	p2 =	slt.u32 s8, $0xFFFFF086  }
0x1c: {  	p1 =	slt.u32 s9, $0xF7A;
	s5 =	simm.s32 @!p2 $0x0  }
0x1d: {  	s5 =	simm.s32 @p1 $0x1;
	p0 =	seq.s32 s7, s2  }
0x1e: {  	s7 =	smul.u32 @!p0 $0xF7A, s2;
	p2 =	seq.s32 @!p0 s5, $0x0  }
0x1f: {  	s9 =	smul.u32 $0xF7A, s1;
	s8 =	simm.s32 @!p0 $0x1BF5;
	p2 =	por !p2, p0  }
0x20: {  	[sflag:s8] =	ssyncset.s32 @!p0 $0xFFFFF086;
	s6 =	sadd.s32 @!p0 s3, s7;
	s7 =	simm.s32 @!p0 $0x108  }
0x21: {  	s3 =	sadd.s32 s3, s9;
	s6 =	sadd.s32 @!p0 $0x88, s6;
	s7 =	simm.s32 @p2 $0x1082  }
0x22: {  	[simem:s7], [sflag:s8] =	dma.local @!p0 [hbm:s6], $0xF7A  }
0x23: {  	s9 =	sor.u32 $0xD0000000, s2;
	s6 =	simm.s32 $0x108;
	_ =	swait.ge @!p0 [sflag:s8], $0x0  }
0x24: {  	s3 =	sadd.s32 $0x88, s3;
	s6 =	simm.s32 @!p1 $0x1082;
	[sflag:s4] =	ssyncset.s32 $0xFFFFF086  }
0x25: {  	[simem:s6], [sflag:s4] =	dma.local [hbm:s3], $0xF7A  }
0x26: {  	[smem:$0x3F9E] =	sst s1;
	(tag) =	ssettag s2;
	_ =	strace s9  }
0x27: {  	s1 =	sld [smem:$0x3FAE]  }
0x28: {  	s2 =	sld [smem:$0x3FAF]  }
0x29: {  	s4 =	sld [smem:$0x3FB1]  }
0x2a: {  	p0 =	seq.s32 s5, $0x0;
	s5 =	sld [smem:$0x3FB2]  }
0x2b: {  	s6 =	sld [smem:$0x3FB3]  }
0x2c: {  	s7 =	sld [smem:$0x3FB4]  }
0x2d: {  	s3 =	simm.s32 $0x108;
	s8 =	sld [smem:$0x3FB5]  }
0x2e: {  	s3 =	simm.s32 @!p0 $0x1082;
	s9 =	sld [smem:$0x3FB6]  }
0x2f: {  	lr =	sadd.s32 s0, s3;
	s0 =	sld [smem:$0x3FAD]  }
0x30: {  	s3 =	sld [smem:$0x3FB0]  }
0x31: {  	[smem:$0x3FB9] =	sst s10  }
0x32: {  	s10 =	sld [smem:$0x3FB7];
	_ =	sdelay $0x3  }
0x33: {  	p0 =	seq.s32 s10, $0x1;
	s10 =	sld [smem:$0x3FB9];
	_ =	sdelay $0x3  }
0x34: {  	[smem:$0x3FB9] =	sst s10  }
0x35: {  	s10 =	sld [smem:$0x3FB8];
	_ =	sdelay $0x3  }
0x36: {  	p1 =	seq.s32 s10, $0x1;
	s10 =	sld [smem:$0x3FB9];
	_ =	sdelay $0x3  }
0x37: {  	[smem:$0x3FB9] =	sst s10  }
0x38: {  	s10 =	sld [smem:$0x3FBA]  }
0x39: {  	_ = 	snop;
	(pc) =	sbr.ind lr, $3  }
0x3a: {  	_ = 	snop  }
0x3b: {  	_ = 	snop  }
0x3c: {  	p2 =	seq.s32 s10, $0x1;
	s10 =	sld [smem:$0x3FB9]  }
0x3d: {  	_ =	shalt  }
0x3e: {  	_ =	shalt  }
0x3f: {  	_ =	shalt  }
0x40: {  	_ =	shalt  }
0x41: {  	_ =	shalt  }
0x42: {  	_ =	shalt  }
0x43: {  	_ =	shalt  }
0x44: {  	_ =	shalt  }
0x45: {  	_ =	shalt  }
0x46: {  	_ =	shalt  }
0x47: {  	_ =	shalt  }
0x48: {  	_ =	shalt  }
0x49: {  	_ =	shalt  }
0x4a: {  	_ =	shalt  }
0x4b: {  	_ =	shalt  }
0x4c: {  	_ =	shalt  }
0x4d: {  	_ =	shalt  }
0x4e: {  	_ =	shalt  }
0x4f: {  	_ =	shalt  }
0x50: {  	_ =	shalt  }
0x51: {  	_ =	shalt  }
0x52: {  	_ =	shalt  }
0x53: {  	_ =	shalt  }
0x54: {  	_ =	shalt  }
0x55: {  	_ =	shalt  }
0x56: {  	_ =	shalt  }
0x57: {  	_ =	shalt  }
0x58: {  	_ =	shalt  }
0x59: {  	_ =	shalt  }
0x5a: {  	_ =	shalt  }
0x5b: {  	_ =	shalt  }
0x5c: {  	_ =	shalt  }
0x5d: {  	_ =	shalt  }
0x5e: {  	_ =	shalt  }
0x5f: {  	_ =	shalt  }
0x60: {  	_ =	shalt  }
0x61: {  	_ =	shalt  }
0x62: {  	_ =	shalt  }
0x63: {  	_ =	shalt  }
0x64: {  	_ =	shalt  }
0x65: {  	_ =	shalt  }
0x66: {  	_ =	shalt  }
0x67: {  	_ =	shalt  }
0x68: {  	_ =	shalt  }
0x69: {  	_ =	shalt  }
0x6a: {  	_ =	shalt  }
0x6b: {  	_ =	shalt  }
0x6c: {  	_ =	shalt  }
0x6d: {  	_ =	shalt  }
0x6e: {  	_ =	shalt  }
0x6f: {  	_ =	shalt  }
0x70: {  	_ =	shalt  }
0x71: {  	_ =	shalt  }
0x72: {  	_ =	shalt  }
0x73: {  	_ =	shalt  }
0x74: {  	_ =	shalt  }
0x75: {  	_ =	shalt  }
0x76: {  	_ =	shalt  }
0x77: {  	_ =	shalt  }
0x78: {  	_ =	shalt  }
0x79: {  	_ =	shalt  }
0x7a: {  	_ =	shalt  }
0x7b: {  	_ =	shalt  }
0x7c: {  	_ =	shalt  }
0x7d: {  	_ =	shalt  }
0x7e: {  	_ =	shalt  }
0x7f: {  	_ =	shalt  }
0x80: {  	_ =	shalt  }
0x81: {  	_ =	shalt  }
0x82: {  	_ =	shalt  }
0x83: {  	_ =	shalt  }
0x84: {  	_ =	shalt  }
0x85: {  	_ =	shalt  }
0x86: {  	_ =	shalt  }
0x87: {  	_ =	shalt  }
.Lfunc_end0:
.L_simem_size_0:
called_computation_lowered:
.L_overlay_start_0:
0x88: {  	s2 =	sld [smem:$0x3FD9]  }
0x89: {  	s3 =	sld [smem:$0x3FFE];
	_ =	sdelay $0x1  }
0x8a: {  	s1 =	srdreg.scid  }
0x8b: {  	s0 =	sand.u32 $0x1, s1  }
0x8c: {  	s17 =	sshll.u32 s0, $0xA;
	s2 =	sadd.s32 s3, s2  }
0x8d: {  	s2 =	sadd.s32 s2, s17  }
0x8e: {  	[smem:$0x3FC5] =	sst s2  }
0x8f: {  	_ = 	snop  }
0x90: {  	s2 =	sld [smem:$0x3FC9]  }
0x91: {  	s18 =	sld [smem:$0x3FC8]  }
0x92: {  	s4 =	sld [smem:$0x3FC7];
	(tm) =	ssettm $0x1  }
0x93: {  	s5 =	sld [smem:$0x3FFB];
	_ =	sdelay $0x3  }
0x94: {  	_ =	strace s5  }
0x95: {  	s5 =	sld [smem:$0x3FFC];
	_ =	sdelay $0x3  }
0x96: {  	_ =	strace s5  }
0x97: {  	s5 =	sld [smem:$0x3FFD];
	_ =	sdelay $0x3  }
0x98: {  	_ =	strace s5  }
0x99: {  	_ =	strace $0x8FFFFFFF  }
0x9a: {  	s19 =	sld [smem:$0x3FDB];
	_ =	sdelay $0x1  }
0x9b: {  	s6 =	simm.s32 $_scs_section_size  }
0x9c: {  	s7 =	simm.s32 $_size__tile_overlayer_lowered;
	s8 =	simm.s32 $_tile_overlayer_lowered  }
0x9d: {  	s22 =	simm.s32 $0x1BFF;
	s21 =	sshll.u32 s8, $0x1;
	s5 =	sadd.s32 s6, s19  }
0x9e: {  	s9 =	simm.s32 $0x0;
	s20 =	sshll.u32 s7, $0x1;
	s7 =	sadd.s32 s21, s5  }
0x9f: {  	[timem:s9], [sflag:s22] =	dma.local [hbm:s7], s20  }
0xa0: {  	_ =	swait.ge [sflag:s22], s20  }
0xa1: {  	s6 =	ssub.s32 $0x0, s20;
	[sflag:s22] =	ssyncset.done $0x0  }
0xa2: {  	[sflag:s22] =	ssyncadd.s32 s6;
	_ =	sdelay $0x1  }
0xa3: {  	s23 =	simm.s32 $0x1B8B  }
0xa4: {  	_ =	swait.ge [sflag:s23], $0x1  }
0xa5: {  	[sflag:s23] =	ssyncset.done $0x0  }
0xa6: {  	s25 =	simm.s32 $0x1B8E;
	s24 =	sld [smem:$0x3FFE];
	[sflag:s23] =	ssyncadd.s32 $0xFFFFFFFF  }
0xa7: {  	s26 =	simm.s32 $execute0_lowered;
	[smem:$0x3FD2] =	sst s25  }
0xa8: {  	s7 =	sshll.u32 s26, $0x1;
	_ =	strace $0x80000046;
	[dreg:$0x1] =	wrdreg $0xFFFFFFFF  }
0xa9: {  	s28 =	simm.s32 $_size_execute0_lowered;
	s5 =	sadd.s32 s5, s7;
	[dreg:$0x0] =	wrdreg $0x0  }
0xaa: {  	s7 =	sshll.u32 s28, $0x1;
	[dreg:$0x2] =	wrdreg s5  }
0xab: {  	[dreg:$0x3] =	wrdreg s7  }
0xac: {  	[dreg:$0x4] =	wrdreg $0xC0  }
0xad: {  	_ =	task [dreg:s9], $0x5FFFF  }
0xae: {  	[dreg:$0x1] =	wrdreg $0xFFFFFFFF  }
0xaf: {  	[dreg:$0x0] =	wrdreg $0x60  }
0xb0: {  	[dreg:$0x2] =	wrdreg s2  }
0xb1: {  	[dreg:$0x3] =	wrdreg s18  }
0xb2: {  	[dreg:$0x4] =	wrdreg s4  }
0xb3: {  	[dreg:$0x5] =	wrdreg s24  }
0xb4: {  	[dreg:$0x6] =	wrdreg $0x0  }
0xb5: {  	[dreg:$0x7] =	wrdreg $0x2800  }
0xb6: {  	[dreg:$0x8] =	wrdreg $0x9  }
0xb7: {  	_ =	task.clear_ibuf [dreg:s9], $0x9FFFF;
	_ =	strace $0x90000046  }
0xb8: {  	s29 =	simm.s32 $0x9;
	_ =	strace $0x80000048  }
0xb9: {  	_ =	swait.ge [sflag:s29], $0x1  }
0xba: {  	[sflag:s29] =	ssyncadd.s32 $0xFFFFFFFF  }
0xbb: {  	_ =	strace $0x90000048  }
0xbc: {  	_ =	sfence  }
0xbd: {  	s30 =	sld [smem:$0x0];
	_ =	sdelay $0x2  }
0xbe: {  	s31 =	sshll.u32 s1, $0xD;
	s1 =	sshrl.u32 s1, $0x2  }
0xbf: {  	s3 =	sand.u32 $0x4000, s31;
	s1 =	sadd.s32 s1, s30  }
0xc0: {  	s0 =	sor.u32 s3, s0;
	s1 =	sshll.u32 s1, $0x11  }
0xc1: {  	s0 =	sor.u32 s1, s0  }
0xc2: {  	s0 =	sadd.s32 $0x8F2B, s0  }
0xc3: {  	[sflag:s0] =	ssyncadd.remote.s32 $0x1  }
0xc4: {  	_ =	sfence.sel $0xFFFF  }
0xc5: {  	[dreg:$0x0] =	wrdreg $0xFFFFFFFF;
	(pc) =	sbr.abs _section_cstart, $3  }
0xc6: {  	[dreg:$0x1] =	wrdreg $0xFFFFFFFF  }
0xc7: {  	_ =	task.clear_ibuf [dreg:s9], $0x2FFFF;
	_ =	strace $0x9FFFFFFF  }
0xc8: {  	(tm) =	ssettm $0x7FFFFFFF  }
0xc9: {  	_ =	shalt  }
tec
execute0_lowered:
.L_overlay_start_1:
0x0: {  	(tag) =	ssettag $0x1  }
0x1: {  	s8 =	rddreg [dreg:$0x0]  }
0x2: {  	s2 =	rddreg [dreg:$0x1]  }
0x3: {  	s3 =	rddreg [dreg:$0x2];
	s7 =	stileid.u32  }
0x4: {  	s0 =	rddreg [dreg:$0x3];
	s1 =	smul.u32 $0xA00, s7  }
0x5: {  	s14 =	rddreg [dreg:$0x4];
	s5 =	smul.u32 $0x50000, s7  }
0x6: {  	s6 =	rddreg [dreg:$0x5];
	s11 =	smul.u32 $0x4E20, s7  }
0x7: {  	s18 =	simm.s32 $0x0;
	s4 =	srdreg.scid;
	s10 =	smul.u32 $0x280, s7  }
0x8: {  	[smem:$0x7FF] =	sst s18;
	s21 =	sadd.s32 $0x50A00, s0;
	s13 =	smul.u32 $0x2800, s7  }
0x9: {  	s4 =	sand.u32 $0x1, s4;
	s9 =	sadd.s32 $0xA00, s0;
	s19 =	smul.u32 $0x2710, s7  }
0xa: {  	_ =	strace $0x80000047;
	[dreg:$0x9] =	wrdreg s21;
	s23 =	sadd.s32 s8, s13  }
0xb: {  	s15 =	ssub.s32 $0x2, s4;
	s13 =	simm.s32 $0x16F00;
	[dreg:$0xf] =	wrdreg s23  }
0xc: {  	s12 =	sshrl.u32 s15, $0x1;
	s29 =	sadd.s32 $0x7D0, s11;
	[dreg:$0x8] =	wrdreg s13  }
0xd: {  	s17 =	sshrl.u32 s11, $0x3;
	s30 =	sadd.s32 $0xFA0, s11;
	[dreg:$0xd] =	wrdreg s29  }
0xe: {  	s5 =	sshrl.u32 s5, $0x2;
	s22 =	sadd.s32 s2, s17;
	[dreg:$0xe] =	wrdreg s30  }
0xf: {  	s0 =	ssub.s32 s15, s12;
	s12 =	simm.s32 $0x16E80;
	[dreg:$0xc] =	wrdreg s22  }
0x10: {  	s1 =	sshrl.u32 s1, $0x2;
	s7 =	sadd.s32 s5, s6;
	[dreg:$0x7] =	wrdreg s12  }
0x11: {  	s20 =	sadd.s32 s1, s14;
	[dreg:$0xb] =	wrdreg s7  }
0x12: {  	s0 =	smax.u32 s0, $0x1;
	[dreg:$0xa] =	wrdreg s20  }
0x13: {  	s14 =	sadd.s32 $0x1000, s7;
	[dreg:$0x13] =	wrdreg s0  }
0x14: {  	s15 =	sadd.s32 $0x2000, s7;
	[dreg:$0x14] =	wrdreg s14  }
0x15: {  	s16 =	smul.u32 $0x27100, s4;
	s17 =	sadd.s32 $0x3000, s7;
	[dreg:$0x15] =	wrdreg s15  }
0x16: {  	s5 =	smul.u32 $0x2800, s4;
	s23 =	sadd.s32 $0x4000, s7;
	[dreg:$0x16] =	wrdreg s17  }
0x17: {  	s22 =	smul.u32 $0x140000, s4;
	s4 =	sadd.s32 $0x9000, s7;
	[dreg:$0x17] =	wrdreg s23  }
0x18: {  	s11 =	sadd.s32 $0xA000, s7;
	[dreg:$0x1c] =	wrdreg s4  }
0x19: {  	s12 =	sadd.s32 $0xB000, s7;
	[dreg:$0x1d] =	wrdreg s11  }
0x1a: {  	s16 =	sadd.s32 s19, s16;
	s13 =	sadd.s32 $0xC000, s7;
	[dreg:$0x1e] =	wrdreg s12  }
0x1b: {  	s25 =	sshrl.u32 s16, $0x3;
	s24 =	sadd.s32 s10, s5;
	[dreg:$0x1f] =	wrdreg s13  }
0x1c: {  	s26 =	sadd.s32 s2, s25;
	[dreg:$0x10] =	wrdreg s24  }
0x1d: {  	s1 =	sadd.s32 s3, s25;
	[dreg:$0x11] =	wrdreg s26  }
0x1e: {  	s31 =	simm.s32 $0x1;
	s25 =	sadd.s32 $0x6000, s7;
	[dreg:$0x12] =	wrdreg s1  }
0x1f: {  	s28 =	simm.s32 $0x3;
	s14 =	sadd.s32 $0xD000, s7;
	[dreg:$0x19] =	wrdreg s25  }
0x20: {  	s19 =	sor.u32 $0x40, s10;
	s15 =	sadd.s32 $0xE000, s7;
	[smem:$0x7F7] =	sst s14  }
0x21: {  	s17 =	sadd.s32 $0xF000, s7;
	s23 =	sadd.s32 $0x10000, s7;
	[smem:$0x7F8] =	sst s15  }
0x22: {  	s0 =	simm.s32 $0x16F80;
	s4 =	simm.s32 $0x2;
	[smem:$0x7F9] =	sst s17  }
0x23: {  	s13 =	simm.s32 $0x50;
	s24 =	sadd.s32 $0x5000, s7;
	[smem:$0x7FA] =	sst s23  }
0x24: {  	s11 =	simm.s32 $0x16D80;
	s26 =	sadd.s32 $0x7000, s7;
	[dreg:$0x18] =	wrdreg s24  }
0x25: {  	s12 =	simm.s32 $0x19780;
	s1 =	sadd.s32 $0x8000, s7;
	[dreg:$0x1a] =	wrdreg s26  }
0x26: {  	s25 =	sadd.s32 $0x12000, s7;
	s23 =	simm.s32 $0x6;
	[dreg:$0x1b] =	wrdreg s1  }
0x27: {  	v1 =	vlaneseq.u32;
	v2 =	vimm.f32 $0.0e+00;
	s24 =	sadd.s32 $0x11000, s7;
	[smem:$0x7FC] =	sst s25;
	s26 =	sadd.s32 $0x13000, s7  }
0x28: {  	v7 =	vimm.f32 $1.000000000e+00;
	v3 =	vor.u32 $0x10, v1;
	v4 =	vor.u32 $0x20, v1;
	s25 =	simm.s32 $0x7;
	s7 =	simm.s32 $0x0;
	[smem:$0x7FB] =	sst s24  }
0x29: {  	v5 =	vor.u32 $0x30, v1;
	v6 =	vor.u32 $0x40, v1;
	v0 =	vmov s5;
	[smem:$0x7FD] =	sst s26;
	s24 =	simm.s32 $0x14B00;
	s26 =	simm.s32 $0x16E00  }
.LBB2_1:
0x2a: {  	s1 =	simm.s32 $0x0;
	s5 =	simm.s32 $0x200  }
.LBB2_2:
0x2b: {  	p0 =	sne.s32 s5, $0x3E00;
	[tilespmem:s1+$0x1BFF0] =	vst v2  }
0x2c: {  	[tilespmem:s1+$0x1BF80] =	vst v2  }
0x2d: {  	[tilespmem:s1+$0x1BF90] =	vst v2  }
.Ltmp0:
0x2e: {  	[tilespmem:s1+$0x1BFA0] =	vst v2;
	(pc) =	sbr.rel @p0 .LBB2_2-.Ltmp0, $4  }
0x2f: {  	[tilespmem:s1+$0x1BFB0] =	vst v2  }
0x30: {  	[tilespmem:s1+$0x1BFC0] =	vst v2  }
0x31: {  	[tilespmem:s1+$0x1BFD0] =	vst v2  }
0x32: {  	[tilespmem:s1+$0x1BFE0] =	vst v2;
	s1 =	sshra.s32 s5, $0x2;
	s5 =	sadd.s32 $0x200, s5  }
0x33: {  	[tilespmem:s1+$0x1BFF0] =	vst v2  }
0x34: {  	[tilespmem:s1+$0x1BF80] =	vst v2  }
0x35: {  	[tilespmem:s1+$0x1BF90] =	vst v2  }
0x36: {  	[tilespmem:s1+$0x1BFA0] =	vst v2  }
0x37: {  	[tilespmem:s1+$0x1BFB0] =	vst v2  }
0x38: {  	[tilespmem:s1+$0x1BFC0] =	vst v2  }
0x39: {  	[tilespmem:s1+$0x1BFD0] =	vst v2  }
0x3a: {  	[tilespmem:s1+$0x1BFE0] =	vst v2  }
0x3b: {  	[tilespmem:$0x14280] =	vst v2  }
0x3c: {  	[tilespmem:$0x14290] =	vst v2  }
0x3d: {  	[tilespmem:$0x142A0] =	vst v2  }
0x3e: {  	[tilespmem:$0x142B0] =	vst v2  }
0x3f: {  	[tilespmem:$0x142C0] =	vst v2  }
0x40: {  	[tilespmem:$0x142D0] =	vst v2  }
0x41: {  	[tilespmem:$0x142E0] =	vst v2  }
0x42: {  	[tilespmem:$0x142F0] =	vst v2  }
0x43: {  	[tilespmem:$0x14300] =	vst v2  }
0x44: {  	[tilespmem:$0x14310] =	vst v2  }
0x45: {  	[tilespmem:$0x14320] =	vst v2  }
0x46: {  	[tilespmem:$0x14330] =	vst v2  }
0x47: {  	[tilespmem:$0x14340] =	vst v2  }
0x48: {  	[tilespmem:$0x14350] =	vst v2  }
0x49: {  	[tilespmem:$0x14360] =	vst v2  }
0x4a: {  	[tilespmem:$0x14370] =	vst v2  }
0x4b: {  	[tilespmem:$0x14380] =	vst v2  }
0x4c: {  	[tilespmem:$0x14390] =	vst v2  }
0x4d: {  	[tilespmem:$0x143A0] =	vst v2  }
0x4e: {  	[tilespmem:$0x143B0] =	vst v2  }
0x4f: {  	[tilespmem:$0x143C0] =	vst v2  }
0x50: {  	[tilespmem:$0x143D0] =	vst v2  }
0x51: {  	[tilespmem:$0x143E0] =	vst v2  }
0x52: {  	[tilespmem:$0x143F0] =	vst v2  }
0x53: {  	[tilespmem:$0x14400] =	vst v2  }
0x54: {  	[tilespmem:$0x14410] =	vst v2  }
0x55: {  	[tilespmem:$0x14420] =	vst v2  }
0x56: {  	[tilespmem:$0x14430] =	vst v2  }
0x57: {  	[tilespmem:$0x14440] =	vst v2  }
0x58: {  	[tilespmem:$0x14450] =	vst v2  }
0x59: {  	[tilespmem:$0x14460] =	vst v2  }
0x5a: {  	[tilespmem:$0x14470] =	vst v2  }
0x5b: {  	[tilespmem:$0x14480] =	vst v2  }
0x5c: {  	[tilespmem:$0x14490] =	vst v2  }
0x5d: {  	[tilespmem:$0x144A0] =	vst v2  }
0x5e: {  	[tilespmem:$0x144B0] =	vst v2  }
0x5f: {  	[tilespmem:$0x144C0] =	vst v2  }
0x60: {  	[tilespmem:$0x144D0] =	vst v2  }
0x61: {  	[tilespmem:$0x144E0] =	vst v2  }
0x62: {  	[tilespmem:$0x144F0] =	vst v2  }
0x63: {  	[tilespmem:$0x14680] =	vst v1  }
0x64: {  	[tilespmem:$0x14690] =	vst v3  }
0x65: {  	[tilespmem:$0x146A0] =	vst v4  }
0x66: {  	[tilespmem:$0x146B0] =	vst v5  }
0x67: {  	[smem:$0x7F6] =	sst s7;
	s1 =	simm.s32 $0x0;
	s5 =	simm.s32 $0x200;
	[tilespmem:$0x146C0] =	vst v6  }
.LBB2_4:
0x68: {  	p0 =	sne.s32 s5, $0x9E00;
	[tilespmem:s1+$0x16FF0] =	vst v2  }
0x69: {  	[tilespmem:s1+$0x16F80] =	vst v2  }
0x6a: {  	[tilespmem:s1+$0x16F90] =	vst v2  }
.Ltmp1:
0x6b: {  	[tilespmem:s1+$0x16FA0] =	vst v2;
	(pc) =	sbr.rel @p0 .LBB2_4-.Ltmp1, $4  }
0x6c: {  	[tilespmem:s1+$0x16FB0] =	vst v2  }
0x6d: {  	[tilespmem:s1+$0x16FC0] =	vst v2  }
0x6e: {  	[tilespmem:s1+$0x16FD0] =	vst v2  }
0x6f: {  	[tilespmem:s1+$0x16FE0] =	vst v2;
	s1 =	sshra.s32 s5, $0x2;
	s5 =	sadd.s32 $0x200, s5  }
0x70: {  	[tilespmem:s1+$0x16FF0] =	vst v2  }
0x71: {  	[tilespmem:s1+$0x16F80] =	vst v2  }
0x72: {  	[tilespmem:s1+$0x16F90] =	vst v2  }
0x73: {  	[tilespmem:s1+$0x16FA0] =	vst v2  }
0x74: {  	[tilespmem:s1+$0x16FB0] =	vst v2  }
0x75: {  	[tilespmem:s1+$0x16FC0] =	vst v2  }
0x76: {  	[tilespmem:s1+$0x16FD0] =	vst v2  }
0x77: {  	[tilespmem:s1+$0x16FE0] =	vst v2;
	s17 =	simm.s32 $0x14280;
	s21 =	rddreg [dreg:$0xb]  }
0x78: {  	[spmem:s20] =	stream.linear.scatter [tilespmem:s17], [sflag:$0x5], $0x280, $0x38;
	[tilespmem:$0x1EF80] =	vst v63  }
0x79: {  	s5 =	simm.s32 $0x1BF80;
	s7 =	rddreg [dreg:$0x14]  }
0x7a: {  	[spmem:s21] =	stream.linear.scatter [tilespmem:s5], [sflag:$0x5], $0x1000, $0x38;
	[tilespmem:$0x1EF80] =	vst v63  }
0x7b: {  	s14 =	rddreg [dreg:$0x15]  }
0x7c: {  	[spmem:s7] =	stream.linear.scatter [tilespmem:s5], [sflag:$0x5], $0x1000, $0x38;
	[tilespmem:$0x1EF80] =	vst v63  }
0x7d: {  	s15 =	rddreg [dreg:$0x16]  }
0x7e: {  	[spmem:s14] =	stream.linear.scatter [tilespmem:s5], [sflag:$0x5], $0x1000, $0x38;
	[tilespmem:$0x1EF80] =	vst v63  }
0x7f: {  	s17 =	rddreg [dreg:$0x17]  }
0x80: {  	[spmem:s15] =	stream.linear.scatter [tilespmem:s5], [sflag:$0x5], $0x1000, $0x38;
	[tilespmem:$0x1EF80] =	vst v63  }
0x81: {  	s21 =	rddreg [dreg:$0x18]  }
0x82: {  	[spmem:s17] =	stream.linear.scatter [tilespmem:s5], [sflag:$0x5], $0x1000, $0x38;
	[tilespmem:$0x1EF80] =	vst v63  }
0x83: {  	s7 =	rddreg [dreg:$0x19]  }
0x84: {  	[spmem:s21] =	stream.linear.scatter [tilespmem:s5], [sflag:$0x5], $0x1000, $0x38;
	[tilespmem:$0x1EF80] =	vst v63  }
0x85: {  	s14 =	rddreg [dreg:$0x1a]  }
0x86: {  	[spmem:s7] =	stream.linear.scatter [tilespmem:s5], [sflag:$0x5], $0x1000, $0x38;
	[tilespmem:$0x1EF80] =	vst v63  }
0x87: {  	s15 =	rddreg [dreg:$0x1b]  }
0x88: {  	[spmem:s14] =	stream.linear.scatter [tilespmem:s5], [sflag:$0x5], $0x1000, $0x38;
	[tilespmem:$0x1EF80] =	vst v63  }
0x89: {  	s17 =	rddreg [dreg:$0x1c]  }
0x8a: {  	[spmem:s15] =	stream.linear.scatter [tilespmem:s5], [sflag:$0x5], $0x1000, $0x38;
	[tilespmem:$0x1EF80] =	vst v63  }
0x8b: {  	s21 =	rddreg [dreg:$0x1d]  }
0x8c: {  	[spmem:s17] =	stream.linear.scatter [tilespmem:s5], [sflag:$0x5], $0x1000, $0x38;
	[tilespmem:$0x1EF80] =	vst v63  }
0x8d: {  	s7 =	rddreg [dreg:$0x1e]  }
0x8e: {  	[spmem:s21] =	stream.linear.scatter [tilespmem:s5], [sflag:$0x5], $0x1000, $0x38;
	[tilespmem:$0x1EF80] =	vst v63  }
0x8f: {  	s14 =	rddreg [dreg:$0x1f]  }
0x90: {  	[spmem:s7] =	stream.linear.scatter [tilespmem:s5], [sflag:$0x5], $0x1000, $0x38;
	[tilespmem:$0x1EF80] =	vst v63  }
0x91: {  	s15 =	sld [smem:$0x7F7]  }
0x92: {  	[spmem:s14] =	stream.linear.scatter [tilespmem:s5], [sflag:$0x5], $0x1000, $0x38;
	[tilespmem:$0x1EF80] =	vst v63  }
0x93: {  	s17 =	sld [smem:$0x7F8]  }
0x94: {  	[spmem:s15] =	stream.linear.scatter [tilespmem:s5], [sflag:$0x5], $0x1000, $0x38;
	[tilespmem:$0x1EF80] =	vst v63  }
0x95: {  	s21 =	sld [smem:$0x7F9]  }
0x96: {  	[spmem:s17] =	stream.linear.scatter [tilespmem:s5], [sflag:$0x5], $0x1000, $0x38;
	[tilespmem:$0x1EF80] =	vst v63  }
0x97: {  	s7 =	sld [smem:$0x7FA]  }
0x98: {  	[spmem:s21] =	stream.linear.scatter [tilespmem:s5], [sflag:$0x5], $0x1000, $0x38;
	[tilespmem:$0x1EF80] =	vst v63  }
0x99: {  	s14 =	sld [smem:$0x7FB]  }
0x9a: {  	[spmem:s7] =	stream.linear.scatter [tilespmem:s5], [sflag:$0x5], $0x1000, $0x38;
	[tilespmem:$0x1EF80] =	vst v63  }
0x9b: {  	s15 =	sld [smem:$0x7FC]  }
0x9c: {  	[spmem:s14] =	stream.linear.scatter [tilespmem:s5], [sflag:$0x5], $0x1000, $0x38;
	[tilespmem:$0x1EF80] =	vst v63  }
0x9d: {  	s17 =	sld [smem:$0x7FD]  }
0x9e: {  	[spmem:s15] =	stream.linear.scatter [tilespmem:s5], [sflag:$0x5], $0x1000, $0x38;
	[tilespmem:$0x1EF80] =	vst v63  }
0x9f: {  	_ = 	snop  }
0xa0: {  	[spmem:s17] =	stream.linear.scatter [tilespmem:s5], [sflag:$0x5], $0x1000, $0x38;
	[tilespmem:$0x1EF80] =	vst v63  }
0xa1: {  	s1 =	simm.s32 $0x0;
	s21 =	rddreg [dreg:$0xc];
	s7 =	simm.s32 $0x15D80  }
0xa2: {  	[tilespmem:s7], [sflag:$0x1] =	stream.linear.gather [hbm4b:s21+s1], $0x7D0, $0x38;
	[tilespmem:$0x1EF80] =	vst v63  }
0xa3: {  	s5 =	simm.s32 $0x0;
	s7 =	simm.s32 $0x16580  }
.LBB2_6:
0xa4: {  	s14 =	smul.u32 $0xFA0, s5;
	_ =	sdelay $0x1  }
0xa5: {  	s15 =	sadd.s32 s14, s29  }
0xa6: {  	s15 =	sshrl.u32 s15, $0x3  }
0xa7: {  	s15 =	sadd.s32 s2, s15  }
0xa8: {  	[tilespmem:s7], [sflag:$0x2] =	stream.linear.gather [hbm4b:s15+s1], $0x7D0, $0x38;
	[tilespmem:$0x1EF80] =	vst v63  }
0xa9: {  	_ =	swait.ge [sflag:s31], $0x7D0  }
0xaa: {  	[sflag:s31] =	ssyncset.done $0x0  }
0xab: {  	s17 =	simm.s32 $0x0;
	s15 =	simm.s32 $0x40;
	[sflag:s31] =	ssyncadd.s32 $0xFFFFF830  }
.LBB2_7:
0xac: {  	p0 =	sne.s32 s15, $0x1F00;
	v8 =	vld [tilespmem:s17+$0x15D80];
	_ =	sdelay $0x3  }
.Ltmp2:
0xad: {  	(pc) =	sbr.rel @p0 .LBB2_7-.Ltmp2, $2  }
0xae: {  	_ =	sdelay $0x2  }
0xaf: {  	s17 =	sshra.s32 s15, $0x2;
	s15 =	sadd.s32 $0x40, s15;
	[tilespmem:v8+s0+$0x0] =	vst.idx.add.f32.msk $0xffff, v7  }
0xb0: {  	v8 =	vld [tilespmem:s17+$0x15D80];
	_ =	sdelay $0x4  }
0xb1: {  	p0 =	seq.s32 s5, $0x4  }
0xb2: {  	s14 =	sadd.s32 @!p0 s14, s30  }
0xb3: {  	s14 =	sshrl.u32 @!p0 s14, $0x3  }
0xb4: {  	s15 =	simm.s32 @!p0 $0x0;
	s17 =	simm.s32 @!p0 $0x15D80;
	s14 =	sadd.s32 @!p0 s2, s14;
	[tilespmem:v8+s0+$0x0] =	vst.idx.add.f32.msk $0xffff, v7  }
0xb5: {  	[tilespmem:s17], [sflag:$0x1] =	stream.linear.gather @!p0 [hbm4b:s14+s15], $0x7D0, $0x38;
	[tilespmem:$0x1EF80] =	vst v63  }
0xb6: {  	_ =	swait.ge [sflag:s4], $0x7D0  }
0xb7: {  	[sflag:s4] =	ssyncset.done $0x0  }
0xb8: {  	s15 =	simm.s32 $0x0;
	s14 =	simm.s32 $0x40;
	[sflag:s4] =	ssyncadd.s32 $0xFFFFF830  }
.LBB2_9:
0xb9: {  	p0 =	sne.s32 s14, $0x1F00;
	v8 =	vld [tilespmem:s15+$0x16580];
	_ =	sdelay $0x3  }
.Ltmp3:
0xba: {  	(pc) =	sbr.rel @p0 .LBB2_9-.Ltmp3, $2  }
0xbb: {  	_ =	sdelay $0x2  }
0xbc: {  	s15 =	sshra.s32 s14, $0x2;
	s14 =	sadd.s32 $0x40, s14;
	[tilespmem:v8+s0+$0x0] =	vst.idx.add.f32.msk $0xffff, v7  }
0xbd: {  	v8 =	vld [tilespmem:s15+$0x16580];
	_ =	sdelay $0x1  }
0xbe: {  	s5 =	sadd.s32 $0x1, s5  }
0xbf: {  	p0 =	sne.s32 s5, $0x5  }
.Ltmp4:
0xc0: {  	_ = 	snop;
	(pc) =	sbr.rel @p0 .LBB2_6-.Ltmp4, $2  }
0xc1: {  	_ =	sdelay $0x2  }
0xc2: {  	[tilespmem:v8+s0+$0x0] =	vst.idx.add.f32.msk $0xffff, v7  }
0xc3: {  	s1 =	simm.s32 $0x5  }
0xc4: {  	_ =	swait.ge [sflag:s1], $0x280  }
0xc5: {  	[sflag:s1] =	ssyncset.done $0x0  }
0xc6: {  	[sflag:s1] =	ssyncadd.s32 $0xFFFFFD80  }
0xc7: {  	_ =	swait.ge [sflag:s1], $0x1000  }
0xc8: {  	[sflag:s1] =	ssyncset.done $0x0  }
0xc9: {  	[sflag:s1] =	ssyncadd.s32 $0xFFFFF000  }
0xca: {  	_ =	swait.ge [sflag:s1], $0x1000  }
0xcb: {  	[sflag:s1] =	ssyncset.done $0x0  }
0xcc: {  	[sflag:s1] =	ssyncadd.s32 $0xFFFFF000  }
0xcd: {  	_ =	swait.ge [sflag:s1], $0x1000  }
0xce: {  	[sflag:s1] =	ssyncset.done $0x0  }
0xcf: {  	[sflag:s1] =	ssyncadd.s32 $0xFFFFF000  }
0xd0: {  	_ =	swait.ge [sflag:s1], $0x1000  }
0xd1: {  	[sflag:s1] =	ssyncset.done $0x0  }
0xd2: {  	[sflag:s1] =	ssyncadd.s32 $0xFFFFF000  }
0xd3: {  	_ =	swait.ge [sflag:s1], $0x1000  }
0xd4: {  	[sflag:s1] =	ssyncset.done $0x0  }
0xd5: {  	[sflag:s1] =	ssyncadd.s32 $0xFFFFF000  }
0xd6: {  	_ =	swait.ge [sflag:s1], $0x1000  }
0xd7: {  	[sflag:s1] =	ssyncset.done $0x0  }
0xd8: {  	[sflag:s1] =	ssyncadd.s32 $0xFFFFF000  }
0xd9: {  	_ =	swait.ge [sflag:s1], $0x1000  }
0xda: {  	[sflag:s1] =	ssyncset.done $0x0  }
0xdb: {  	[sflag:s1] =	ssyncadd.s32 $0xFFFFF000  }
0xdc: {  	_ =	swait.ge [sflag:s1], $0x1000  }
0xdd: {  	[sflag:s1] =	ssyncset.done $0x0  }
0xde: {  	[sflag:s1] =	ssyncadd.s32 $0xFFFFF000  }
0xdf: {  	_ =	swait.ge [sflag:s1], $0x1000  }
0xe0: {  	[sflag:s1] =	ssyncset.done $0x0  }
0xe1: {  	[sflag:s1] =	ssyncadd.s32 $0xFFFFF000  }
0xe2: {  	_ =	swait.ge [sflag:s1], $0x1000  }
0xe3: {  	[sflag:s1] =	ssyncset.done $0x0  }
0xe4: {  	[sflag:s1] =	ssyncadd.s32 $0xFFFFF000  }
0xe5: {  	_ =	swait.ge [sflag:s1], $0x1000  }
0xe6: {  	[sflag:s1] =	ssyncset.done $0x0  }
0xe7: {  	[sflag:s1] =	ssyncadd.s32 $0xFFFFF000  }
0xe8: {  	_ =	swait.ge [sflag:s1], $0x1000  }
0xe9: {  	[sflag:s1] =	ssyncset.done $0x0  }
0xea: {  	[sflag:s1] =	ssyncadd.s32 $0xFFFFF000  }
0xeb: {  	_ =	swait.ge [sflag:s1], $0x1000  }
0xec: {  	[sflag:s1] =	ssyncset.done $0x0  }
0xed: {  	[sflag:s1] =	ssyncadd.s32 $0xFFFFF000  }
0xee: {  	_ =	swait.ge [sflag:s1], $0x1000  }
0xef: {  	[sflag:s1] =	ssyncset.done $0x0  }
0xf0: {  	[sflag:s1] =	ssyncadd.s32 $0xFFFFF000  }
0xf1: {  	_ =	swait.ge [sflag:s1], $0x1000  }
0xf2: {  	[sflag:s1] =	ssyncset.done $0x0  }
0xf3: {  	[sflag:s1] =	ssyncadd.s32 $0xFFFFF000  }
0xf4: {  	_ =	swait.ge [sflag:s1], $0x1000  }
0xf5: {  	[sflag:s1] =	ssyncset.done $0x0  }
0xf6: {  	[sflag:s1] =	ssyncadd.s32 $0xFFFFF000  }
0xf7: {  	_ =	swait.ge [sflag:s1], $0x1000  }
0xf8: {  	[sflag:s1] =	ssyncset.done $0x0  }
0xf9: {  	[sflag:s1] =	ssyncadd.s32 $0xFFFFF000  }
0xfa: {  	_ =	swait.ge [sflag:s1], $0x1000  }
0xfb: {  	[sflag:s1] =	ssyncset.done $0x0  }
0xfc: {  	[sflag:s1] =	ssyncadd.s32 $0xFFFFF000  }
0xfd: {  	_ =	swait.ge [sflag:s1], $0x1000  }
0xfe: {  	[sflag:s1] =	ssyncset.done $0x0  }
0xff: {  	[sflag:s1] =	ssyncadd.s32 $0xFFFFF000  }
0x100: {  	_ =	swait.ge [sflag:s1], $0x1000  }
0x101: {  	[sflag:s1] =	ssyncset.done $0x0  }
0x102: {  	[sflag:s1] =	ssyncadd.s32 $0xFFFFF000  }
0x103: {  	[bflag:$0x0] =	sbarrier.arrive $0xFFFF  }
0x104: {  	s5 =	simm.s32 $0x14680;
	s7 =	simm.s32 $0xA;
	s17 =	rddreg [dreg:$0x4]  }
0x105: {  	[spmem:s17] =	stream.indirect.scatter.add.f32 [tilespmem:s0], [sflag:$0xA], $0x80, s5, s13, $0xb8;
	[tilespmem:$0x1EF80] =	vst v63  }
0x106: {  	_ =	swait.ge [sflag:s7], $0x2800  }
0x107: {  	[sflag:s7] =	ssyncset.done $0x0  }
0x108: {  	[sflag:s7] =	ssyncadd.s32 $0xFFFFD800  }
0x109: {  	s21 =	simm.s32 $0x14700;
	s29 =	simm.s32 $0x0;
	[bflag:$0x0] =	sbarrier.arrive $0xFFFF  }
0x10a: {  	[tilespmem:s21], [sflag:$0xA] =	stream.linear.gather [spmem:s20], $0x280, $0x38;
	[tilespmem:$0x1EF80] =	vst v63  }
0x10b: {  	s30 =	sand.u32 $0xE00, s29;
	_ =	swait.ge [sflag:s7], $0x280  }
0x10c: {  	s1 =	sand.u32 $0x70, s29;
	s5 =	sshrl.u32 s30, $0x2;
	[sflag:s7] =	ssyncset.done $0x0  }
0x10d: {  	s1 =	sor.u32 s1, s5;
	[sflag:s7] =	ssyncadd.s32 $0xFFFFFD80  }
0x10e: {  	v8 =	vld [tilespmem:s1+$0x14700];
	_ =	sdelay $0x4  }
0x10f: {  	v8 =	vmax.f32 v8, $1.000000000e+00  }
0x110: {  	v9 =	vshra.s32 v8, $0x1;
	v8 =	vmul.f32 $5.000000000e-01, v8  }
0x111: {  	v9 =	vsub.s32 $0x5F3759DF, v9  }
0x112: {  	v10 =	vmul.f32 v9, v8;
	_ =	sdelay $0x1  }
0x113: {  	v10 =	vmul.f32 v9, v10;
	_ =	sdelay $0x1  }
0x114: {  	v10 =	vsub.f32 $1.500000000e+00, v10;
	_ =	sdelay $0x1  }
0x115: {  	v9 =	vmul.f32 v9, v10;
	_ =	sdelay $0x1  }
0x116: {  	v10 =	vmul.f32 v9, v8;
	_ =	sdelay $0x1  }
0x117: {  	v10 =	vmul.f32 v10, v9;
	_ =	sdelay $0x1  }
0x118: {  	v10 =	vsub.f32 $1.500000000e+00, v10;
	_ =	sdelay $0x1  }
0x119: {  	v9 =	vmul.f32 v10, v9;
	_ =	sdelay $0x1  }
0x11a: {  	v8 =	vmul.f32 v9, v8;
	_ =	sdelay $0x1  }
0x11b: {  	v8 =	vmul.f32 v8, v9;
	_ =	sdelay $0x1  }
0x11c: {  	v8 =	vsub.f32 $1.500000000e+00, v8  }
0x11d: {  	s14 =	simm.s32 $0x80;
	s1 =	simm.s32 $0x40  }
0x11e: {  	s17 =	simm.s32 $0x0;
	s5 =	simm.s32 $0x10;
	s15 =	sand.u32 $0xE00, s1;
	v8 =	vmul.f32 v8, v9  }
.LBB2_12:
0x11f: {  	p0 =	sne.s32 s14, $0x9C0;
	s20 =	sand.u32 $0x70, s5;
	s15 =	sshrl.u32 s15, $0x2  }
0x120: {  	s15 =	sor.u32 s20, s15;
	[tilespmem:s17+$0x14B00] =	vst v8;
	s17 =	smov.u32 s1;
	s1 =	smov.u32 s14  }
0x121: {  	v8 =	vld [tilespmem:s15+$0x14700];
	_ =	sdelay $0x4  }
0x122: {  	v8 =	vmax.f32 v8, $1.000000000e+00  }
0x123: {  	v9 =	vshra.s32 v8, $0x1;
	v8 =	vmul.f32 $5.000000000e-01, v8  }
0x124: {  	v9 =	vsub.s32 $0x5F3759DF, v9  }
0x125: {  	v10 =	vmul.f32 v9, v8;
	_ =	sdelay $0x1  }
0x126: {  	v10 =	vmul.f32 v9, v10;
	_ =	sdelay $0x1  }
0x127: {  	v10 =	vsub.f32 $1.500000000e+00, v10;
	_ =	sdelay $0x1  }
0x128: {  	v9 =	vmul.f32 v9, v10;
	_ =	sdelay $0x1  }
0x129: {  	v10 =	vmul.f32 v9, v8;
	_ =	sdelay $0x1  }
0x12a: {  	v10 =	vmul.f32 v10, v9;
	_ =	sdelay $0x1  }
0x12b: {  	v10 =	vsub.f32 $1.500000000e+00, v10;
	_ =	sdelay $0x1  }
0x12c: {  	v9 =	vmul.f32 v10, v9;
	_ =	sdelay $0x1  }
0x12d: {  	v8 =	vmul.f32 v9, v8;
	_ =	sdelay $0x1  }
.Ltmp5:
0x12e: {  	v8 =	vmul.f32 v8, v9;
	(pc) =	sbr.rel @p0 .LBB2_12-.Ltmp5, $4  }
0x12f: {  	_ = 	snop  }
0x130: {  	v8 =	vsub.f32 $1.500000000e+00, v8  }
0x131: {  	s5 =	sadd.s32 $0x10, s5  }
0x132: {  	s14 =	sadd.s32 $0x40, s14;
	s15 =	sand.u32 $0xE00, s1;
	s17 =	sshra.s32 s17, $0x2;
	v8 =	vmul.f32 v8, v9  }
0x133: {  	s5 =	sand.u32 $0x70, s5;
	s14 =	sshrl.u32 s15, $0x2  }
0x134: {  	s5 =	sor.u32 s5, s14;
	[tilespmem:s17+$0x14B00] =	vst v8  }
0x135: {  	v8 =	vld [tilespmem:s5+$0x14700];
	_ =	sdelay $0x4  }
0x136: {  	v8 =	vmax.f32 v8, $1.000000000e+00  }
0x137: {  	v9 =	vshra.s32 v8, $0x1;
	v8 =	vmul.f32 $5.000000000e-01, v8  }
0x138: {  	v9 =	vsub.s32 $0x5F3759DF, v9  }
0x139: {  	v10 =	vmul.f32 v9, v8;
	_ =	sdelay $0x1  }
0x13a: {  	v10 =	vmul.f32 v9, v10;
	_ =	sdelay $0x1  }
0x13b: {  	v10 =	vsub.f32 $1.500000000e+00, v10;
	_ =	sdelay $0x1  }
0x13c: {  	v9 =	vmul.f32 v9, v10;
	_ =	sdelay $0x1  }
0x13d: {  	v10 =	vmul.f32 v9, v8;
	_ =	sdelay $0x1  }
0x13e: {  	v10 =	vmul.f32 v10, v9;
	_ =	sdelay $0x1  }
0x13f: {  	v10 =	vsub.f32 $1.500000000e+00, v10;
	_ =	sdelay $0x1  }
0x140: {  	v9 =	vmul.f32 v10, v9;
	_ =	sdelay $0x1  }
0x141: {  	v8 =	vmul.f32 v9, v8;
	_ =	sdelay $0x1  }
0x142: {  	v8 =	vmul.f32 v8, v9;
	_ =	sdelay $0x1  }
0x143: {  	v8 =	vsub.f32 $1.500000000e+00, v8;
	_ =	sdelay $0x1  }
0x144: {  	v8 =	vmul.f32 v8, v9  }
0x145: {  	s1 =	sshra.s32 s1, $0x2;
	s21 =	rddreg [dreg:$0xf]  }
0x146: {  	s7 =	simm.s32 $0x14D80;
	s20 =	simm.s32 $0x20;
	[tilespmem:s1+$0x14B00] =	vst v8;
	s1 =	simm.s32 $0x0  }
0x147: {  	[tilespmem:s7], [sflag:$0x6] =	stream.linear.gather [hbm4b:s21+s1], $0x1000, $0x38;
	[tilespmem:$0x1EF80] =	vst v63  }
0x148: {  	s29 =	simm.s32 $0x0;
	s30 =	simm.s32 $0x0;
	s7 =	simm.s32 $0x1CF80  }
.LBB2_14:
0x149: {  	s15 =	sshll.u32 s30, $0x6;
	p0 =	seq.s32 s30, $0x0  }
0x14a: {  	s5 =	simm.s32 @!p0 $0x9;
	s14 =	sor.u32 $0x20, s15  }
0x14b: {  	_ =	swait.ge @!p0 [sflag:s5], $0x1000;
	s17 =	sadd.s32 s10, s14  }
0x14c: {  	[sflag:s5] =	ssyncset.done @!p0 $0x0;
	s17 =	sshll.u32 s17, $0x4  }
0x14d: {  	[sflag:s5] =	ssyncadd.s32 @!p0 $0xFFFFF000;
	s17 =	sadd.s32 s8, s17  }
0x14e: {  	[tilespmem:s7], [sflag:$0x7] =	stream.linear.gather [hbm4b:s17+s1], $0x1000, $0x38;
	[tilespmem:$0x1EF80] =	vst v63  }
0x14f: {  	s21 =	sadd.s32 $0x0, s29;
	_ =	swait.ge [sflag:s23], $0x1000  }
0x150: {  	v8 =	vmov s21;
	[sflag:s23] =	ssyncset.done $0x0  }
0x151: {  	s5 =	simm.s32 $0x14DC0;
	[sflag:s23] =	ssyncadd.s32 $0xFFFFF000  }
0x152: {  	v12 =	vld [tilespmem:s5+$0x30]  }
0x153: {  	v15 =	vld [tilespmem:s5+$0x10]  }
0x154: {  	v13 =	vld [tilespmem:s5+$0xFFFFFFC0]  }
0x155: {  	v9 =	vld.idx.msk [tilespmem:v8+s24+$0x0], $0xffff  }
0x156: {  	v17 =	vld [tilespmem:s5+$0xFFFFFFE0]  }
0x157: {  	v8 =	vld [tilespmem:s5+$0xFFFFFFF0]  }
0x158: {  	v10 =	vld [tilespmem:s5+$0x20]  }
0x159: {  	v11 =	vld [tilespmem:s5+$0xFFFFFFD0]  }
0x15a: {  	v16 =	vmul.f32 v12, v9;
	v12 =	vld [tilespmem:s5+$0x0]  }
0x15b: {  	v14 =	vmul.f32 v13, v9  }
0x15c: {  	s21 =	simm.s32 $0x1;
	s17 =	simm.s32 $0x14DC0;
	v13 =	vmul.f32 v17, v9;
	v15 =	vmul.f32 v15, v9  }
.LBB2_15:
0x15d: {  	p0 =	sne.s32 s21, $0x1F  }
0x15e: {  	v11 =	vmul.f32 v11, v9;
	v10 =	vmul.f32 v10, v9;
	[tilespmem:s5+$0x30] =	vst v16;
	s17 =	sadd.s32 $0x80, s17;
	s7 =	smov.u32 s21;
	s21 =	sadd.s32 $0x1, s21  }
0x15f: {  	[tilespmem:s5+$0xFFFFFFC0] =	vst v14;
	v14 =	vmul.f32 v8, v9;
	v9 =	vmul.f32 v12, v9  }
0x160: {  	s7 =	sadd.s32 s7, s29;
	[tilespmem:s5+$0x10] =	vst v15  }
0x161: {  	v12 =	vmov s7;
	[tilespmem:s5+$0xFFFFFFE0] =	vst v13  }
0x162: {  	v8 =	vld [tilespmem:s17+$0xFFFFFFF0];
	[tilespmem:s5+$0xFFFFFFF0] =	vst v14  }
0x163: {  	v13 =	vld [tilespmem:s17+$0x30];
	[tilespmem:s5+$0x0] =	vst v9  }
0x164: {  	v15 =	vld [tilespmem:s17+$0x10];
	[tilespmem:s5+$0x20] =	vst v10  }
0x165: {  	v14 =	vld [tilespmem:s17+$0xFFFFFFC0];
	[tilespmem:s5+$0xFFFFFFD0] =	vst v11;
	s5 =	smov.u32 s17  }
0x166: {  	v9 =	vld.idx.msk [tilespmem:v12+s24+$0x0], $0xffff  }
0x167: {  	v17 =	vld [tilespmem:s17+$0xFFFFFFE0]  }
0x168: {  	v10 =	vld [tilespmem:s17+$0x20]  }
.Ltmp6:
0x169: {  	v11 =	vld [tilespmem:s17+$0xFFFFFFD0];
	(pc) =	sbr.rel @p0 .LBB2_15-.Ltmp6, $3  }
0x16a: {  	v12 =	vld [tilespmem:s17+$0x0];
	_ =	sdelay $0x1  }
0x16b: {  	v14 =	vmul.f32 v14, v9;
	v16 =	vmul.f32 v13, v9  }
0x16c: {  	v15 =	vmul.f32 v15, v9;
	v13 =	vmul.f32 v17, v9  }
0x16d: {  	[tilespmem:s5+$0x30] =	vst v16  }
0x16e: {  	[tilespmem:s5+$0xFFFFFFC0] =	vst v14  }
0x16f: {  	v8 =	vmul.f32 v8, v9;
	[tilespmem:s5+$0x10] =	vst v15  }
0x170: {  	v10 =	vmul.f32 v10, v9;
	[tilespmem:s5+$0xFFFFFFE0] =	vst v13  }
0x171: {  	s7 =	rddreg [dreg:$0x10];
	v12 =	vmul.f32 v12, v9;
	[tilespmem:s5+$0xFFFFFFF0] =	vst v8  }
0x172: {  	s7 =	sadd.s32 s7, s15;
	v8 =	vmul.f32 v11, v9;
	[tilespmem:s5+$0x20] =	vst v10  }
0x173: {  	p0 =	seq.s32 s30, $0x9;
	s7 =	sshll.u32 s7, $0x4;
	[tilespmem:s5+$0x0] =	vst v12  }
0x174: {  	s17 =	simm.s32 $0x14D80;
	s7 =	sadd.s32 s9, s7;
	[tilespmem:s5+$0xFFFFFFD0] =	vst v8;
	s5 =	simm.s32 @!p0 $0x8  }
0x175: {  	[hbm4b:s7+s18] =	stream.linear.scatter [tilespmem:s17], [sflag:$0x8], $0x1000, $0x38;
	[tilespmem:$0x1EF80] =	vst v63  }
0x176: {  	_ =	swait.ge @!p0 [sflag:s5], $0x1000  }
0x177: {  	s7 =	sadd.s32 @!p0 s15, s19;
	[sflag:s5] =	ssyncset.done @!p0 $0x0  }
0x178: {  	[sflag:s5] =	ssyncadd.s32 @!p0 $0xFFFFF000;
	s5 =	sshll.u32 @!p0 s7, $0x4  }
0x179: {  	s15 =	simm.s32 @!p0 $0x14D80;
	s7 =	simm.s32 @!p0 $0x0;
	s5 =	sadd.s32 @!p0 s8, s5  }
0x17a: {  	[tilespmem:s15], [sflag:$0x6] =	stream.linear.gather @!p0 [hbm4b:s5+s7], $0x1000, $0x38;
	[tilespmem:$0x1EF80] =	vst v63  }
0x17b: {  	s21 =	sadd.s32 $0x0, s20;
	_ =	swait.ge [sflag:s25], $0x1000  }
0x17c: {  	v8 =	vmov s21;
	[sflag:s25] =	ssyncset.done $0x0  }
0x17d: {  	s5 =	simm.s32 $0x1CFC0;
	[sflag:s25] =	ssyncadd.s32 $0xFFFFF000  }
0x17e: {  	v12 =	vld [tilespmem:s5+$0x30]  }
0x17f: {  	v15 =	vld [tilespmem:s5+$0x10]  }
0x180: {  	v13 =	vld [tilespmem:s5+$0xFFFFFFC0]  }
0x181: {  	v9 =	vld.idx.msk [tilespmem:v8+s24+$0x0], $0xffff  }
0x182: {  	v17 =	vld [tilespmem:s5+$0xFFFFFFE0]  }
0x183: {  	v8 =	vld [tilespmem:s5+$0xFFFFFFF0]  }
0x184: {  	v10 =	vld [tilespmem:s5+$0x20]  }
0x185: {  	v11 =	vld [tilespmem:s5+$0xFFFFFFD0]  }
0x186: {  	v16 =	vmul.f32 v12, v9;
	v12 =	vld [tilespmem:s5+$0x0]  }
0x187: {  	v14 =	vmul.f32 v13, v9  }
0x188: {  	s17 =	simm.s32 $0x1CFC0;
	s15 =	simm.s32 $0x1;
	v13 =	vmul.f32 v17, v9;
	v15 =	vmul.f32 v15, v9  }
.LBB2_17:
0x189: {  	p0 =	sne.s32 s15, $0x1F  }
0x18a: {  	v11 =	vmul.f32 v11, v9;
	v10 =	vmul.f32 v10, v9;
	[tilespmem:s5+$0x30] =	vst v16;
	s17 =	sadd.s32 $0x80, s17;
	s7 =	smov.u32 s15;
	s15 =	sadd.s32 $0x1, s15  }
0x18b: {  	[tilespmem:s5+$0xFFFFFFC0] =	vst v14;
	v14 =	vmul.f32 v8, v9;
	v9 =	vmul.f32 v12, v9  }
0x18c: {  	s7 =	sadd.s32 s7, s20;
	[tilespmem:s5+$0x10] =	vst v15  }
0x18d: {  	v12 =	vmov s7;
	[tilespmem:s5+$0xFFFFFFE0] =	vst v13  }
0x18e: {  	v8 =	vld [tilespmem:s17+$0xFFFFFFF0];
	[tilespmem:s5+$0xFFFFFFF0] =	vst v14  }
0x18f: {  	v13 =	vld [tilespmem:s17+$0x30];
	[tilespmem:s5+$0x0] =	vst v9  }
0x190: {  	v15 =	vld [tilespmem:s17+$0x10];
	[tilespmem:s5+$0x20] =	vst v10  }
0x191: {  	v14 =	vld [tilespmem:s17+$0xFFFFFFC0];
	[tilespmem:s5+$0xFFFFFFD0] =	vst v11;
	s5 =	smov.u32 s17  }
0x192: {  	v9 =	vld.idx.msk [tilespmem:v12+s24+$0x0], $0xffff  }
0x193: {  	v17 =	vld [tilespmem:s17+$0xFFFFFFE0]  }
0x194: {  	v10 =	vld [tilespmem:s17+$0x20]  }
.Ltmp7:
0x195: {  	v11 =	vld [tilespmem:s17+$0xFFFFFFD0];
	(pc) =	sbr.rel @p0 .LBB2_17-.Ltmp7, $3  }
0x196: {  	v12 =	vld [tilespmem:s17+$0x0];
	_ =	sdelay $0x1  }
0x197: {  	v14 =	vmul.f32 v14, v9;
	v16 =	vmul.f32 v13, v9  }
0x198: {  	v15 =	vmul.f32 v15, v9;
	v13 =	vmul.f32 v17, v9  }
0x199: {  	[tilespmem:s5+$0x30] =	vst v16  }
0x19a: {  	[tilespmem:s5+$0xFFFFFFC0] =	vst v14  }
0x19b: {  	v8 =	vmul.f32 v8, v9;
	s30 =	sadd.s32 $0x1, s30;
	[tilespmem:s5+$0x10] =	vst v15  }
0x19c: {  	v10 =	vmul.f32 v10, v9;
	[tilespmem:s5+$0xFFFFFFE0] =	vst v13;
	p0 =	sne.s32 s30, $0xA  }
.Ltmp8:
0x19d: {  	s7 =	rddreg [dreg:$0x10];
	v12 =	vmul.f32 v12, v9;
	[tilespmem:s5+$0xFFFFFFF0] =	vst v8;
	(pc) =	sbr.rel @p0 .LBB2_14-.Ltmp8, $4  }
0x19e: {  	s7 =	sadd.s32 s7, s14;
	v8 =	vmul.f32 v11, v9;
	[tilespmem:s5+$0x20] =	vst v10  }
0x19f: {  	s29 =	sadd.s32 $0x40, s29;
	s7 =	sshll.u32 s7, $0x4;
	[tilespmem:s5+$0x0] =	vst v12  }
0x1a0: {  	s20 =	sadd.s32 $0x40, s20;
	s21 =	sadd.s32 s9, s7;
	s7 =	simm.s32 $0x1CF80;
	[tilespmem:s5+$0xFFFFFFD0] =	vst v8  }
0x1a1: {  	[hbm4b:s21+s18] =	stream.linear.scatter [tilespmem:s7], [sflag:$0x9], $0x1000, $0x38;
	[tilespmem:$0x1EF80] =	vst v63  }
0x1a2: {  	s1 =	simm.s32 $0x8  }
0x1a3: {  	_ =	swait.ge [sflag:s1], $0x1000  }
0x1a4: {  	[sflag:s1] =	ssyncset.done $0x0  }
0x1a5: {  	s5 =	simm.s32 $0x9;
	[sflag:s1] =	ssyncadd.s32 $0xFFFFF000  }
0x1a6: {  	_ =	swait.ge [sflag:s5], $0x1000  }
0x1a7: {  	[sflag:s5] =	ssyncset.done $0x0  }
0x1a8: {  	[sflag:s5] =	ssyncadd.s32 $0xFFFFF000  }
0x1a9: {  	s7 =	simm.s32 $0x15D80;
	[bflag:$0x0] =	sbarrier.arrive $0xFFFF  }
0x1aa: {  	s8 =	simm.s32 $0xA;
	s1 =	simm.s32 $0x0;
	s5 =	rddreg [dreg:$0x11]  }
0x1ab: {  	[tilespmem:s7], [sflag:$0xA] =	stream.linear.gather [hbm4b:s5+s1], $0x7D0, $0x38;
	[tilespmem:$0x1EF80] =	vst v63  }
0x1ac: {  	_ =	swait.ge [sflag:s8], $0x7D0  }
0x1ad: {  	[sflag:s8] =	ssyncset.done $0x0  }
0x1ae: {  	s14 =	simm.s32 $0x16580;
	s7 =	rddreg [dreg:$0x12];
	[sflag:s8] =	ssyncadd.s32 $0xFFFFF830  }
0x1af: {  	[tilespmem:s14], [sflag:$0xA] =	stream.linear.gather [hbm4b:s7+s1], $0x7D0, $0x38;
	[tilespmem:$0x1EF80] =	vst v63  }
0x1b0: {  	_ =	swait.ge [sflag:s8], $0x7D0  }
0x1b1: {  	[sflag:s8] =	ssyncset.done $0x0  }
0x1b2: {  	[sflag:s8] =	ssyncadd.s32 $0xFFFFF830  }
0x1b3: {  	v8 =	vld [tilespmem:$0x15D80]  }
0x1b4: {  	p0 =	por $0x1, $0x1;
	v9 =	vld [tilespmem:$0x16580]  }
0x1b5: {  	s1 =	sor.u32 @!p0 $0x1, s1;
	v10 =	vld [tilespmem:$0x15D90]  }
0x1b6: {  	s5 =	sand.u32 @!p0 $0xFF, s1;
	v11 =	vld [tilespmem:$0x16590]  }
0x1b7: {  	s5 =	smul.u32 @!p0 $0x29, s5;
	v12 =	vld [tilespmem:$0x15DA0];
	_ =	sdelay $0x1  }
0x1b8: {  	s5 =	sshrl.u32 @!p0 s5, $0xA  }
0x1b9: {  	v13 =	vld [tilespmem:$0x165A0];
	s5 =	smul.u32 @!p0 $0x19, s5;
	[tilespmem:$0x16E00] =	vst v9  }
0x1ba: {  	v8 =	vadd.s32 v0, v8;
	v9 =	vadd.s32 v0, v10;
	v10 =	vld [tilespmem:$0x165B0];
	[tilespmem:$0x16E10] =	vst v11  }
0x1bb: {  	s5 =	ssub.s32 @!p0 s1, s5;
	v11 =	vadd.s32 v0, v12;
	[tilespmem:$0x16D80] =	vst v8;
	v8 =	vld [tilespmem:$0x15DB0]  }
0x1bc: {  	s5 =	sand.u32 @!p0 $0xFF, s5;
	[tilespmem:$0x16DA0] =	vst v11;
	v11 =	vld [tilespmem:$0x165C0]  }
0x1bd: {  	p2 =	sne.s32 @!p0 s5, $0x0;
	[tilespmem:$0x16D90] =	vst v9;
	v9 =	vld [tilespmem:$0x15DC0]  }
0x1be: {  	p1 =	por p2, p0  }
0x1bf: {  	[tilespmem:$0x16E20] =	vst v13;
	s1 =	sand.u32 @!p1 $0xFF, s1  }
0x1c0: {  	s1 =	smul.u32 @!p1 $0x29, s1;
	[tilespmem:$0x16E30] =	vst v10  }
0x1c1: {  	v8 =	vadd.s32 v0, v8;
	[tilespmem:$0x16E40] =	vst v11  }
0x1c2: {  	s1 =	sshrl.u32 @!p1 s1, $0xA;
	[tilespmem:$0x16DB0] =	vst v8;
	v8 =	vadd.s32 v0, v9  }
0x1c3: {  	s7 =	simm.s32 @!p0 $0x4;
	s1 =	smul.u32 @!p1 $0x7D0, s1;
	[tilespmem:$0x16DC0] =	vst v8  }
0x1c4: {  	[tilespmem:s0], [sflag:$0x1] =	stream.indirect.gather [hbm4b:s9+s13], $0x80, s11, s13, $0xb8;
	[tilespmem:$0x1EF80] =	vst v63  }
0x1c5: {  	s15 =	simm.s32 @!p1 $0x0;
	s1 =	sadd.s32 @!p1 s16, s1;
	_ =	swait.ge @!p0 [sflag:s7], $0x2800  }
0x1c6: {  	s17 =	simm.s32 @!p1 $0x15D80;
	s1 =	sshrl.u32 @!p1 s1, $0x3;
	[sflag:s7] =	ssyncset.done @!p0 $0x0  }
0x1c7: {  	s14 =	sadd.s32 @!p1 s2, s1;
	[sflag:s7] =	ssyncadd.s32 @!p0 $0xFFFFD800;
	s7 =	simm.s32 @!p1 $0xA  }
0x1c8: {  	[tilespmem:s17], [sflag:$0xA] =	stream.linear.gather @!p1 [hbm4b:s14+s15], $0x7D0, $0x38;
	[tilespmem:$0x1EF80] =	vst v63  }
0x1c9: {  	p2 =	por !p2, p0;
	_ =	swait.ge @!p1 [sflag:s7], $0x7D0  }
0x1ca: {  	s5 =	simm.s32 @p2 $0x0;
	[sflag:s7] =	ssyncset.done @!p1 $0x0  }
0x1cb: {  	s1 =	sadd.s32 @!p1 s3, s1;
	s14 =	simm.s32 @!p1 $0x16580;
	[sflag:s7] =	ssyncadd.s32 @!p1 $0xFFFFF830  }
0x1cc: {  	[tilespmem:s14], [sflag:$0xA] =	stream.linear.gather @!p1 [hbm4b:s1+s15], $0x7D0, $0x38;
	[tilespmem:$0x1EF80] =	vst v63  }
0x1cd: {  	s5 =	simm.s32 @p0 $0x1;
	_ =	swait.ge @!p1 [sflag:s7], $0x7D0  }
0x1ce: {  	s5 =	smul.u32 $0x50, s5;
	[sflag:s7] =	ssyncset.done @!p1 $0x0  }
0x1cf: {  	[sflag:s7] =	ssyncadd.s32 @!p1 $0xFFFFF830  }
0x1d0: {  	v8 =	vld [tilespmem:s5+$0x15D80];
	_ =	sdelay $0x4  }
0x1d1: {  	v8 =	vadd.s32 v0, v8  }
0x1d2: {  	[tilespmem:$0x16E80] =	vst v8  }
0x1d3: {  	v8 =	vld [tilespmem:s5+$0x16580];
	_ =	sdelay $0x4  }
0x1d4: {  	[tilespmem:$0x16F00] =	vst v8  }
0x1d5: {  	v8 =	vld [tilespmem:s5+$0x15D90];
	_ =	sdelay $0x4  }
0x1d6: {  	v8 =	vadd.s32 v0, v8  }
0x1d7: {  	[tilespmem:$0x16E90] =	vst v8  }
0x1d8: {  	v8 =	vld [tilespmem:s5+$0x16590];
	_ =	sdelay $0x4  }
0x1d9: {  	[tilespmem:$0x16F10] =	vst v8  }
0x1da: {  	v8 =	vld [tilespmem:s5+$0x15DA0];
	_ =	sdelay $0x4  }
0x1db: {  	v8 =	vadd.s32 v0, v8  }
0x1dc: {  	[tilespmem:$0x16EA0] =	vst v8  }
0x1dd: {  	v8 =	vld [tilespmem:s5+$0x165A0];
	_ =	sdelay $0x4  }
0x1de: {  	[tilespmem:$0x16F20] =	vst v8  }
0x1df: {  	v8 =	vld [tilespmem:s5+$0x15DB0];
	_ =	sdelay $0x4  }
0x1e0: {  	v8 =	vadd.s32 v0, v8  }
0x1e1: {  	[tilespmem:$0x16EB0] =	vst v8  }
0x1e2: {  	v8 =	vld [tilespmem:s5+$0x165B0];
	_ =	sdelay $0x4  }
0x1e3: {  	[tilespmem:$0x16F30] =	vst v8  }
0x1e4: {  	v8 =	vld [tilespmem:s5+$0x15DC0]  }
0x1e5: {  	s1 =	simm.s32 $0x2  }
0x1e6: {  	s15 =	sand.u32 $0xFF, s1  }
0x1e7: {  	s7 =	smul.u32 $0x29, s15;
	_ =	sdelay $0x1  }
0x1e8: {  	s7 =	sshrl.u32 s7, $0xA;
	v8 =	vadd.s32 v0, v8  }
0x1e9: {  	s7 =	smul.u32 $0x19, s7;
	[tilespmem:$0x16EC0] =	vst v8  }
0x1ea: {  	v8 =	vld [tilespmem:s5+$0x165C0]  }
0x1eb: {  	s7 =	ssub.s32 $0x2, s7  }
0x1ec: {  	s7 =	sand.u32 $0xFF, s7  }
0x1ed: {  	p0 =	sne.s32 s7, $0x0  }
0x1ee: {  	s5 =	sand.u32 @!p0 $0xFF, s1  }
0x1ef: {  	s17 =	rddreg [dreg:$0x7];
	s5 =	smul.u32 @!p0 $0x29, s5;
	[tilespmem:$0x16F40] =	vst v8  }
0x1f0: {  	[tilespmem:s12], [sflag:$0x2] =	stream.indirect.gather [hbm4b:s9+s13], $0x80, s17, s13, $0xb8;
	[tilespmem:$0x1EF80] =	vst v63  }
0x1f1: {  	_ =	swait.ge [sflag:s31], $0x2800  }
0x1f2: {  	s5 =	sshrl.u32 @!p0 s5, $0xA;
	[sflag:s31] =	ssyncset.done $0x0  }
0x1f3: {  	s5 =	smul.u32 @!p0 $0x7D0, s5;
	[sflag:s31] =	ssyncadd.s32 $0xFFFFD800  }
0x1f4: {  	[spmem:s6] =	stream.indirect.scatter.add.f32 [tilespmem:s0], [sflag:$0x3], $0x80, s26, s13, $0xb8;
	[tilespmem:$0x1EF80] =	vst v63  }
0x1f5: {  	s5 =	sadd.s32 @!p0 s16, s5;
	_ =	swait.ge [sflag:s28], $0x2800  }
0x1f6: {  	s15 =	simm.s32 @!p0 $0x0;
	s5 =	sshrl.u32 @!p0 s5, $0x3;
	[sflag:s28] =	ssyncset.done $0x0  }
0x1f7: {  	s17 =	simm.s32 @!p0 $0x15D80;
	s14 =	sadd.s32 @!p0 s2, s5;
	[sflag:s28] =	ssyncadd.s32 $0xFFFFD800  }
0x1f8: {  	[tilespmem:s17], [sflag:$0xA] =	stream.linear.gather @!p0 [hbm4b:s14+s15], $0x7D0, $0x38;
	[tilespmem:$0x1EF80] =	vst v63  }
0x1f9: {  	s14 =	simm.s32 @!p0 $0xA  }
0x1fa: {  	_ =	swait.ge @!p0 [sflag:s14], $0x7D0  }
0x1fb: {  	[sflag:s14] =	ssyncset.done @!p0 $0x0  }
0x1fc: {  	s5 =	sadd.s32 @!p0 s3, s5;
	s17 =	simm.s32 @!p0 $0x16580;
	[sflag:s14] =	ssyncadd.s32 @!p0 $0xFFFFF830  }
0x1fd: {  	[tilespmem:s17], [sflag:$0xA] =	stream.linear.gather @!p0 [hbm4b:s5+s15], $0x7D0, $0x38;
	[tilespmem:$0x1EF80] =	vst v63  }
0x1fe: {  	_ =	swait.ge @!p0 [sflag:s14], $0x7D0  }
0x1ff: {  	s18 =	smul.u32 $0x50, s7;
	[sflag:s14] =	ssyncset.done @!p0 $0x0  }
0x200: {  	[sflag:s14] =	ssyncadd.s32 @!p0 $0xFFFFF830  }
0x201: {  	v8 =	vld [tilespmem:s18+$0x15D80];
	_ =	sdelay $0x4  }
0x202: {  	v8 =	vadd.s32 v0, v8  }
0x203: {  	[tilespmem:$0x16D80] =	vst v8  }
0x204: {  	v8 =	vld [tilespmem:s18+$0x16580];
	_ =	sdelay $0x4  }
0x205: {  	[tilespmem:$0x16E00] =	vst v8  }
0x206: {  	v8 =	vld [tilespmem:s18+$0x15D90];
	_ =	sdelay $0x4  }
0x207: {  	v8 =	vadd.s32 v0, v8  }
0x208: {  	[tilespmem:$0x16D90] =	vst v8  }
0x209: {  	v8 =	vld [tilespmem:s18+$0x16590];
	_ =	sdelay $0x4  }
0x20a: {  	[tilespmem:$0x16E10] =	vst v8  }
0x20b: {  	v8 =	vld [tilespmem:s18+$0x15DA0];
	_ =	sdelay $0x4  }
0x20c: {  	v8 =	vadd.s32 v0, v8  }
0x20d: {  	[tilespmem:$0x16DA0] =	vst v8  }
0x20e: {  	v8 =	vld [tilespmem:s18+$0x165A0];
	_ =	sdelay $0x4  }
0x20f: {  	[tilespmem:$0x16E20] =	vst v8  }
0x210: {  	v8 =	vld [tilespmem:s18+$0x15DB0];
	_ =	sdelay $0x4  }
0x211: {  	p1 =	por $0x0, $0x0;
	v8 =	vadd.s32 v0, v8  }
0x212: {  	s1 =	sor.u32 @!p1 $0x1, s1;
	[tilespmem:$0x16DB0] =	vst v8  }
0x213: {  	s7 =	sand.u32 @!p1 $0xFF, s1;
	v8 =	vld [tilespmem:s18+$0x165B0]  }
0x214: {  	s7 =	smul.u32 @!p1 $0x29, s7;
	_ =	sdelay $0x1  }
0x215: {  	s7 =	sshrl.u32 @!p1 s7, $0xA  }
0x216: {  	s7 =	smul.u32 @!p1 $0x19, s7  }
0x217: {  	s29 =	simm.s32 $0x4;
	[tilespmem:$0x16E30] =	vst v8  }
0x218: {  	s20 =	sand.u32 $0xFF, s29;
	s7 =	ssub.s32 @!p1 s1, s7;
	v8 =	vld [tilespmem:s18+$0x15DC0]  }
0x219: {  	s15 =	sand.u32 @!p1 $0xFF, s7;
	s14 =	smul.u32 $0x29, s20  }
0x21a: {  	p0 =	sne.s32 @!p1 s15, $0x0  }
0x21b: {  	p2 =	por p0, p1;
	s21 =	sshrl.u32 s14, $0xA  }
0x21c: {  	s1 =	sand.u32 @!p2 $0xFF, s1;
	s7 =	smul.u32 $0x19, s21  }
0x21d: {  	p0 =	por !p0, p1;
	s1 =	smul.u32 @!p2 $0x29, s1;
	v8 =	vadd.s32 v0, v8  }
0x21e: {  	s20 =	simm.s32 $0x4;
	s15 =	simm.s32 @p0 $0x0;
	[tilespmem:$0x16DC0] =	vst v8  }
0x21f: {  	s15 =	simm.s32 @p1 $0x1;
	s30 =	ssub.s32 $0x4, s7;
	s1 =	sshrl.u32 @!p2 s1, $0xA;
	v8 =	vld [tilespmem:s18+$0x165C0]  }
.LBB2_20:
0x220: {  	s5 =	smul.u32 @!p2 $0x7D0, s1;
	s1 =	smov.u32 s29;
	s29 =	sadd.s32 $0x2, s29  }
0x221: {  	s7 =	sand.u32 $0xFF, s29  }
0x222: {  	s7 =	smul.u32 $0x29, s7;
	_ =	sdelay $0x1  }
0x223: {  	[tilespmem:$0x16E40] =	vst v8;
	s7 =	sshrl.u32 s7, $0xA  }
0x224: {  	[tilespmem:s0], [sflag:$0x1] =	stream.indirect.gather [hbm4b:s9+s13], $0x80, s11, s13, $0xb8;
	[tilespmem:$0x1EF80] =	vst v63  }
0x225: {  	s7 =	smul.u32 $0x19, s7;
	_ =	swait.ge [sflag:s4], $0x2800  }
0x226: {  	[sflag:s4] =	ssyncset.done $0x0;
	s21 =	rddreg [dreg:$0x8]  }
0x227: {  	s14 =	ssub.s32 s29, s7;
	s7 =	simm.s32 @!p1 $0x4;
	[sflag:s4] =	ssyncadd.s32 $0xFFFFD800  }
0x228: {  	[spmem:s6] =	stream.indirect.scatter.add.f32 [tilespmem:s12], [sflag:$0x4], $0x80, s21, s13, $0xb8;
	[tilespmem:$0x1EF80] =	vst v63  }
0x229: {  	s8 =	simm.s32 @!p2 $0x0;
	s5 =	sadd.s32 @!p2 s16, s5;
	_ =	swait.ge @!p1 [sflag:s7], $0x2800  }
0x22a: {  	s18 =	simm.s32 @!p2 $0x15D80;
	s5 =	sshrl.u32 @!p2 s5, $0x3;
	[sflag:s7] =	ssyncset.done @!p1 $0x0  }
0x22b: {  	s17 =	sadd.s32 @!p2 s2, s5;
	[sflag:s7] =	ssyncadd.s32 @!p1 $0xFFFFD800;
	s7 =	simm.s32 @!p2 $0xA  }
0x22c: {  	[tilespmem:s18], [sflag:$0xA] =	stream.linear.gather @!p2 [hbm4b:s17+s8], $0x7D0, $0x38;
	[tilespmem:$0x1EF80] =	vst v63  }
0x22d: {  	_ =	swait.ge @!p2 [sflag:s7], $0x7D0  }
0x22e: {  	[sflag:s7] =	ssyncset.done @!p2 $0x0  }
0x22f: {  	s5 =	sadd.s32 @!p2 s3, s5;
	s17 =	simm.s32 @!p2 $0x16580;
	[sflag:s7] =	ssyncadd.s32 @!p2 $0xFFFFF830  }
0x230: {  	[tilespmem:s17], [sflag:$0xA] =	stream.linear.gather @!p2 [hbm4b:s5+s8], $0x7D0, $0x38;
	[tilespmem:$0x1EF80] =	vst v63  }
0x231: {  	_ =	swait.ge @!p2 [sflag:s7], $0x7D0  }
0x232: {  	s15 =	smul.u32 $0x50, s15;
	[sflag:s7] =	ssyncset.done @!p2 $0x0  }
0x233: {  	[sflag:s7] =	ssyncadd.s32 @!p2 $0xFFFFF830  }
0x234: {  	v8 =	vld [tilespmem:s15+$0x15D80];
	_ =	sdelay $0x4  }
0x235: {  	v8 =	vadd.s32 v0, v8  }
0x236: {  	[tilespmem:$0x16E80] =	vst v8  }
0x237: {  	v8 =	vld [tilespmem:s15+$0x16580];
	_ =	sdelay $0x4  }
0x238: {  	[tilespmem:$0x16F00] =	vst v8  }
0x239: {  	v8 =	vld [tilespmem:s15+$0x15D90];
	_ =	sdelay $0x4  }
0x23a: {  	v8 =	vadd.s32 v0, v8  }
0x23b: {  	[tilespmem:$0x16E90] =	vst v8  }
0x23c: {  	v8 =	vld [tilespmem:s15+$0x16590];
	_ =	sdelay $0x4  }
0x23d: {  	[tilespmem:$0x16F10] =	vst v8  }
0x23e: {  	v8 =	vld [tilespmem:s15+$0x15DA0];
	_ =	sdelay $0x4  }
0x23f: {  	v8 =	vadd.s32 v0, v8  }
0x240: {  	[tilespmem:$0x16EA0] =	vst v8  }
0x241: {  	v8 =	vld [tilespmem:s15+$0x165A0];
	_ =	sdelay $0x4  }
0x242: {  	[tilespmem:$0x16F20] =	vst v8  }
0x243: {  	v8 =	vld [tilespmem:s15+$0x15DB0];
	_ =	sdelay $0x4  }
0x244: {  	v8 =	vadd.s32 v0, v8  }
0x245: {  	[tilespmem:$0x16EB0] =	vst v8  }
0x246: {  	v8 =	vld [tilespmem:s15+$0x165B0];
	_ =	sdelay $0x4  }
0x247: {  	[tilespmem:$0x16F30] =	vst v8  }
0x248: {  	v8 =	vld [tilespmem:s15+$0x15DC0];
	_ =	sdelay $0x4  }
0x249: {  	v8 =	vadd.s32 v0, v8  }
0x24a: {  	[tilespmem:$0x16EC0] =	vst v8  }
0x24b: {  	s18 =	sand.u32 $0xFF, s30;
	v8 =	vld [tilespmem:s15+$0x165C0]  }
0x24c: {  	p1 =	sne.s32 s18, $0x0  }
0x24d: {  	s8 =	sand.u32 @!p1 $0xFF, s20  }
0x24e: {  	s8 =	smul.u32 @!p1 $0x29, s8;
	_ =	sdelay $0x1  }
0x24f: {  	s17 =	rddreg [dreg:$0x7];
	s8 =	sshrl.u32 @!p1 s8, $0xA;
	[tilespmem:$0x16F40] =	vst v8  }
0x250: {  	[tilespmem:s12], [sflag:$0x2] =	stream.indirect.gather [hbm4b:s9+s13], $0x80, s17, s13, $0xb8;
	[tilespmem:$0x1EF80] =	vst v63  }
0x251: {  	s8 =	smul.u32 @!p1 $0x7D0, s8;
	_ =	swait.ge [sflag:s31], $0x2800  }
0x252: {  	[sflag:s31] =	ssyncset.done $0x0  }
0x253: {  	s5 =	sadd.s32 @!p1 s16, s8;
	[sflag:s31] =	ssyncadd.s32 $0xFFFFD800  }
0x254: {  	[spmem:s6] =	stream.indirect.scatter.add.f32 [tilespmem:s0], [sflag:$0x3], $0x80, s26, s13, $0xb8;
	[tilespmem:$0x1EF80] =	vst v63  }
0x255: {  	s30 =	smov.u32 s14;
	s5 =	sshrl.u32 @!p1 s5, $0x3;
	_ =	swait.ge [sflag:s28], $0x2800  }
0x256: {  	s14 =	simm.s32 @!p1 $0x0;
	s8 =	sadd.s32 @!p1 s2, s5;
	[sflag:s28] =	ssyncset.done $0x0  }
0x257: {  	s15 =	simm.s32 @!p1 $0xA;
	s17 =	simm.s32 @!p1 $0x15D80;
	[sflag:s28] =	ssyncadd.s32 $0xFFFFD800  }
0x258: {  	[tilespmem:s17], [sflag:$0xA] =	stream.linear.gather @!p1 [hbm4b:s8+s14], $0x7D0, $0x38;
	[tilespmem:$0x1EF80] =	vst v63  }
0x259: {  	_ =	swait.ge @!p1 [sflag:s15], $0x7D0  }
0x25a: {  	[sflag:s15] =	ssyncset.done @!p1 $0x0  }
0x25b: {  	s5 =	sadd.s32 @!p1 s3, s5;
	s8 =	simm.s32 @!p1 $0x16580;
	[sflag:s15] =	ssyncadd.s32 @!p1 $0xFFFFF830  }
0x25c: {  	[tilespmem:s8], [sflag:$0xA] =	stream.linear.gather @!p1 [hbm4b:s5+s14], $0x7D0, $0x38;
	[tilespmem:$0x1EF80] =	vst v63  }
0x25d: {  	_ =	swait.ge @!p1 [sflag:s15], $0x7D0  }
0x25e: {  	s21 =	smul.u32 $0x50, s18;
	[sflag:s15] =	ssyncset.done @!p1 $0x0  }
0x25f: {  	[sflag:s15] =	ssyncadd.s32 @!p1 $0xFFFFF830  }
0x260: {  	v8 =	vld [tilespmem:s21+$0x15D80];
	_ =	sdelay $0x4  }
0x261: {  	v8 =	vadd.s32 v0, v8  }
0x262: {  	[tilespmem:$0x16D80] =	vst v8  }
0x263: {  	v8 =	vld [tilespmem:s21+$0x16580];
	_ =	sdelay $0x4  }
0x264: {  	[tilespmem:$0x16E00] =	vst v8  }
0x265: {  	v8 =	vld [tilespmem:s21+$0x15D90];
	_ =	sdelay $0x4  }
0x266: {  	v8 =	vadd.s32 v0, v8  }
0x267: {  	[tilespmem:$0x16D90] =	vst v8  }
0x268: {  	v8 =	vld [tilespmem:s21+$0x16590];
	_ =	sdelay $0x4  }
0x269: {  	[tilespmem:$0x16E10] =	vst v8  }
0x26a: {  	v8 =	vld [tilespmem:s21+$0x15DA0];
	_ =	sdelay $0x4  }
0x26b: {  	v8 =	vadd.s32 v0, v8  }
0x26c: {  	[tilespmem:$0x16DA0] =	vst v8  }
0x26d: {  	v8 =	vld [tilespmem:s21+$0x165A0];
	_ =	sdelay $0x4  }
0x26e: {  	[tilespmem:$0x16E20] =	vst v8  }
0x26f: {  	v8 =	vld [tilespmem:s21+$0x15DB0];
	_ =	sdelay $0x4  }
0x270: {  	p1 =	seq.s32 s1, $0x0;
	v8 =	vadd.s32 v0, v8  }
0x271: {  	s1 =	sor.u32 @!p1 $0x1, s1;
	[tilespmem:$0x16DB0] =	vst v8  }
0x272: {  	s5 =	sand.u32 @!p1 $0xFF, s1;
	v8 =	vld [tilespmem:s21+$0x165B0]  }
0x273: {  	s5 =	smul.u32 @!p1 $0x29, s5;
	_ =	sdelay $0x1  }
0x274: {  	s5 =	sshrl.u32 @!p1 s5, $0xA  }
0x275: {  	s5 =	smul.u32 @!p1 $0x19, s5  }
0x276: {  	[tilespmem:$0x16E30] =	vst v8  }
0x277: {  	s5 =	ssub.s32 @!p1 s1, s5;
	v8 =	vld [tilespmem:s21+$0x15DC0]  }
0x278: {  	s15 =	sand.u32 @!p1 $0xFF, s5  }
0x279: {  	p0 =	sne.s32 s29, $0x7C;
	p3 =	sne.s32 @!p1 s15, $0x0  }
.Ltmp9:
0x27a: {  	p2 =	por p3, p1;
	(pc) =	sbr.rel @p0 .LBB2_20-.Ltmp9, $4  }
0x27b: {  	s1 =	sand.u32 @!p2 $0xFF, s1  }
0x27c: {  	p3 =	por !p3, p1;
	s1 =	smul.u32 @!p2 $0x29, s1;
	v8 =	vadd.s32 v0, v8  }
0x27d: {  	s15 =	simm.s32 @p3 $0x0;
	[tilespmem:$0x16DC0] =	vst v8  }
0x27e: {  	s20 =	smov.u32 s29;
	s15 =	simm.s32 @p1 $0x1;
	s1 =	sshrl.u32 @!p2 s1, $0xA;
	v8 =	vld [tilespmem:s21+$0x165C0]  }
0x27f: {  	_ =	sdelay $0x3  }
0x280: {  	[tilespmem:$0x16E40] =	vst v8  }
0x281: {  	[tilespmem:s0], [sflag:$0x1] =	stream.indirect.gather [hbm4b:s9+s13], $0x80, s11, s13, $0xb8;
	[tilespmem:$0x1EF80] =	vst v63  }
0x282: {  	_ =	swait.ge [sflag:s4], $0x2800  }
0x283: {  	s1 =	smul.u32 @!p2 $0x7D0, s1;
	[sflag:s4] =	ssyncset.done $0x0  }
0x284: {  	s7 =	simm.s32 @!p1 $0x4;
	s5 =	rddreg [dreg:$0x8];
	[sflag:s4] =	ssyncadd.s32 $0xFFFFD800  }
0x285: {  	[spmem:s6] =	stream.indirect.scatter.add.f32 [tilespmem:s12], [sflag:$0x4], $0x80, s5, s13, $0xb8;
	[tilespmem:$0x1EF80] =	vst v63  }
0x286: {  	s8 =	simm.s32 @!p2 $0x0;
	s1 =	sadd.s32 @!p2 s16, s1;
	_ =	swait.ge @!p1 [sflag:s7], $0x2800  }
0x287: {  	s14 =	simm.s32 @!p2 $0x15D80;
	s1 =	sshrl.u32 @!p2 s1, $0x3;
	[sflag:s7] =	ssyncset.done @!p1 $0x0  }
0x288: {  	s5 =	sadd.s32 @!p2 s2, s1;
	[sflag:s7] =	ssyncadd.s32 @!p1 $0xFFFFD800;
	s7 =	simm.s32 @!p2 $0xA  }
0x289: {  	[tilespmem:s14], [sflag:$0xA] =	stream.linear.gather @!p2 [hbm4b:s5+s8], $0x7D0, $0x38;
	[tilespmem:$0x1EF80] =	vst v63  }
0x28a: {  	_ =	swait.ge @!p2 [sflag:s7], $0x7D0  }
0x28b: {  	[sflag:s7] =	ssyncset.done @!p2 $0x0  }
0x28c: {  	s1 =	sadd.s32 @!p2 s3, s1;
	s5 =	simm.s32 @!p2 $0x16580;
	[sflag:s7] =	ssyncadd.s32 @!p2 $0xFFFFF830  }
0x28d: {  	[tilespmem:s5], [sflag:$0xA] =	stream.linear.gather @!p2 [hbm4b:s1+s8], $0x7D0, $0x38;
	[tilespmem:$0x1EF80] =	vst v63  }
0x28e: {  	_ =	swait.ge @!p2 [sflag:s7], $0x7D0  }
0x28f: {  	s21 =	smul.u32 $0x50, s15;
	[sflag:s7] =	ssyncset.done @!p2 $0x0  }
0x290: {  	[sflag:s7] =	ssyncadd.s32 @!p2 $0xFFFFF830  }
0x291: {  	v8 =	vld [tilespmem:s21+$0x15D80];
	_ =	sdelay $0x4  }
0x292: {  	v8 =	vadd.s32 v0, v8  }
0x293: {  	[tilespmem:$0x16E80] =	vst v8  }
0x294: {  	v8 =	vld [tilespmem:s21+$0x16580];
	_ =	sdelay $0x4  }
0x295: {  	[tilespmem:$0x16F00] =	vst v8  }
0x296: {  	v8 =	vld [tilespmem:s21+$0x15D90];
	_ =	sdelay $0x4  }
0x297: {  	v8 =	vadd.s32 v0, v8  }
0x298: {  	[tilespmem:$0x16E90] =	vst v8  }
0x299: {  	v8 =	vld [tilespmem:s21+$0x16590];
	_ =	sdelay $0x4  }
0x29a: {  	[tilespmem:$0x16F10] =	vst v8  }
0x29b: {  	v8 =	vld [tilespmem:s21+$0x15DA0];
	_ =	sdelay $0x4  }
0x29c: {  	v8 =	vadd.s32 v0, v8  }
0x29d: {  	[tilespmem:$0x16EA0] =	vst v8  }
0x29e: {  	v8 =	vld [tilespmem:s21+$0x165A0];
	_ =	sdelay $0x4  }
0x29f: {  	[tilespmem:$0x16F20] =	vst v8  }
0x2a0: {  	v8 =	vld [tilespmem:s21+$0x15DB0];
	_ =	sdelay $0x4  }
0x2a1: {  	v8 =	vadd.s32 v0, v8  }
0x2a2: {  	[tilespmem:$0x16EB0] =	vst v8  }
0x2a3: {  	v8 =	vld [tilespmem:s21+$0x165B0];
	_ =	sdelay $0x4  }
0x2a4: {  	[tilespmem:$0x16F30] =	vst v8  }
0x2a5: {  	v8 =	vld [tilespmem:s21+$0x15DC0];
	_ =	sdelay $0x4  }
0x2a6: {  	v8 =	vadd.s32 v0, v8  }
0x2a7: {  	[tilespmem:$0x16EC0] =	vst v8  }
0x2a8: {  	v8 =	vld [tilespmem:s21+$0x165C0];
	_ =	sdelay $0x1  }
0x2a9: {  	s30 =	sand.u32 $0xFF, s30  }
0x2aa: {  	p0 =	sne.s32 s30, $0x0  }
0x2ab: {  	s1 =	sand.u32 @!p0 $0xFF, s20  }
0x2ac: {  	s1 =	smul.u32 @!p0 $0x29, s1;
	s15 =	rddreg [dreg:$0x7];
	[tilespmem:$0x16F40] =	vst v8  }
0x2ad: {  	[tilespmem:s12], [sflag:$0x2] =	stream.indirect.gather [hbm4b:s9+s13], $0x80, s15, s13, $0xb8;
	[tilespmem:$0x1EF80] =	vst v63  }
0x2ae: {  	_ =	swait.ge [sflag:s31], $0x2800  }
0x2af: {  	s1 =	sshrl.u32 @!p0 s1, $0xA;
	[sflag:s31] =	ssyncset.done $0x0  }
0x2b0: {  	s1 =	smul.u32 @!p0 $0x7D0, s1;
	[sflag:s31] =	ssyncadd.s32 $0xFFFFD800  }
0x2b1: {  	[spmem:s6] =	stream.indirect.scatter.add.f32 [tilespmem:s0], [sflag:$0x3], $0x80, s26, s13, $0xb8;
	[tilespmem:$0x1EF80] =	vst v63  }
0x2b2: {  	s14 =	simm.s32 @!p0 $0x0;
	s1 =	sadd.s32 @!p0 s16, s1;
	_ =	swait.ge [sflag:s28], $0x2800  }
0x2b3: {  	s8 =	simm.s32 @!p0 $0xA;
	s1 =	sshrl.u32 @!p0 s1, $0x3;
	[sflag:s28] =	ssyncset.done $0x0  }
0x2b4: {  	s7 =	sadd.s32 @!p0 s2, s1;
	s15 =	simm.s32 @!p0 $0x15D80;
	[sflag:s28] =	ssyncadd.s32 $0xFFFFD800  }
0x2b5: {  	[tilespmem:s15], [sflag:$0xA] =	stream.linear.gather @!p0 [hbm4b:s7+s14], $0x7D0, $0x38;
	[tilespmem:$0x1EF80] =	vst v63  }
0x2b6: {  	_ =	swait.ge @!p0 [sflag:s8], $0x7D0  }
0x2b7: {  	[sflag:s8] =	ssyncset.done @!p0 $0x0  }
0x2b8: {  	s1 =	sadd.s32 @!p0 s3, s1;
	s7 =	simm.s32 @!p0 $0x16580;
	[sflag:s8] =	ssyncadd.s32 @!p0 $0xFFFFF830  }
0x2b9: {  	[tilespmem:s7], [sflag:$0xA] =	stream.linear.gather @!p0 [hbm4b:s1+s14], $0x7D0, $0x38;
	[tilespmem:$0x1EF80] =	vst v63  }
0x2ba: {  	_ =	swait.ge @!p0 [sflag:s8], $0x7D0  }
0x2bb: {  	s17 =	smul.u32 $0x50, s30;
	[sflag:s8] =	ssyncset.done @!p0 $0x0  }
0x2bc: {  	[sflag:s8] =	ssyncadd.s32 @!p0 $0xFFFFF830  }
0x2bd: {  	v8 =	vld [tilespmem:s17+$0x15D80];
	_ =	sdelay $0x4  }
0x2be: {  	v8 =	vadd.s32 v0, v8  }
0x2bf: {  	[tilespmem:$0x16D80] =	vst v8  }
0x2c0: {  	v8 =	vld [tilespmem:s17+$0x16580];
	_ =	sdelay $0x4  }
0x2c1: {  	[tilespmem:$0x16E00] =	vst v8  }
0x2c2: {  	v8 =	vld [tilespmem:s17+$0x15D90];
	_ =	sdelay $0x4  }
0x2c3: {  	v8 =	vadd.s32 v0, v8  }
0x2c4: {  	[tilespmem:$0x16D90] =	vst v8  }
0x2c5: {  	v8 =	vld [tilespmem:s17+$0x16590];
	_ =	sdelay $0x4  }
0x2c6: {  	[tilespmem:$0x16E10] =	vst v8  }
0x2c7: {  	v8 =	vld [tilespmem:s17+$0x15DA0];
	_ =	sdelay $0x4  }
0x2c8: {  	v8 =	vadd.s32 v0, v8  }
0x2c9: {  	[tilespmem:$0x16DA0] =	vst v8  }
0x2ca: {  	v8 =	vld [tilespmem:s17+$0x165A0];
	_ =	sdelay $0x4  }
0x2cb: {  	[tilespmem:$0x16E20] =	vst v8  }
0x2cc: {  	v8 =	vld [tilespmem:s17+$0x15DB0];
	_ =	sdelay $0x4  }
0x2cd: {  	v8 =	vadd.s32 v0, v8  }
0x2ce: {  	[tilespmem:$0x16DB0] =	vst v8  }
0x2cf: {  	v8 =	vld [tilespmem:s17+$0x165B0];
	_ =	sdelay $0x4  }
0x2d0: {  	[tilespmem:$0x16E30] =	vst v8  }
0x2d1: {  	v8 =	vld [tilespmem:s17+$0x15DC0];
	_ =	sdelay $0x4  }
0x2d2: {  	v8 =	vadd.s32 v0, v8  }
0x2d3: {  	[tilespmem:$0x16DC0] =	vst v8  }
0x2d4: {  	v8 =	vld [tilespmem:s17+$0x165C0];
	_ =	sdelay $0x4  }
0x2d5: {  	[tilespmem:$0x16E40] =	vst v8  }
0x2d6: {  	[tilespmem:s0], [sflag:$0x1] =	stream.indirect.gather [hbm4b:s9+s13], $0x80, s11, s13, $0xb8;
	[tilespmem:$0x1EF80] =	vst v63  }
0x2d7: {  	_ =	swait.ge [sflag:s4], $0x2800  }
0x2d8: {  	[sflag:s4] =	ssyncset.done $0x0  }
0x2d9: {  	s18 =	rddreg [dreg:$0x8];
	[sflag:s4] =	ssyncadd.s32 $0xFFFFD800  }
0x2da: {  	[spmem:s6] =	stream.indirect.scatter.add.f32 [tilespmem:s12], [sflag:$0x4], $0x80, s18, s13, $0xb8;
	[tilespmem:$0x1EF80] =	vst v63  }
0x2db: {  	_ =	swait.ge [sflag:s31], $0x2800  }
0x2dc: {  	[sflag:s31] =	ssyncset.done $0x0  }
0x2dd: {  	s20 =	simm.s32 $0x4;
	[sflag:s31] =	ssyncadd.s32 $0xFFFFD800  }
0x2de: {  	[spmem:s6] =	stream.indirect.scatter.add.f32 [tilespmem:s0], [sflag:$0x3], $0x80, s26, s13, $0xb8;
	[tilespmem:$0x1EF80] =	vst v63  }
0x2df: {  	_ =	swait.ge [sflag:s20], $0x2800  }
0x2e0: {  	[sflag:s20] =	ssyncset.done $0x0  }
0x2e1: {  	[sflag:s20] =	ssyncadd.s32 $0xFFFFD800  }
0x2e2: {  	_ =	swait.ge [sflag:s28], $0x2800  }
0x2e3: {  	[sflag:s28] =	ssyncset.done $0x0  }
0x2e4: {  	[sflag:s28] =	ssyncadd.s32 $0xFFFFD800  }
0x2e5: {  	[bflag:$0x0] =	sbarrier.arrive $0xFFFF  }
0x2e6: {  	s29 =	simm.s32 $0x0;
	s30 =	simm.s32 $0x1BF80;
	s21 =	rddreg [dreg:$0xb]  }
0x2e7: {  	s1 =	simm.s32 $0x0;
	s17 =	simm.s32 $0x1DF80;
	s8 =	rddreg [dreg:$0x0]  }
0x2e8: {  	[tilespmem:s30], [sflag:$0x6] =	stream.linear.gather [spmem:s21], $0x1000, $0x38;
	[tilespmem:$0x1EF80] =	vst v63  }
0x2e9: {  	s18 =	simm.s32 $0x0;
	s20 =	simm.s32 $0x20;
	s21 =	rddreg [dreg:$0x9]  }
.LBB2_22:
0x2ea: {  	s15 =	sshll.u32 s29, $0x6  }
0x2eb: {  	p0 =	seq.s32 s29, $0x0;
	s5 =	sadd.s32 s15, s10  }
0x2ec: {  	s7 =	simm.s32 @!p0 $0x9;
	s5 =	sadd.s32 $0x20, s5  }
0x2ed: {  	_ =	swait.ge @!p0 [sflag:s7], $0x1000;
	s14 =	sshll.u32 s5, $0x7  }
0x2ee: {  	[sflag:s7] =	ssyncset.done @!p0 $0x0;
	s5 =	sand.u32 $0x3FFFFF80, s14  }
0x2ef: {  	[sflag:s7] =	ssyncadd.s32 @!p0 $0xFFFFF000;
	s5 =	sadd.s32 s5, s6  }
0x2f0: {  	[tilespmem:s17], [sflag:$0x7] =	stream.linear.gather [spmem:s5], $0x1000, $0x38;
	[tilespmem:$0x1EF80] =	vst v63  }
0x2f1: {  	s17 =	sadd.s32 $0x0, s1;
	_ =	swait.ge [sflag:s23], $0x1000  }
0x2f2: {  	v8 =	vmov s17;
	[sflag:s23] =	ssyncset.done $0x0  }
0x2f3: {  	s30 =	simm.s32 $0x1BFC0;
	[sflag:s23] =	ssyncadd.s32 $0xFFFFF000  }
0x2f4: {  	v12 =	vld [tilespmem:s30+$0x30]  }
0x2f5: {  	v15 =	vld [tilespmem:s30+$0x10]  }
0x2f6: {  	v13 =	vld [tilespmem:s30+$0xFFFFFFC0]  }
0x2f7: {  	v9 =	vld.idx.msk [tilespmem:v8+s24+$0x0], $0xffff  }
0x2f8: {  	v17 =	vld [tilespmem:s30+$0xFFFFFFE0]  }
0x2f9: {  	v10 =	vld [tilespmem:s30+$0x20]  }
0x2fa: {  	v11 =	vld [tilespmem:s30+$0xFFFFFFD0]  }
0x2fb: {  	v8 =	vld [tilespmem:s30+$0xFFFFFFF0]  }
0x2fc: {  	v16 =	vmul.f32 v12, v9;
	v12 =	vld [tilespmem:s30+$0x0]  }
0x2fd: {  	v14 =	vmul.f32 v13, v9  }
0x2fe: {  	s5 =	simm.s32 $0x1;
	s17 =	simm.s32 $0x1BFC0;
	v13 =	vmul.f32 v17, v9;
	v15 =	vmul.f32 v15, v9  }
.LBB2_23:
0x2ff: {  	p0 =	sne.s32 s5, $0x1F  }
0x300: {  	v11 =	vmul.f32 v11, v9;
	v10 =	vmul.f32 v10, v9;
	[tilespmem:s30+$0x30] =	vst v16;
	s17 =	sadd.s32 $0x80, s17;
	s7 =	smov.u32 s5;
	s5 =	sadd.s32 $0x1, s5  }
0x301: {  	[tilespmem:s30+$0xFFFFFFC0] =	vst v14;
	v14 =	vmul.f32 v8, v9;
	v9 =	vmul.f32 v12, v9  }
0x302: {  	s7 =	sadd.s32 s7, s1;
	[tilespmem:s30+$0x10] =	vst v15  }
0x303: {  	v12 =	vmov s7;
	[tilespmem:s30+$0xFFFFFFE0] =	vst v13  }
0x304: {  	v8 =	vld [tilespmem:s17+$0xFFFFFFF0];
	[tilespmem:s30+$0xFFFFFFF0] =	vst v14  }
0x305: {  	v13 =	vld [tilespmem:s17+$0x30];
	[tilespmem:s30+$0x0] =	vst v9  }
0x306: {  	v15 =	vld [tilespmem:s17+$0x10];
	[tilespmem:s30+$0x20] =	vst v10  }
0x307: {  	v14 =	vld [tilespmem:s17+$0xFFFFFFC0];
	[tilespmem:s30+$0xFFFFFFD0] =	vst v11;
	s30 =	smov.u32 s17  }
0x308: {  	v9 =	vld.idx.msk [tilespmem:v12+s24+$0x0], $0xffff  }
0x309: {  	v17 =	vld [tilespmem:s17+$0xFFFFFFE0]  }
0x30a: {  	v10 =	vld [tilespmem:s17+$0x20]  }
.Ltmp10:
0x30b: {  	v11 =	vld [tilespmem:s17+$0xFFFFFFD0];
	(pc) =	sbr.rel @p0 .LBB2_23-.Ltmp10, $3  }
0x30c: {  	v12 =	vld [tilespmem:s17+$0x0];
	_ =	sdelay $0x1  }
0x30d: {  	v14 =	vmul.f32 v14, v9;
	v16 =	vmul.f32 v13, v9  }
0x30e: {  	v15 =	vmul.f32 v15, v9;
	v13 =	vmul.f32 v17, v9  }
0x30f: {  	[tilespmem:s30+$0x30] =	vst v16  }
0x310: {  	[tilespmem:s30+$0xFFFFFFC0] =	vst v14  }
0x311: {  	v8 =	vmul.f32 v8, v9;
	[tilespmem:s30+$0x10] =	vst v15  }
0x312: {  	s5 =	sadd.s32 s10, s15;
	v10 =	vmul.f32 v10, v9;
	[tilespmem:s30+$0xFFFFFFE0] =	vst v13  }
0x313: {  	v12 =	vmul.f32 v12, v9;
	s5 =	sshll.u32 s5, $0x7;
	[tilespmem:s30+$0xFFFFFFF0] =	vst v8  }
0x314: {  	v8 =	vmul.f32 v11, v9;
	s5 =	sadd.s32 s22, s5;
	[tilespmem:s30+$0x20] =	vst v10  }
0x315: {  	[tilespmem:s30+$0x0] =	vst v12;
	s5 =	sshrl.u32 s5, $0x3  }
0x316: {  	s7 =	simm.s32 $0x1BF80;
	p0 =	seq.s32 s29, $0x9;
	[tilespmem:s30+$0xFFFFFFD0] =	vst v8;
	s5 =	sadd.s32 s21, s5  }
0x317: {  	[hbm4b:s5+s18] =	stream.linear.scatter [tilespmem:s7], [sflag:$0x8], $0x1000, $0x38;
	[tilespmem:$0x1EF80] =	vst v63  }
0x318: {  	s5 =	simm.s32 @!p0 $0x8;
	s7 =	sadd.s32 @!p0 s15, s19  }
0x319: {  	_ =	swait.ge @!p0 [sflag:s5], $0x1000;
	s7 =	sshll.u32 @!p0 s7, $0x7  }
0x31a: {  	[sflag:s5] =	ssyncset.done @!p0 $0x0;
	s7 =	sand.u32 @!p0 $0x3FFFFF80, s7  }
0x31b: {  	[sflag:s5] =	ssyncadd.s32 @!p0 $0xFFFFF000;
	s5 =	sadd.s32 @!p0 s7, s6;
	s7 =	simm.s32 @!p0 $0x1BF80  }
0x31c: {  	[tilespmem:s7], [sflag:$0x6] =	stream.linear.gather @!p0 [spmem:s5], $0x1000, $0x38;
	[tilespmem:$0x1EF80] =	vst v63  }
0x31d: {  	s30 =	sadd.s32 $0x0, s20;
	_ =	swait.ge [sflag:s25], $0x1000  }
0x31e: {  	v8 =	vmov s30;
	[sflag:s25] =	ssyncset.done $0x0  }
0x31f: {  	s5 =	simm.s32 $0x1DFC0;
	[sflag:s25] =	ssyncadd.s32 $0xFFFFF000  }
0x320: {  	v12 =	vld [tilespmem:s5+$0x30]  }
0x321: {  	v15 =	vld [tilespmem:s5+$0x10]  }
0x322: {  	v13 =	vld [tilespmem:s5+$0xFFFFFFC0]  }
0x323: {  	v9 =	vld.idx.msk [tilespmem:v8+s24+$0x0], $0xffff  }
0x324: {  	v17 =	vld [tilespmem:s5+$0xFFFFFFE0]  }
0x325: {  	v8 =	vld [tilespmem:s5+$0xFFFFFFF0]  }
0x326: {  	v10 =	vld [tilespmem:s5+$0x20]  }
0x327: {  	v11 =	vld [tilespmem:s5+$0xFFFFFFD0]  }
0x328: {  	v16 =	vmul.f32 v12, v9;
	v12 =	vld [tilespmem:s5+$0x0]  }
0x329: {  	v14 =	vmul.f32 v13, v9  }
0x32a: {  	s17 =	simm.s32 $0x1DFC0;
	s15 =	simm.s32 $0x1;
	v13 =	vmul.f32 v17, v9;
	v15 =	vmul.f32 v15, v9  }
.LBB2_25:
0x32b: {  	p0 =	sne.s32 s15, $0x1F  }
0x32c: {  	v11 =	vmul.f32 v11, v9;
	v10 =	vmul.f32 v10, v9;
	[tilespmem:s5+$0x30] =	vst v16;
	s17 =	sadd.s32 $0x80, s17;
	s7 =	smov.u32 s15;
	s15 =	sadd.s32 $0x1, s15  }
0x32d: {  	[tilespmem:s5+$0xFFFFFFC0] =	vst v14;
	v14 =	vmul.f32 v8, v9;
	v9 =	vmul.f32 v12, v9  }
0x32e: {  	s7 =	sadd.s32 s7, s20;
	[tilespmem:s5+$0x10] =	vst v15  }
0x32f: {  	v12 =	vmov s7;
	[tilespmem:s5+$0xFFFFFFE0] =	vst v13  }
0x330: {  	v8 =	vld [tilespmem:s17+$0xFFFFFFF0];
	[tilespmem:s5+$0xFFFFFFF0] =	vst v14  }
0x331: {  	v13 =	vld [tilespmem:s17+$0x30];
	[tilespmem:s5+$0x0] =	vst v9  }
0x332: {  	v15 =	vld [tilespmem:s17+$0x10];
	[tilespmem:s5+$0x20] =	vst v10  }
0x333: {  	v14 =	vld [tilespmem:s17+$0xFFFFFFC0];
	[tilespmem:s5+$0xFFFFFFD0] =	vst v11;
	s5 =	smov.u32 s17  }
0x334: {  	v9 =	vld.idx.msk [tilespmem:v12+s24+$0x0], $0xffff  }
0x335: {  	v17 =	vld [tilespmem:s17+$0xFFFFFFE0]  }
0x336: {  	v10 =	vld [tilespmem:s17+$0x20]  }
.Ltmp11:
0x337: {  	v11 =	vld [tilespmem:s17+$0xFFFFFFD0];
	(pc) =	sbr.rel @p0 .LBB2_25-.Ltmp11, $3  }
0x338: {  	v12 =	vld [tilespmem:s17+$0x0];
	_ =	sdelay $0x1  }
0x339: {  	v14 =	vmul.f32 v14, v9;
	v16 =	vmul.f32 v13, v9  }
0x33a: {  	v15 =	vmul.f32 v15, v9;
	v13 =	vmul.f32 v17, v9  }
0x33b: {  	[tilespmem:s5+$0x30] =	vst v16  }
0x33c: {  	[tilespmem:s5+$0xFFFFFFC0] =	vst v14  }
0x33d: {  	v8 =	vmul.f32 v8, v9;
	s29 =	sadd.s32 $0x1, s29;
	[tilespmem:s5+$0x10] =	vst v15  }
0x33e: {  	v10 =	vmul.f32 v10, v9;
	[tilespmem:s5+$0xFFFFFFE0] =	vst v13;
	p0 =	sne.s32 s29, $0xA  }
.Ltmp12:
0x33f: {  	v12 =	vmul.f32 v12, v9;
	[tilespmem:s5+$0xFFFFFFF0] =	vst v8;
	(pc) =	sbr.rel @p0 .LBB2_22-.Ltmp12, $4  }
0x340: {  	s7 =	sadd.s32 s22, s14;
	v8 =	vmul.f32 v11, v9;
	[tilespmem:s5+$0x20] =	vst v10  }
0x341: {  	s17 =	simm.s32 $0x1DF80;
	s7 =	sshrl.u32 s7, $0x3;
	[tilespmem:s5+$0x0] =	vst v12  }
0x342: {  	s1 =	sadd.s32 $0x40, s1;
	s20 =	sadd.s32 $0x40, s20;
	s30 =	sadd.s32 s21, s7;
	[tilespmem:s5+$0xFFFFFFD0] =	vst v8  }
0x343: {  	[hbm4b:s30+s18] =	stream.linear.scatter [tilespmem:s17], [sflag:$0x9], $0x1000, $0x38;
	[tilespmem:$0x1EF80] =	vst v63  }
0x344: {  	s1 =	simm.s32 $0x8  }
0x345: {  	_ =	swait.ge [sflag:s1], $0x1000  }
0x346: {  	[sflag:s1] =	ssyncset.done $0x0  }
0x347: {  	s5 =	simm.s32 $0x9;
	[sflag:s1] =	ssyncadd.s32 $0xFFFFF000  }
0x348: {  	_ =	swait.ge [sflag:s5], $0x1000  }
0x349: {  	s7 =	sld [smem:$0x7F6];
	_ =	sdelay $0x2  }
0x34a: {  	s21 =	rddreg [dreg:$0x13];
	s7 =	sadd.s32 $0x1, s7  }
0x34b: {  	p0 =	sne.s32 s7, s21  }
.Ltmp13:
0x34c: {  	_ = 	snop;
	(pc) =	sbr.rel @p0 .LBB2_1-.Ltmp13, $4  }
0x34d: {  	_ = 	snop  }
0x34e: {  	s20 =	rddreg [dreg:$0xa]  }
0x34f: {  	[sflag:s5] =	ssyncset.done $0x0;
	s29 =	rddreg [dreg:$0xd]  }
0x350: {  	s30 =	rddreg [dreg:$0xe];
	[sflag:s5] =	ssyncadd.s32 $0xFFFFF000  }
0x351: {  	_ =	sfence.sel $0x180000  }
0x352: {  	[bflag:$0x0] =	sbarrier.arrive $0xFFFF  }
0x353: {  	_ =	strace $0x90000047  }
0x354: {  	s0 =	stileid.u32;
	[bflag:$0x2] =	sbarrier.arrive $0xFFFF  }
0x355: {  	p0 =	sne.s32 s0, $0x0;
	s0 =	rddreg [dreg:$0x6]  }
0x356: {  	s0 =	sadd.s32 @!p0 $0x100000, s0  }
0x357: {  	[sflag:s0] =	ssyncadd.tile.s32 @!p0 $0x1;
	_ =	shalt  }
.Lfunc_end2:
_tile_overlayer_lowered:
.L_overlay_start_2:
0x358: {  	(tag) =	ssettag $0x2  }
0x359: {  	s0 =	rddreg [dreg:$0x0];
	s2 =	stileid.u32  }
0x35a: {  	s1 =	rddreg [dreg:$0x1];
	p0 =	sne.s32 s2, $0x0  }
0x35b: {  	s3 =	rddreg [dreg:$0x2];
	[bflag:$0x3] =	sbarrier.arrive $0xFFFF;
	s2 =	simm.s32 @!p0 $0x1C0A  }
0x35c: {  	[timem:s3], [sflag:s2] =	dma.local @!p0 [hbm:s0], s1  }
0x35d: {  	s0 =	simm.s32 @!p0 $0xA  }
0x35e: {  	_ =	swait.ge @!p0 [sflag:s0], s1  }
0x35f: {  	s1 =	ssub.s32 @!p0 $0x0, s1;
	[sflag:s0] =	ssyncset.done @!p0 $0x0  }
0x360: {  	[sflag:s0] =	ssyncadd.s32 @!p0 s1  }
0x361: {  	[bflag:$0x3] =	sbarrier.arrive $0xFFFF  }
0x362: {  	_ =	shalt  }

</sc_bundles>
